<compile_context>
chip_gen: v7x
topology: tpu7x:2x2x1
jax: 0.10.2.dev20260603
libtpu: 0.0.44.dev20260713+nightly
codegen_flags: <defaults>
</compile_context>

<pallas_src>
import jax
import jax.numpy as jnp
from jax import lax
from jax.experimental import pallas as pl
from jax.experimental.pallas import tpu as pltpu
from jax.experimental.pallas import tpu_sc as plsc

N = 10000
E = 160000
H = 256
NP = 10240
EP = 163840
HALF = NP // 2
NDUMP = 256
F = 512
HC = 128
NCH = F // HC

_mesh = plsc.VectorSubcoreMesh(
    core_axis_name="c", subcore_axis_name="s", num_cores=2, num_subcores=16
)


def _deg_body(ed_hbm, out_hbm, src_v, dst_v, ones_v, zero_v,
              dego_sm, degi_sm):
    cid = lax.axis_index("c")
    sid = lax.axis_index("s")
    w = cid * 16 + sid

    for k in range(40):
        zero_v[pl.ds(k * 16, 16)] = jnp.zeros((16,), jnp.float32)

    pltpu.sync_copy(zero_v, dego_sm.at[pl.ds(sid * 640, 640)])
    pltpu.sync_copy(zero_v, degi_sm.at[pl.ds(sid * 640, 640)])

    pltpu.sync_copy(ed_hbm.at[0, w], src_v)
    pltpu.sync_copy(ed_hbm.at[1, w], dst_v)

    def _ones(j, _):
        ones_v[pl.ds(j * 16, 16)] = jnp.full((16,), 1.0, jnp.float32)
        return 0

    lax.fori_loop(0, 320, _ones, 0)

    plsc.subcore_barrier()

    pltpu.sync_copy(ones_v, dego_sm.at[src_v], add=True)
    pltpu.sync_copy(ones_v, degi_sm.at[dst_v], add=True)

    plsc.subcore_barrier()

    pltpu.sync_copy(dego_sm.at[pl.ds(sid * 640, 640)],
                    out_hbm.at[cid, 0, pl.ds(sid * 640, 640)])
    pltpu.sync_copy(degi_sm.at[pl.ds(sid * 640, 640)],
                    out_hbm.at[cid, 1, pl.ds(sid * 640, 640)])


_deg_kernel = pl.kernel(
    _deg_body,
    out_type=jax.ShapeDtypeStruct((2, 2, NP), jnp.float32),
    mesh=_mesh,
    scratch_types=[
        pltpu.VMEM((5120,), jnp.int32),
        pltpu.VMEM((5120,), jnp.int32),
        pltpu.VMEM((5120,), jnp.float32),
        pltpu.VMEM((640,), jnp.float32),
        pltpu.VMEM_SHARED((NP,), jnp.float32),
        pltpu.VMEM_SHARED((NP,), jnp.float32),
    ],
)


AR = 10112
SR = AR // 16


def _edge_body(x0_hbm, x1_hbm, x2_hbm, x3_hbm, ed_hbm, z_hbm,
               o0_hbm, o1_hbm, o2_hbm, o3_hbm,
               idx_v, rows_a, rows_b, acc_sm, gsa, gsb):
    cid = lax.axis_index("c")
    sid = lax.axis_index("s")

    def _run_chunk(x_hbm, o_hbm):
        pltpu.sync_copy(z_hbm, acc_sm.at[pl.ds(sid * SR, SR)])
        plsc.subcore_barrier()

        for h in range(2):
            pltpu.sync_copy(ed_hbm.at[0, sid, h], idx_v.at[pl.ds(0, 40)])
            pltpu.sync_copy(ed_hbm.at[1, sid, h], idx_v.at[pl.ds(40, 40)])

            pltpu.async_copy(x_hbm.at[idx_v.at[0]], rows_a, gsa)

            def _edge(t, _):
                j = 2 * t
                pltpu.make_async_copy(x_hbm.at[idx_v.at[j]], rows_a,
                                      gsa).wait()
                pltpu.async_copy(x_hbm.at[idx_v.at[j + 1]], rows_b, gsb)
                pltpu.sync_copy(rows_a, acc_sm.at[idx_v.at[40 + j]], add=True)
                pltpu.make_async_copy(x_hbm.at[idx_v.at[j + 1]], rows_b,
                                      gsb).wait()

                @pl.when(t < 19)
                def _():
                    pltpu.async_copy(x_hbm.at[idx_v.at[j + 2]], rows_a, gsa)

                pltpu.sync_copy(rows_b, acc_sm.at[idx_v.at[41 + j]], add=True)
                return 0

            lax.fori_loop(0, 20, _edge, 0)

        plsc.subcore_barrier()

        pltpu.sync_copy(acc_sm.at[pl.ds(sid * SR, SR)],
                        o_hbm.at[pl.ds(sid * SR, SR)])

    for k in range(2):
        @pl.when(cid == 0)
        def _():
            _run_chunk((x0_hbm, x1_hbm)[k], (o0_hbm, o1_hbm)[k])

        @pl.when(cid == 1)
        def _():
            _run_chunk((x2_hbm, x3_hbm)[k], (o2_hbm, o3_hbm)[k])


_edge_kernel = pl.kernel(
    _edge_body,
    out_type=[jax.ShapeDtypeStruct((AR, HC), jnp.float32)
              for _ in range(NCH)],
    mesh=_mesh,
    scratch_types=[
        pltpu.VMEM((80, 128), jnp.int32),
        pltpu.VMEM((128, HC), jnp.float32),
        pltpu.VMEM((128, HC), jnp.float32),
        pltpu.VMEM_SHARED((AR, HC), jnp.float32),
        pltpu.SemaphoreType.DMA,
        pltpu.SemaphoreType.DMA,
    ],
)


NB = 1000
NBLK = N // NB


def _tc1_body(q_ref, p_ref, wq_ref, wp_ref, deg_ref, x0_ref, x1_ref, x2_ref,
              x3_ref):
    d = deg_ref[:, 0] + deg_ref[:, 1]
    no = jnp.where(d > 0, lax.rsqrt(d), 0.0).reshape(NB, 1)
    xq = jnp.dot(q_ref[...].astype(jnp.bfloat16),
                 wq_ref[...].astype(jnp.bfloat16),
                 preferred_element_type=jnp.float32) * no
    xp = jnp.dot(p_ref[...].astype(jnp.bfloat16),
                 wp_ref[...].astype(jnp.bfloat16),
                 preferred_element_type=jnp.float32) * no
    x0_ref[...] = xq[:, 0:HC]
    x1_ref[...] = xq[:, HC:H]
    x2_ref[...] = xp[:, 0:HC]
    x3_ref[...] = xp[:, HC:H]


def _tc2_body(a0_ref, a1_ref, a2_ref, a3_ref, deg_ref, bqp_ref, w1_ref,
              b1_ref, w2_ref, b2_ref, out_ref):
    i = pl.program_id(0)
    d = deg_ref[:, 2] + deg_ref[:, 3]
    ni = jnp.where(d > 0, lax.rsqrt(d), 0.0).reshape(NB, 1)
    pre = b1_ref[...]
    for k, a_ref in enumerate((a0_ref, a1_ref, a2_ref, a3_ref)):
        zk = a_ref[...] * ni + bqp_ref[:, k * HC:(k + 1) * HC]
        pre = pre + jnp.dot(zk.astype(jnp.bfloat16),
                            w1_ref[k * HC:(k + 1) * HC].astype(jnp.bfloat16),
                            preferred_element_type=jnp.float32)
    h = jnp.tanh(pre)
    y = jnp.dot(h.astype(jnp.bfloat16), w2_ref[...].astype(jnp.bfloat16),
                preferred_element_type=jnp.float32) + b2_ref[...]
    s = jnp.sum(y * y)

    @pl.when(i == 0)
    def _():
        out_ref[0, 0] = 0.0

    out_ref[0, 0] += 0.5 * s


def kernel(q, p, edge_index, Wq, bq, Wp, bp, W1, b1, W2, b2):
    ar = jnp.arange(EP - E, dtype=jnp.int32)
    pad_hi = N + ar % (NP - N)
    edd = jnp.concatenate([edge_index, jnp.stack([pad_hi, pad_hi])], axis=1)
    ede = jnp.concatenate(
        [edge_index, jnp.stack([ar % N, N + ar % (AR - N)])], axis=1)
    ed32 = edd.reshape(2, 32, 5120)
    ed16 = ede.reshape(2, 16, 2, 40, 128)
    zrows = jnp.zeros((SR, HC), jnp.float32)
    bqp = jnp.concatenate([bq, bp]).reshape(1, F)

    degp = _deg_kernel(ed32)
    degt = jnp.transpose(degp, (2, 1, 0)).reshape(NP, 4)

    x4 = pl.pallas_call(
        _tc1_body,
        grid=(NBLK,),
        in_specs=[
            pl.BlockSpec((NB, H), lambda i: (i, 0)),
            pl.BlockSpec((NB, H), lambda i: (i, 0)),
            pl.BlockSpec((H, H), lambda i: (0, 0)),
            pl.BlockSpec((H, H), lambda i: (0, 0)),
            pl.BlockSpec((NB, 4), lambda i: (i, 0)),
        ],
        out_specs=[pl.BlockSpec((NB, HC), lambda i: (i, 0))
                   for _ in range(NCH)],
        out_shape=[jax.ShapeDtypeStruct((N, HC), jnp.float32)
                   for _ in range(NCH)],
    )(q, p, Wq, Wp, degt)

    agg0, agg1, agg2, agg3 = _edge_kernel(x4[0], x4[1], x4[2], x4[3],
                                          ed16, zrows)

    hs = pl.pallas_call(
        _tc2_body,
        grid=(NBLK,),
        in_specs=[pl.BlockSpec((NB, HC), lambda i: (i, 0))
                  for _ in range(NCH)] + [
            pl.BlockSpec((NB, 4), lambda i: (i, 0)),
            pl.BlockSpec((1, F), lambda i: (0, 0)),
            pl.BlockSpec((F, H), lambda i: (0, 0)),
            pl.BlockSpec((H,), lambda i: (0,)),
            pl.BlockSpec((H, H), lambda i: (0, 0)),
            pl.BlockSpec((H,), lambda i: (0,)),
        ],
        out_specs=pl.BlockSpec((1, 1), lambda i: (0, 0),
                               memory_space=pltpu.SMEM),
        out_shape=jax.ShapeDtypeStruct((1, 1), jnp.float32),
    )(agg0, agg1, agg2, agg3, degt, bqp, W1, b1, W2, b2)

    return hs[0, 0]

# --- scband reference (transcript-rebuilt; emitter-appended) ---
"""Pipeline reference for scband-energy-net-18047452578206 (READ-ONLY COPY).

The authoritative reference and input builder live on the scoring server;
editing this copy changes nothing except your own understanding.
"""

import jax, jax.numpy as jnp
import numpy as np

N = 10000
E = 160000
H = 256
EH = 256


def setup_inputs(seed: int = 0) -> dict:
    key = jax.random.key(seed)
    ks = jax.random.split(key, 12)
    q = jax.random.normal(ks[0], (N, H), dtype=jnp.float32)
    p = jax.random.normal(ks[1], (N, H), dtype=jnp.float32)
    edge_index = jax.random.randint(ks[2], (2, E), 0, N, dtype=jnp.int32)
    s = 1.0 / np.sqrt(H)
    Wq = jax.random.normal(ks[3], (H, H), dtype=jnp.float32) * s
    bq = jnp.zeros((H,), dtype=jnp.float32)
    Wp = jax.random.normal(ks[4], (H, H), dtype=jnp.float32) * s
    bp = jnp.zeros((H,), dtype=jnp.float32)
    W1 = jax.random.normal(ks[5], (2 * H, EH), dtype=jnp.float32) * (1.0 / np.sqrt(2 * H))
    b1 = jnp.zeros((EH,), dtype=jnp.float32)
    W2 = jax.random.normal(ks[6], (EH, H), dtype=jnp.float32) * (1.0 / np.sqrt(EH))
    b2 = jnp.zeros((H,), dtype=jnp.float32)
    return {"q": q, "p": p, "edge_index": edge_index, "Wq": Wq, "bq": bq,
            "Wp": Wp, "bp": bp, "W1": W1, "b1": b1, "W2": W2, "b2": b2}


def _graph_conv(x, W, b, src, dst):
    # DGL GraphConv, norm='both', sum aggregation, weight applied first (in<=out)
    ones = jnp.ones((src.shape[0],), dtype=x.dtype)
    deg_out = jnp.zeros((N,), dtype=x.dtype).at[src].add(ones)
    deg_in = jnp.zeros((N,), dtype=x.dtype).at[dst].add(ones)
    norm_out = jnp.where(deg_out > 0, deg_out ** -0.5, 0.0)
    norm_in = jnp.where(deg_in > 0, deg_in ** -0.5, 0.0)
    x = x @ W
    x = x * norm_out[:, None]
    agg = jnp.zeros_like(x).at[dst].add(x[src])
    agg = agg * norm_in[:, None]
    return agg + b


def reference(q, p, edge_index, Wq, bq, Wp, bp, W1, b1, W2, b2):
    src = edge_index[0]
    dst = edge_index[1]
    qg = _graph_conv(q, Wq, bq, src, dst)
    pg = _graph_conv(p, Wp, bp, src, dst)
    z = jnp.concatenate([qg, pg], axis=-1)
    h = jnp.tanh(z @ W1 + b1)
    h = h @ W2 + b2
    Hs = 0.5 * jnp.sum(h ** 2)
    return Hs

if __name__ == "__main__":
    import jax
    _d = setup_inputs()
    print(jax.jit(kernel)(*tuple(_d.values())))

</pallas_src>

<mosaic_0001>
#map = affine_map<(d0, d1) -> (0, 0, 0)>
module attributes {stable_mosaic.version = 14 : i64} {
  func.func @_deg_body(%arg0: i32, %arg1: i32, %arg2: memref<2x32x5120xi32, #tpu.memory_space<hbm>>, %arg3: memref<2x2x10240xf32, #tpu.memory_space<hbm>>, %arg4: memref<5120xi32, #tpu.memory_space<vmem>>, %arg5: memref<5120xi32, #tpu.memory_space<vmem>>, %arg6: memref<5120xf32, #tpu.memory_space<vmem>>, %arg7: memref<640xf32, #tpu.memory_space<vmem>>, %arg8: memref<10240xf32, #tpu.memory_space<vmem_shared>>, %arg9: memref<10240xf32, #tpu.memory_space<vmem_shared>>) attributes {dimension_semantics = [#tpu.dimension_semantics<core_parallel>, #tpu.dimension_semantics<subcore_parallel>], iteration_bounds = array<i64: 2, 16>, scalar_prefetch = 0 : i64, scratch_operands = 6 : i64, tpu.core_type = #tpu.core_type<sc_vector_subcore>, window_params = [{transform_indices = #map}, {transform_indices = #map}]} {
    %mul3A = arith.constant 16 : i32
    %mul3A_0 = arith.muli %arg0, %mul3A : i32
    %add3A = arith.addi %mul3A_0, %arg1 : i32
    %broadcast_in_dim3A = arith.constant 0.000000e+00 : f32
    %broadcast_in_dim3A_1 = vector.broadcast %broadcast_in_dim3A : f32 to vector<16xf32>
    %swap3A = arith.constant 0 : index
    %swap3A_2 = tpu.vector_load %arg7[%swap3A] {strides = array<i32>} : memref<640xf32, #tpu.memory_space<vmem>>, vector<16xf32>,
    %swap3A_3 = vector.shape_cast %swap3A_2 : vector<16xf32> to vector<16xf32>
    %swap3A_4 = vector.shape_cast %broadcast_in_dim3A_1 : vector<16xf32> to vector<16xf32>
    tpu.vector_store %arg7[%swap3A], %swap3A_4 {strides = array<i32>} : memref<640xf32, #tpu.memory_space<vmem>>, vector<16xf32>,
    %broadcast_in_dim3A_5 = arith.constant 0.000000e+00 : f32
    %broadcast_in_dim3A_6 = vector.broadcast %broadcast_in_dim3A_5 : f32 to vector<16xf32>
    %swap3A_7 = arith.constant 16 : index
    %swap3A_8 = tpu.vector_load %arg7[%swap3A_7] {strides = array<i32>} : memref<640xf32, #tpu.memory_space<vmem>>, vector<16xf32>,
    %swap3A_9 = vector.shape_cast %swap3A_8 : vector<16xf32> to vector<16xf32>
    %swap3A_10 = vector.shape_cast %broadcast_in_dim3A_6 : vector<16xf32> to vector<16xf32>
    tpu.vector_store %arg7[%swap3A_7], %swap3A_10 {strides = array<i32>} : memref<640xf32, #tpu.memory_space<vmem>>, vector<16xf32>,
    %broadcast_in_dim3A_11 = arith.constant 0.000000e+00 : f32
    %broadcast_in_dim3A_12 = vector.broadcast %broadcast_in_dim3A_11 : f32 to vector<16xf32>
    %swap3A_13 = arith.constant 32 : index
    %swap3A_14 = tpu.vector_load %arg7[%swap3A_13] {strides = array<i32>} : memref<640xf32, #tpu.memory_space<vmem>>, vector<16xf32>,
    %swap3A_15 = vector.shape_cast %swap3A_14 : vector<16xf32> to vector<16xf32>
    %swap3A_16 = vector.shape_cast %broadcast_in_dim3A_12 : vector<16xf32> to vector<16xf32>
    tpu.vector_store %arg7[%swap3A_13], %swap3A_16 {strides = array<i32>} : memref<640xf32, #tpu.memory_space<vmem>>, vector<16xf32>,
    %broadcast_in_dim3A_17 = arith.constant 0.000000e+00 : f32
    %broadcast_in_dim3A_18 = vector.broadcast %broadcast_in_dim3A_17 : f32 to vector<16xf32>
    %swap3A_19 = arith.constant 48 : index
    %swap3A_20 = tpu.vector_load %arg7[%swap3A_19] {strides = array<i32>} : memref<640xf32, #tpu.memory_space<vmem>>, vector<16xf32>,
    %swap3A_21 = vector.shape_cast %swap3A_20 : vector<16xf32> to vector<16xf32>
    %swap3A_22 = vector.shape_cast %broadcast_in_dim3A_18 : vector<16xf32> to vector<16xf32>
    tpu.vector_store %arg7[%swap3A_19], %swap3A_22 {strides = array<i32>} : memref<640xf32, #tpu.memory_space<vmem>>, vector<16xf32>,
    %broadcast_in_dim3A_23 = arith.constant 0.000000e+00 : f32
    %broadcast_in_dim3A_24 = vector.broadcast %broadcast_in_dim3A_23 : f32 to vector<16xf32>
    %swap3A_25 = arith.constant 64 : index
    %swap3A_26 = tpu.vector_load %arg7[%swap3A_25] {strides = array<i32>} : memref<640xf32, #tpu.memory_space<vmem>>, vector<16xf32>,
    %swap3A_27 = vector.shape_cast %swap3A_26 : vector<16xf32> to vector<16xf32>
    %swap3A_28 = vector.shape_cast %broadcast_in_dim3A_24 : vector<16xf32> to vector<16xf32>
    tpu.vector_store %arg7[%swap3A_25], %swap3A_28 {strides = array<i32>} : memref<640xf32, #tpu.memory_space<vmem>>, vector<16xf32>,
    %broadcast_in_dim3A_29 = arith.constant 0.000000e+00 : f32
    %broadcast_in_dim3A_30 = vector.broadcast %broadcast_in_dim3A_29 : f32 to vector<16xf32>
    %swap3A_31 = arith.constant 80 : index
    %swap3A_32 = tpu.vector_load %arg7[%swap3A_31] {strides = array<i32>} : memref<640xf32, #tpu.memory_space<vmem>>, vector<16xf32>,
    %swap3A_33 = vector.shape_cast %swap3A_32 : vector<16xf32> to vector<16xf32>
    %swap3A_34 = vector.shape_cast %broadcast_in_dim3A_30 : vector<16xf32> to vector<16xf32>
    tpu.vector_store %arg7[%swap3A_31], %swap3A_34 {strides = array<i32>} : memref<640xf32, #tpu.memory_space<vmem>>, vector<16xf32>,
    %broadcast_in_dim3A_35 = arith.constant 0.000000e+00 : f32
    %broadcast_in_dim3A_36 = vector.broadcast %broadcast_in_dim3A_35 : f32 to vector<16xf32>
    %swap3A_37 = arith.constant 96 : index
    %swap3A_38 = tpu.vector_load %arg7[%swap3A_37] {strides = array<i32>} : memref<640xf32, #tpu.memory_space<vmem>>, vector<16xf32>,
    %swap3A_39 = vector.shape_cast %swap3A_38 : vector<16xf32> to vector<16xf32>
    %swap3A_40 = vector.shape_cast %broadcast_in_dim3A_36 : vector<16xf32> to vector<16xf32>
    tpu.vector_store %arg7[%swap3A_37], %swap3A_40 {strides = array<i32>} : memref<640xf32, #tpu.memory_space<vmem>>, vector<16xf32>,
    %broadcast_in_dim3A_41 = arith.constant 0.000000e+00 : f32
    %broadcast_in_dim3A_42 = vector.broadcast %broadcast_in_dim3A_41 : f32 to vector<16xf32>
    %swap3A_43 = arith.constant 112 : index
    %swap3A_44 = tpu.vector_load %arg7[%swap3A_43] {strides = array<i32>} : memref<640xf32, #tpu.memory_space<vmem>>, vector<16xf32>,
    %swap3A_45 = vector.shape_cast %swap3A_44 : vector<16xf32> to vector<16xf32>
    %swap3A_46 = vector.shape_cast %broadcast_in_dim3A_42 : vector<16xf32> to vector<16xf32>
    tpu.vector_store %arg7[%swap3A_43], %swap3A_46 {strides = array<i32>} : memref<640xf32, #tpu.memory_space<vmem>>, vector<16xf32>,
    %broadcast_in_dim3A_47 = arith.constant 0.000000e+00 : f32
    %broadcast_in_dim3A_48 = vector.broadcast %broadcast_in_dim3A_47 : f32 to vector<16xf32>
    %swap3A_49 = arith.constant 128 : index
    %swap3A_50 = tpu.vector_load %arg7[%swap3A_49] {strides = array<i32>} : memref<640xf32, #tpu.memory_space<vmem>>, vector<16xf32>,
    %swap3A_51 = vector.shape_cast %swap3A_50 : vector<16xf32> to vector<16xf32>
    %swap3A_52 = vector.shape_cast %broadcast_in_dim3A_48 : vector<16xf32> to vector<16xf32>
    tpu.vector_store %arg7[%swap3A_49], %swap3A_52 {strides = array<i32>} : memref<640xf32, #tpu.memory_space<vmem>>, vector<16xf32>,
    %broadcast_in_dim3A_53 = arith.constant 0.000000e+00 : f32
    %broadcast_in_dim3A_54 = vector.broadcast %broadcast_in_dim3A_53 : f32 to vector<16xf32>
    %swap3A_55 = arith.constant 144 : index
    %swap3A_56 = tpu.vector_load %arg7[%swap3A_55] {strides = array<i32>} : memref<640xf32, #tpu.memory_space<vmem>>, vector<16xf32>,
    %swap3A_57 = vector.shape_cast %swap3A_56 : vector<16xf32> to vector<16xf32>
    %swap3A_58 = vector.shape_cast %broadcast_in_dim3A_54 : vector<16xf32> to vector<16xf32>
    tpu.vector_store %arg7[%swap3A_55], %swap3A_58 {strides = array<i32>} : memref<640xf32, #tpu.memory_space<vmem>>, vector<16xf32>,
    %broadcast_in_dim3A_59 = arith.constant 0.000000e+00 : f32
    %broadcast_in_dim3A_60 = vector.broadcast %broadcast_in_dim3A_59 : f32 to vector<16xf32>
    %swap3A_61 = arith.constant 160 : index
    %swap3A_62 = tpu.vector_load %arg7[%swap3A_61] {strides = array<i32>} : memref<640xf32, #tpu.memory_space<vmem>>, vector<16xf32>,
    %swap3A_63 = vector.shape_cast %swap3A_62 : vector<16xf32> to vector<16xf32>
    %swap3A_64 = vector.shape_cast %broadcast_in_dim3A_60 : vector<16xf32> to vector<16xf32>
    tpu.vector_store %arg7[%swap3A_61], %swap3A_64 {strides = array<i32>} : memref<640xf32, #tpu.memory_space<vmem>>, vector<16xf32>,
    %broadcast_in_dim3A_65 = arith.constant 0.000000e+00 : f32
    %broadcast_in_dim3A_66 = vector.broadcast %broadcast_in_dim3A_65 : f32 to vector<16xf32>
    %swap3A_67 = arith.constant 176 : index
    %swap3A_68 = tpu.vector_load %arg7[%swap3A_67] {strides = array<i32>} : memref<640xf32, #tpu.memory_space<vmem>>, vector<16xf32>,
    %swap3A_69 = vector.shape_cast %swap3A_68 : vector<16xf32> to vector<16xf32>
    %swap3A_70 = vector.shape_cast %broadcast_in_dim3A_66 : vector<16xf32> to vector<16xf32>
    tpu.vector_store %arg7[%swap3A_67], %swap3A_70 {strides = array<i32>} : memref<640xf32, #tpu.memory_space<vmem>>, vector<16xf32>,
    %broadcast_in_dim3A_71 = arith.constant 0.000000e+00 : f32
    %broadcast_in_dim3A_72 = vector.broadcast %broadcast_in_dim3A_71 : f32 to vector<16xf32>
    %swap3A_73 = arith.constant 192 : index
    %swap3A_74 = tpu.vector_load %arg7[%swap3A_73] {strides = array<i32>} : memref<640xf32, #tpu.memory_space<vmem>>, vector<16xf32>,
    %swap3A_75 = vector.shape_cast %swap3A_74 : vector<16xf32> to vector<16xf32>
    %swap3A_76 = vector.shape_cast %broadcast_in_dim3A_72 : vector<16xf32> to vector<16xf32>
    tpu.vector_store %arg7[%swap3A_73], %swap3A_76 {strides = array<i32>} : memref<640xf32, #tpu.memory_space<vmem>>, vector<16xf32>,
    %broadcast_in_dim3A_77 = arith.constant 0.000000e+00 : f32
    %broadcast_in_dim3A_78 = vector.broadcast %broadcast_in_dim3A_77 : f32 to vector<16xf32>
    %swap3A_79 = arith.constant 208 : index
    %swap3A_80 = tpu.vector_load %arg7[%swap3A_79] {strides = array<i32>} : memref<640xf32, #tpu.memory_space<vmem>>, vector<16xf32>,
    %swap3A_81 = vector.shape_cast %swap3A_80 : vector<16xf32> to vector<16xf32>
    %swap3A_82 = vector.shape_cast %broadcast_in_dim3A_78 : vector<16xf32> to vector<16xf32>
    tpu.vector_store %arg7[%swap3A_79], %swap3A_82 {strides = array<i32>} : memref<640xf32, #tpu.memory_space<vmem>>, vector<16xf32>,
    %broadcast_in_dim3A_83 = arith.constant 0.000000e+00 : f32
    %broadcast_in_dim3A_84 = vector.broadcast %broadcast_in_dim3A_83 : f32 to vector<16xf32>
    %swap3A_85 = arith.constant 224 : index
    %swap3A_86 = tpu.vector_load %arg7[%swap3A_85] {strides = array<i32>} : memref<640xf32, #tpu.memory_space<vmem>>, vector<16xf32>,
    %swap3A_87 = vector.shape_cast %swap3A_86 : vector<16xf32> to vector<16xf32>
    %swap3A_88 = vector.shape_cast %broadcast_in_dim3A_84 : vector<16xf32> to vector<16xf32>
    tpu.vector_store %arg7[%swap3A_85], %swap3A_88 {strides = array<i32>} : memref<640xf32, #tpu.memory_space<vmem>>, vector<16xf32>,
    %broadcast_in_dim3A_89 = arith.constant 0.000000e+00 : f32
    %broadcast_in_dim3A_90 = vector.broadcast %broadcast_in_dim3A_89 : f32 to vector<16xf32>
    %swap3A_91 = arith.constant 240 : index
    %swap3A_92 = tpu.vector_load %arg7[%swap3A_91] {strides = array<i32>} : memref<640xf32, #tpu.memory_space<vmem>>, vector<16xf32>,
    %swap3A_93 = vector.shape_cast %swap3A_92 : vector<16xf32> to vector<16xf32>
    %swap3A_94 = vector.shape_cast %broadcast_in_dim3A_90 : vector<16xf32> to vector<16xf32>
    tpu.vector_store %arg7[%swap3A_91], %swap3A_94 {strides = array<i32>} : memref<640xf32, #tpu.memory_space<vmem>>, vector<16xf32>,
    %broadcast_in_dim3A_95 = arith.constant 0.000000e+00 : f32
    %broadcast_in_dim3A_96 = vector.broadcast %broadcast_in_dim3A_95 : f32 to vector<16xf32>
    %swap3A_97 = arith.constant 256 : index
    %swap3A_98 = tpu.vector_load %arg7[%swap3A_97] {strides = array<i32>} : memref<640xf32, #tpu.memory_space<vmem>>, vector<16xf32>,
    %swap3A_99 = vector.shape_cast %swap3A_98 : vector<16xf32> to vector<16xf32>
    %swap3A_100 = vector.shape_cast %broadcast_in_dim3A_96 : vector<16xf32> to vector<16xf32>
    tpu.vector_store %arg7[%swap3A_97], %swap3A_100 {strides = array<i32>} : memref<640xf32, #tpu.memory_space<vmem>>, vector<16xf32>,
    %broadcast_in_dim3A_101 = arith.constant 0.000000e+00 : f32
    %broadcast_in_dim3A_102 = vector.broadcast %broadcast_in_dim3A_101 : f32 to vector<16xf32>
    %swap3A_103 = arith.constant 272 : index
    %swap3A_104 = tpu.vector_load %arg7[%swap3A_103] {strides = array<i32>} : memref<640xf32, #tpu.memory_space<vmem>>, vector<16xf32>,
    %swap3A_105 = vector.shape_cast %swap3A_104 : vector<16xf32> to vector<16xf32>
    %swap3A_106 = vector.shape_cast %broadcast_in_dim3A_102 : vector<16xf32> to vector<16xf32>
    tpu.vector_store %arg7[%swap3A_103], %swap3A_106 {strides = array<i32>} : memref<640xf32, #tpu.memory_space<vmem>>, vector<16xf32>,
    %broadcast_in_dim3A_107 = arith.constant 0.000000e+00 : f32
    %broadcast_in_dim3A_108 = vector.broadcast %broadcast_in_dim3A_107 : f32 to vector<16xf32>
    %swap3A_109 = arith.constant 288 : index
    %swap3A_110 = tpu.vector_load %arg7[%swap3A_109] {strides = array<i32>} : memref<640xf32, #tpu.memory_space<vmem>>, vector<16xf32>,
    %swap3A_111 = vector.shape_cast %swap3A_110 : vector<16xf32> to vector<16xf32>
    %swap3A_112 = vector.shape_cast %broadcast_in_dim3A_108 : vector<16xf32> to vector<16xf32>
    tpu.vector_store %arg7[%swap3A_109], %swap3A_112 {strides = array<i32>} : memref<640xf32, #tpu.memory_space<vmem>>, vector<16xf32>,
    %broadcast_in_dim3A_113 = arith.constant 0.000000e+00 : f32
    %broadcast_in_dim3A_114 = vector.broadcast %broadcast_in_dim3A_113 : f32 to vector<16xf32>
    %swap3A_115 = arith.constant 304 : index
    %swap3A_116 = tpu.vector_load %arg7[%swap3A_115] {strides = array<i32>} : memref<640xf32, #tpu.memory_space<vmem>>, vector<16xf32>,
    %swap3A_117 = vector.shape_cast %swap3A_116 : vector<16xf32> to vector<16xf32>
    %swap3A_118 = vector.shape_cast %broadcast_in_dim3A_114 : vector<16xf32> to vector<16xf32>
    tpu.vector_store %arg7[%swap3A_115], %swap3A_118 {strides = array<i32>} : memref<640xf32, #tpu.memory_space<vmem>>, vector<16xf32>,
    %broadcast_in_dim3A_119 = arith.constant 0.000000e+00 : f32
    %broadcast_in_dim3A_120 = vector.broadcast %broadcast_in_dim3A_119 : f32 to vector<16xf32>
    %swap3A_121 = arith.constant 320 : index
    %swap3A_122 = tpu.vector_load %arg7[%swap3A_121] {strides = array<i32>} : memref<640xf32, #tpu.memory_space<vmem>>, vector<16xf32>,
    %swap3A_123 = vector.shape_cast %swap3A_122 : vector<16xf32> to vector<16xf32>
    %swap3A_124 = vector.shape_cast %broadcast_in_dim3A_120 : vector<16xf32> to vector<16xf32>
    tpu.vector_store %arg7[%swap3A_121], %swap3A_124 {strides = array<i32>} : memref<640xf32, #tpu.memory_space<vmem>>, vector<16xf32>,
    %broadcast_in_dim3A_125 = arith.constant 0.000000e+00 : f32
    %broadcast_in_dim3A_126 = vector.broadcast %broadcast_in_dim3A_125 : f32 to vector<16xf32>
    %swap3A_127 = arith.constant 336 : index
    %swap3A_128 = tpu.vector_load %arg7[%swap3A_127] {strides = array<i32>} : memref<640xf32, #tpu.memory_space<vmem>>, vector<16xf32>,
    %swap3A_129 = vector.shape_cast %swap3A_128 : vector<16xf32> to vector<16xf32>
    %swap3A_130 = vector.shape_cast %broadcast_in_dim3A_126 : vector<16xf32> to vector<16xf32>
    tpu.vector_store %arg7[%swap3A_127], %swap3A_130 {strides = array<i32>} : memref<640xf32, #tpu.memory_space<vmem>>, vector<16xf32>,
    %broadcast_in_dim3A_131 = arith.constant 0.000000e+00 : f32
    %broadcast_in_dim3A_132 = vector.broadcast %broadcast_in_dim3A_131 : f32 to vector<16xf32>
    %swap3A_133 = arith.constant 352 : index
    %swap3A_134 = tpu.vector_load %arg7[%swap3A_133] {strides = array<i32>} : memref<640xf32, #tpu.memory_space<vmem>>, vector<16xf32>,
    %swap3A_135 = vector.shape_cast %swap3A_134 : vector<16xf32> to vector<16xf32>
    %swap3A_136 = vector.shape_cast %broadcast_in_dim3A_132 : vector<16xf32> to vector<16xf32>
    tpu.vector_store %arg7[%swap3A_133], %swap3A_136 {strides = array<i32>} : memref<640xf32, #tpu.memory_space<vmem>>, vector<16xf32>,
    %broadcast_in_dim3A_137 = arith.constant 0.000000e+00 : f32
    %broadcast_in_dim3A_138 = vector.broadcast %broadcast_in_dim3A_137 : f32 to vector<16xf32>
    %swap3A_139 = arith.constant 368 : index
    %swap3A_140 = tpu.vector_load %arg7[%swap3A_139] {strides = array<i32>} : memref<640xf32, #tpu.memory_space<vmem>>, vector<16xf32>,
    %swap3A_141 = vector.shape_cast %swap3A_140 : vector<16xf32> to vector<16xf32>
    %swap3A_142 = vector.shape_cast %broadcast_in_dim3A_138 : vector<16xf32> to vector<16xf32>
    tpu.vector_store %arg7[%swap3A_139], %swap3A_142 {strides = array<i32>} : memref<640xf32, #tpu.memory_space<vmem>>, vector<16xf32>,
    %broadcast_in_dim3A_143 = arith.constant 0.000000e+00 : f32
    %broadcast_in_dim3A_144 = vector.broadcast %broadcast_in_dim3A_143 : f32 to vector<16xf32>
    %swap3A_145 = arith.constant 384 : index
    %swap3A_146 = tpu.vector_load %arg7[%swap3A_145] {strides = array<i32>} : memref<640xf32, #tpu.memory_space<vmem>>, vector<16xf32>,
    %swap3A_147 = vector.shape_cast %swap3A_146 : vector<16xf32> to vector<16xf32>
    %swap3A_148 = vector.shape_cast %broadcast_in_dim3A_144 : vector<16xf32> to vector<16xf32>
    tpu.vector_store %arg7[%swap3A_145], %swap3A_148 {strides = array<i32>} : memref<640xf32, #tpu.memory_space<vmem>>, vector<16xf32>,
    %broadcast_in_dim3A_149 = arith.constant 0.000000e+00 : f32
    %broadcast_in_dim3A_150 = vector.broadcast %broadcast_in_dim3A_149 : f32 to vector<16xf32>
    %swap3A_151 = arith.constant 400 : index
    %swap3A_152 = tpu.vector_load %arg7[%swap3A_151] {strides = array<i32>} : memref<640xf32, #tpu.memory_space<vmem>>, vector<16xf32>,
    %swap3A_153 = vector.shape_cast %swap3A_152 : vector<16xf32> to vector<16xf32>
    %swap3A_154 = vector.shape_cast %broadcast_in_dim3A_150 : vector<16xf32> to vector<16xf32>
    tpu.vector_store %arg7[%swap3A_151], %swap3A_154 {strides = array<i32>} : memref<640xf32, #tpu.memory_space<vmem>>, vector<16xf32>,
    %broadcast_in_dim3A_155 = arith.constant 0.000000e+00 : f32
    %broadcast_in_dim3A_156 = vector.broadcast %broadcast_in_dim3A_155 : f32 to vector<16xf32>
    %swap3A_157 = arith.constant 416 : index
    %swap3A_158 = tpu.vector_load %arg7[%swap3A_157] {strides = array<i32>} : memref<640xf32, #tpu.memory_space<vmem>>, vector<16xf32>,
    %swap3A_159 = vector.shape_cast %swap3A_158 : vector<16xf32> to vector<16xf32>
    %swap3A_160 = vector.shape_cast %broadcast_in_dim3A_156 : vector<16xf32> to vector<16xf32>
    tpu.vector_store %arg7[%swap3A_157], %swap3A_160 {strides = array<i32>} : memref<640xf32, #tpu.memory_space<vmem>>, vector<16xf32>,
    %broadcast_in_dim3A_161 = arith.constant 0.000000e+00 : f32
    %broadcast_in_dim3A_162 = vector.broadcast %broadcast_in_dim3A_161 : f32 to vector<16xf32>
    %swap3A_163 = arith.constant 432 : index
    %swap3A_164 = tpu.vector_load %arg7[%swap3A_163] {strides = array<i32>} : memref<640xf32, #tpu.memory_space<vmem>>, vector<16xf32>,
    %swap3A_165 = vector.shape_cast %swap3A_164 : vector<16xf32> to vector<16xf32>
    %swap3A_166 = vector.shape_cast %broadcast_in_dim3A_162 : vector<16xf32> to vector<16xf32>
    tpu.vector_store %arg7[%swap3A_163], %swap3A_166 {strides = array<i32>} : memref<640xf32, #tpu.memory_space<vmem>>, vector<16xf32>,
    %broadcast_in_dim3A_167 = arith.constant 0.000000e+00 : f32
    %broadcast_in_dim3A_168 = vector.broadcast %broadcast_in_dim3A_167 : f32 to vector<16xf32>
    %swap3A_169 = arith.constant 448 : index
    %swap3A_170 = tpu.vector_load %arg7[%swap3A_169] {strides = array<i32>} : memref<640xf32, #tpu.memory_space<vmem>>, vector<16xf32>,
    %swap3A_171 = vector.shape_cast %swap3A_170 : vector<16xf32> to vector<16xf32>
    %swap3A_172 = vector.shape_cast %broadcast_in_dim3A_168 : vector<16xf32> to vector<16xf32>
    tpu.vector_store %arg7[%swap3A_169], %swap3A_172 {strides = array<i32>} : memref<640xf32, #tpu.memory_space<vmem>>, vector<16xf32>,
    %broadcast_in_dim3A_173 = arith.constant 0.000000e+00 : f32
    %broadcast_in_dim3A_174 = vector.broadcast %broadcast_in_dim3A_173 : f32 to vector<16xf32>
    %swap3A_175 = arith.constant 464 : index
    %swap3A_176 = tpu.vector_load %arg7[%swap3A_175] {strides = array<i32>} : memref<640xf32, #tpu.memory_space<vmem>>, vector<16xf32>,
    %swap3A_177 = vector.shape_cast %swap3A_176 : vector<16xf32> to vector<16xf32>
    %swap3A_178 = vector.shape_cast %broadcast_in_dim3A_174 : vector<16xf32> to vector<16xf32>
    tpu.vector_store %arg7[%swap3A_175], %swap3A_178 {strides = array<i32>} : memref<640xf32, #tpu.memory_space<vmem>>, vector<16xf32>,
    %broadcast_in_dim3A_179 = arith.constant 0.000000e+00 : f32
    %broadcast_in_dim3A_180 = vector.broadcast %broadcast_in_dim3A_179 : f32 to vector<16xf32>
    %swap3A_181 = arith.constant 480 : index
    %swap3A_182 = tpu.vector_load %arg7[%swap3A_181] {strides = array<i32>} : memref<640xf32, #tpu.memory_space<vmem>>, vector<16xf32>,
    %swap3A_183 = vector.shape_cast %swap3A_182 : vector<16xf32> to vector<16xf32>
    %swap3A_184 = vector.shape_cast %broadcast_in_dim3A_180 : vector<16xf32> to vector<16xf32>
    tpu.vector_store %arg7[%swap3A_181], %swap3A_184 {strides = array<i32>} : memref<640xf32, #tpu.memory_space<vmem>>, vector<16xf32>,
    %broadcast_in_dim3A_185 = arith.constant 0.000000e+00 : f32
    %broadcast_in_dim3A_186 = vector.broadcast %broadcast_in_dim3A_185 : f32 to vector<16xf32>
    %swap3A_187 = arith.constant 496 : index
    %swap3A_188 = tpu.vector_load %arg7[%swap3A_187] {strides = array<i32>} : memref<640xf32, #tpu.memory_space<vmem>>, vector<16xf32>,
    %swap3A_189 = vector.shape_cast %swap3A_188 : vector<16xf32> to vector<16xf32>
    %swap3A_190 = vector.shape_cast %broadcast_in_dim3A_186 : vector<16xf32> to vector<16xf32>
    tpu.vector_store %arg7[%swap3A_187], %swap3A_190 {strides = array<i32>} : memref<640xf32, #tpu.memory_space<vmem>>, vector<16xf32>,
    %broadcast_in_dim3A_191 = arith.constant 0.000000e+00 : f32
    %broadcast_in_dim3A_192 = vector.broadcast %broadcast_in_dim3A_191 : f32 to vector<16xf32>
    %swap3A_193 = arith.constant 512 : index
    %swap3A_194 = tpu.vector_load %arg7[%swap3A_193] {strides = array<i32>} : memref<640xf32, #tpu.memory_space<vmem>>, vector<16xf32>,
    %swap3A_195 = vector.shape_cast %swap3A_194 : vector<16xf32> to vector<16xf32>
    %swap3A_196 = vector.shape_cast %broadcast_in_dim3A_192 : vector<16xf32> to vector<16xf32>
    tpu.vector_store %arg7[%swap3A_193], %swap3A_196 {strides = array<i32>} : memref<640xf32, #tpu.memory_space<vmem>>, vector<16xf32>,
    %broadcast_in_dim3A_197 = arith.constant 0.000000e+00 : f32
    %broadcast_in_dim3A_198 = vector.broadcast %broadcast_in_dim3A_197 : f32 to vector<16xf32>
    %swap3A_199 = arith.constant 528 : index
    %swap3A_200 = tpu.vector_load %arg7[%swap3A_199] {strides = array<i32>} : memref<640xf32, #tpu.memory_space<vmem>>, vector<16xf32>,
    %swap3A_201 = vector.shape_cast %swap3A_200 : vector<16xf32> to vector<16xf32>
    %swap3A_202 = vector.shape_cast %broadcast_in_dim3A_198 : vector<16xf32> to vector<16xf32>
    tpu.vector_store %arg7[%swap3A_199], %swap3A_202 {strides = array<i32>} : memref<640xf32, #tpu.memory_space<vmem>>, vector<16xf32>,
    %broadcast_in_dim3A_203 = arith.constant 0.000000e+00 : f32
    %broadcast_in_dim3A_204 = vector.broadcast %broadcast_in_dim3A_203 : f32 to vector<16xf32>
    %swap3A_205 = arith.constant 544 : index
    %swap3A_206 = tpu.vector_load %arg7[%swap3A_205] {strides = array<i32>} : memref<640xf32, #tpu.memory_space<vmem>>, vector<16xf32>,
    %swap3A_207 = vector.shape_cast %swap3A_206 : vector<16xf32> to vector<16xf32>
    %swap3A_208 = vector.shape_cast %broadcast_in_dim3A_204 : vector<16xf32> to vector<16xf32>
    tpu.vector_store %arg7[%swap3A_205], %swap3A_208 {strides = array<i32>} : memref<640xf32, #tpu.memory_space<vmem>>, vector<16xf32>,
    %broadcast_in_dim3A_209 = arith.constant 0.000000e+00 : f32
    %broadcast_in_dim3A_210 = vector.broadcast %broadcast_in_dim3A_209 : f32 to vector<16xf32>
    %swap3A_211 = arith.constant 560 : index
    %swap3A_212 = tpu.vector_load %arg7[%swap3A_211] {strides = array<i32>} : memref<640xf32, #tpu.memory_space<vmem>>, vector<16xf32>,
    %swap3A_213 = vector.shape_cast %swap3A_212 : vector<16xf32> to vector<16xf32>
    %swap3A_214 = vector.shape_cast %broadcast_in_dim3A_210 : vector<16xf32> to vector<16xf32>
    tpu.vector_store %arg7[%swap3A_211], %swap3A_214 {strides = array<i32>} : memref<640xf32, #tpu.memory_space<vmem>>, vector<16xf32>,
    %broadcast_in_dim3A_215 = arith.constant 0.000000e+00 : f32
    %broadcast_in_dim3A_216 = vector.broadcast %broadcast_in_dim3A_215 : f32 to vector<16xf32>
    %swap3A_217 = arith.constant 576 : index
    %swap3A_218 = tpu.vector_load %arg7[%swap3A_217] {strides = array<i32>} : memref<640xf32, #tpu.memory_space<vmem>>, vector<16xf32>,
    %swap3A_219 = vector.shape_cast %swap3A_218 : vector<16xf32> to vector<16xf32>
    %swap3A_220 = vector.shape_cast %broadcast_in_dim3A_216 : vector<16xf32> to vector<16xf32>
    tpu.vector_store %arg7[%swap3A_217], %swap3A_220 {strides = array<i32>} : memref<640xf32, #tpu.memory_space<vmem>>, vector<16xf32>,
    %broadcast_in_dim3A_221 = arith.constant 0.000000e+00 : f32
    %broadcast_in_dim3A_222 = vector.broadcast %broadcast_in_dim3A_221 : f32 to vector<16xf32>
    %swap3A_223 = arith.constant 592 : index
    %swap3A_224 = tpu.vector_load %arg7[%swap3A_223] {strides = array<i32>} : memref<640xf32, #tpu.memory_space<vmem>>, vector<16xf32>,
    %swap3A_225 = vector.shape_cast %swap3A_224 : vector<16xf32> to vector<16xf32>
    %swap3A_226 = vector.shape_cast %broadcast_in_dim3A_222 : vector<16xf32> to vector<16xf32>
    tpu.vector_store %arg7[%swap3A_223], %swap3A_226 {strides = array<i32>} : memref<640xf32, #tpu.memory_space<vmem>>, vector<16xf32>,
    %broadcast_in_dim3A_227 = arith.constant 0.000000e+00 : f32
    %broadcast_in_dim3A_228 = vector.broadcast %broadcast_in_dim3A_227 : f32 to vector<16xf32>
    %swap3A_229 = arith.constant 608 : index
    %swap3A_230 = tpu.vector_load %arg7[%swap3A_229] {strides = array<i32>} : memref<640xf32, #tpu.memory_space<vmem>>, vector<16xf32>,
    %swap3A_231 = vector.shape_cast %swap3A_230 : vector<16xf32> to vector<16xf32>
    %swap3A_232 = vector.shape_cast %broadcast_in_dim3A_228 : vector<16xf32> to vector<16xf32>
    tpu.vector_store %arg7[%swap3A_229], %swap3A_232 {strides = array<i32>} : memref<640xf32, #tpu.memory_space<vmem>>, vector<16xf32>,
    %broadcast_in_dim3A_233 = arith.constant 0.000000e+00 : f32
    %broadcast_in_dim3A_234 = vector.broadcast %broadcast_in_dim3A_233 : f32 to vector<16xf32>
    %swap3A_235 = arith.constant 624 : index
    %swap3A_236 = tpu.vector_load %arg7[%swap3A_235] {strides = array<i32>} : memref<640xf32, #tpu.memory_space<vmem>>, vector<16xf32>,
    %swap3A_237 = vector.shape_cast %swap3A_236 : vector<16xf32> to vector<16xf32>
    %swap3A_238 = vector.shape_cast %broadcast_in_dim3A_234 : vector<16xf32> to vector<16xf32>
    tpu.vector_store %arg7[%swap3A_235], %swap3A_238 {strides = array<i32>} : memref<640xf32, #tpu.memory_space<vmem>>, vector<16xf32>,
    %mul3A_239 = arith.constant 640 : i32
    %mul3A_240 = arith.muli %arg1, %mul3A_239 : i32
    "tpu.region"() ({
      %run_scoped3A_261 = tpu.sem_alloc : memref<!tpu.dma_semaphore, #tpu.memory_space<semaphore_mem>>
      %dma_start3A = tpu.memref_slice %arg8[%mul3A_240] : memref<10240xf32, #tpu.memory_space<vmem_shared>> -> memref<640xf32, #tpu.memory_space<vmem_shared>>
      %dma_start3A_262 = tpu.memref_slice %arg8[%mul3A_240] : memref<10240xf32, #tpu.memory_space<vmem_shared>> -> memref<640xf32, #tpu.memory_space<vmem_shared>>
      tpu.enqueue_dma source(%arg7 : memref<640xf32, #tpu.memory_space<vmem>>) target(%dma_start3A_262 : memref<640xf32, #tpu.memory_space<vmem_shared>>) target_semaphore(%run_scoped3A_261 : memref<!tpu.dma_semaphore, #tpu.memory_space<semaphore_mem>>)
      %dma_wait3A = tpu.memref_slice %arg8[%mul3A_240] : memref<10240xf32, #tpu.memory_space<vmem_shared>> -> memref<640xf32, #tpu.memory_space<vmem_shared>>
      %dma_wait3A_263 = tpu.memref_slice %arg8[%mul3A_240] : memref<10240xf32, #tpu.memory_space<vmem_shared>> -> memref<640xf32, #tpu.memory_space<vmem_shared>>
      tpu.wait_dma2 semaphore(%run_scoped3A_261 : memref<!tpu.dma_semaphore, #tpu.memory_space<semaphore_mem>>) src(%arg7 : memref<640xf32, #tpu.memory_space<vmem>>) dst(%dma_wait3A_263 : memref<640xf32, #tpu.memory_space<vmem_shared>>)
      tpu.yield
    }) : () -> ()
    %mul3A_241 = arith.constant 640 : i32
    %mul3A_242 = arith.muli %arg1, %mul3A_241 : i32
    "tpu.region"() ({
      %run_scoped3A_261 = tpu.sem_alloc : memref<!tpu.dma_semaphore, #tpu.memory_space<semaphore_mem>>
      %dma_start3A = tpu.memref_slice %arg9[%mul3A_242] : memref<10240xf32, #tpu.memory_space<vmem_shared>> -> memref<640xf32, #tpu.memory_space<vmem_shared>>
      %dma_start3A_262 = tpu.memref_slice %arg9[%mul3A_242] : memref<10240xf32, #tpu.memory_space<vmem_shared>> -> memref<640xf32, #tpu.memory_space<vmem_shared>>
      tpu.enqueue_dma source(%arg7 : memref<640xf32, #tpu.memory_space<vmem>>) target(%dma_start3A_262 : memref<640xf32, #tpu.memory_space<vmem_shared>>) target_semaphore(%run_scoped3A_261 : memref<!tpu.dma_semaphore, #tpu.memory_space<semaphore_mem>>)
      %dma_wait3A = tpu.memref_slice %arg9[%mul3A_242] : memref<10240xf32, #tpu.memory_space<vmem_shared>> -> memref<640xf32, #tpu.memory_space<vmem_shared>>
      %dma_wait3A_263 = tpu.memref_slice %arg9[%mul3A_242] : memref<10240xf32, #tpu.memory_space<vmem_shared>> -> memref<640xf32, #tpu.memory_space<vmem_shared>>
      tpu.wait_dma2 semaphore(%run_scoped3A_261 : memref<!tpu.dma_semaphore, #tpu.memory_space<semaphore_mem>>) src(%arg7 : memref<640xf32, #tpu.memory_space<vmem>>) dst(%dma_wait3A_263 : memref<640xf32, #tpu.memory_space<vmem_shared>>)
      tpu.yield
    }) : () -> ()
    %run_scoped3A = arith.constant 0 : i32
    "tpu.region"() ({
      %run_scoped3A_261 = tpu.sem_alloc : memref<!tpu.dma_semaphore, #tpu.memory_space<semaphore_mem>>
      %dma_start3A = arith.constant 0 : i32
      %dma_start3A_262 = tpu.memref_slice %arg2[%run_scoped3A, %add3A, %dma_start3A] : memref<2x32x5120xi32, #tpu.memory_space<hbm>> -> memref<1x1x5120xi32, #tpu.memory_space<hbm>>
      %dma_start3A_263 = tpu.memref_squeeze %dma_start3A_262 : memref<1x1x5120xi32, #tpu.memory_space<hbm>> -> memref<5120xi32, #tpu.memory_space<hbm>>
      %dma_start3A_264 = arith.constant 0 : i32
      %dma_start3A_265 = tpu.memref_slice %arg2[%run_scoped3A, %add3A, %dma_start3A_264] : memref<2x32x5120xi32, #tpu.memory_space<hbm>> -> memref<1x1x5120xi32, #tpu.memory_space<hbm>>
      %dma_start3A_266 = tpu.memref_squeeze %dma_start3A_265 : memref<1x1x5120xi32, #tpu.memory_space<hbm>> -> memref<5120xi32, #tpu.memory_space<hbm>>
      tpu.enqueue_dma source(%dma_start3A_266 : memref<5120xi32, #tpu.memory_space<hbm>>) target(%arg4 : memref<5120xi32, #tpu.memory_space<vmem>>) target_semaphore(%run_scoped3A_261 : memref<!tpu.dma_semaphore, #tpu.memory_space<semaphore_mem>>)
      %dma_wait3A = arith.constant 0 : i32
      %dma_wait3A_267 = tpu.memref_slice %arg2[%run_scoped3A, %add3A, %dma_wait3A] : memref<2x32x5120xi32, #tpu.memory_space<hbm>> -> memref<1x1x5120xi32, #tpu.memory_space<hbm>>
      %dma_wait3A_268 = tpu.memref_squeeze %dma_wait3A_267 : memref<1x1x5120xi32, #tpu.memory_space<hbm>> -> memref<5120xi32, #tpu.memory_space<hbm>>
      %dma_wait3A_269 = arith.constant 0 : i32
      %dma_wait3A_270 = tpu.memref_slice %arg2[%run_scoped3A, %add3A, %dma_wait3A_269] : memref<2x32x5120xi32, #tpu.memory_space<hbm>> -> memref<1x1x5120xi32, #tpu.memory_space<hbm>>
      %dma_wait3A_271 = tpu.memref_squeeze %dma_wait3A_270 : memref<1x1x5120xi32, #tpu.memory_space<hbm>> -> memref<5120xi32, #tpu.memory_space<hbm>>
      tpu.wait_dma2 semaphore(%run_scoped3A_261 : memref<!tpu.dma_semaphore, #tpu.memory_space<semaphore_mem>>) src(%dma_wait3A_271 : memref<5120xi32, #tpu.memory_space<hbm>>) dst(%arg4 : memref<5120xi32, #tpu.memory_space<vmem>>)
      tpu.yield
    }) : () -> ()
    %run_scoped3A_243 = arith.constant 1 : i32
    "tpu.region"() ({
      %run_scoped3A_261 = tpu.sem_alloc : memref<!tpu.dma_semaphore, #tpu.memory_space<semaphore_mem>>
      %dma_start3A = arith.constant 0 : i32
      %dma_start3A_262 = tpu.memref_slice %arg2[%run_scoped3A_243, %add3A, %dma_start3A] : memref<2x32x5120xi32, #tpu.memory_space<hbm>> -> memref<1x1x5120xi32, #tpu.memory_space<hbm>>
      %dma_start3A_263 = tpu.memref_squeeze %dma_start3A_262 : memref<1x1x5120xi32, #tpu.memory_space<hbm>> -> memref<5120xi32, #tpu.memory_space<hbm>>
      %dma_start3A_264 = arith.constant 0 : i32
      %dma_start3A_265 = tpu.memref_slice %arg2[%run_scoped3A_243, %add3A, %dma_start3A_264] : memref<2x32x5120xi32, #tpu.memory_space<hbm>> -> memref<1x1x5120xi32, #tpu.memory_space<hbm>>
      %dma_start3A_266 = tpu.memref_squeeze %dma_start3A_265 : memref<1x1x5120xi32, #tpu.memory_space<hbm>> -> memref<5120xi32, #tpu.memory_space<hbm>>
      tpu.enqueue_dma source(%dma_start3A_266 : memref<5120xi32, #tpu.memory_space<hbm>>) target(%arg5 : memref<5120xi32, #tpu.memory_space<vmem>>) target_semaphore(%run_scoped3A_261 : memref<!tpu.dma_semaphore, #tpu.memory_space<semaphore_mem>>)
      %dma_wait3A = arith.constant 0 : i32
      %dma_wait3A_267 = tpu.memref_slice %arg2[%run_scoped3A_243, %add3A, %dma_wait3A] : memref<2x32x5120xi32, #tpu.memory_space<hbm>> -> memref<1x1x5120xi32, #tpu.memory_space<hbm>>
      %dma_wait3A_268 = tpu.memref_squeeze %dma_wait3A_267 : memref<1x1x5120xi32, #tpu.memory_space<hbm>> -> memref<5120xi32, #tpu.memory_space<hbm>>
      %dma_wait3A_269 = arith.constant 0 : i32
      %dma_wait3A_270 = tpu.memref_slice %arg2[%run_scoped3A_243, %add3A, %dma_wait3A_269] : memref<2x32x5120xi32, #tpu.memory_space<hbm>> -> memref<1x1x5120xi32, #tpu.memory_space<hbm>>
      %dma_wait3A_271 = tpu.memref_squeeze %dma_wait3A_270 : memref<1x1x5120xi32, #tpu.memory_space<hbm>> -> memref<5120xi32, #tpu.memory_space<hbm>>
      tpu.wait_dma2 semaphore(%run_scoped3A_261 : memref<!tpu.dma_semaphore, #tpu.memory_space<semaphore_mem>>) src(%dma_wait3A_271 : memref<5120xi32, #tpu.memory_space<hbm>>) dst(%arg5 : memref<5120xi32, #tpu.memory_space<vmem>>)
      tpu.yield
    }) : () -> ()
    %scan3A = arith.constant 0 : i32
    %scan3A_244 = arith.constant 0 : i32
    %scan3A_245 = arith.constant 320 : i32
    %scan3A_246 = arith.addi %scan3A_244, %scan3A_245 : i32
    %scan3A_247 = arith.constant 1 : i32
    %scan3A_248 = scf.for %scan3A_261 = %scan3A_244 to %scan3A_246 step %scan3A_247 iter_args(%scan3A_262 = %scan3A) -> (i32)  : i32 {
      %broadcast_in_dim3A_263 = arith.constant 1.000000e+00 : f32
      %broadcast_in_dim3A_264 = vector.broadcast %broadcast_in_dim3A_263 : f32 to vector<16xf32>
      %mul3A_265 = arith.constant 16 : i32
      %mul3A_266 = arith.muli %scan3A_261, %mul3A_265 : i32
      %swap3A_267 = arith.index_cast %mul3A_266 : i32 to index
      %swap3A_268 = tpu.vector_load %arg6[%swap3A_267] {strides = array<i32>} : memref<5120xf32, #tpu.memory_space<vmem>>, vector<16xf32>,
      %swap3A_269 = vector.shape_cast %swap3A_268 : vector<16xf32> to vector<16xf32>
      %swap3A_270 = vector.shape_cast %broadcast_in_dim3A_264 : vector<16xf32> to vector<16xf32>
      tpu.vector_store %arg6[%swap3A_267], %swap3A_270 {strides = array<i32>} : memref<5120xf32, #tpu.memory_space<vmem>>, vector<16xf32>,
      %scan3A_271 = arith.constant 0 : i32
      scf.yield %scan3A_271 : i32
    }
    %scan3A_249 = arith.constant 320 : i32
    %barrier3A = arith.constant 0 : index
    tpu.barrier barrier_id(%barrier3A)
    "tpu.region"() ({
      %run_scoped3A_261 = tpu.sem_alloc : memref<!tpu.dma_semaphore, #tpu.memory_space<semaphore_mem>>
      %dma_start3A = arith.constant 0 : i32
      %dma_start3A_262 = tpu.memref_slice %arg8[%dma_start3A] : memref<10240xf32, #tpu.memory_space<vmem_shared>> -> memref<10240xf32, #tpu.memory_space<vmem_shared>>
      tpu.enqueue_indirect_dma source(%arg6 : memref<5120xf32, #tpu.memory_space<vmem>>) target(%dma_start3A_262 : memref<10240xf32, #tpu.memory_space<vmem_shared>>) offsets(%arg4 : memref<5120xi32, #tpu.memory_space<vmem>>) semaphore(%run_scoped3A_261 : memref<!tpu.dma_semaphore, #tpu.memory_space<semaphore_mem>>) {add = true}
      %dma_wait3A = arith.constant 0 : i32
      %dma_wait3A_263 = tpu.memref_slice %arg8[%dma_wait3A] : memref<10240xf32, #tpu.memory_space<vmem_shared>> -> memref<10240xf32, #tpu.memory_space<vmem_shared>>
      tpu.wait_indirect_dma semaphore(%run_scoped3A_261 : memref<!tpu.dma_semaphore, #tpu.memory_space<semaphore_mem>>) src(%arg6 : memref<5120xf32, #tpu.memory_space<vmem>>) dst(%dma_wait3A_263 : memref<10240xf32, #tpu.memory_space<vmem_shared>>)
      tpu.yield
    }) : () -> ()
    "tpu.region"() ({
      %run_scoped3A_261 = tpu.sem_alloc : memref<!tpu.dma_semaphore, #tpu.memory_space<semaphore_mem>>
      %dma_start3A = arith.constant 0 : i32
      %dma_start3A_262 = tpu.memref_slice %arg9[%dma_start3A] : memref<10240xf32, #tpu.memory_space<vmem_shared>> -> memref<10240xf32, #tpu.memory_space<vmem_shared>>
      tpu.enqueue_indirect_dma source(%arg6 : memref<5120xf32, #tpu.memory_space<vmem>>) target(%dma_start3A_262 : memref<10240xf32, #tpu.memory_space<vmem_shared>>) offsets(%arg5 : memref<5120xi32, #tpu.memory_space<vmem>>) semaphore(%run_scoped3A_261 : memref<!tpu.dma_semaphore, #tpu.memory_space<semaphore_mem>>) {add = true}
      %dma_wait3A = arith.constant 0 : i32
      %dma_wait3A_263 = tpu.memref_slice %arg9[%dma_wait3A] : memref<10240xf32, #tpu.memory_space<vmem_shared>> -> memref<10240xf32, #tpu.memory_space<vmem_shared>>
      tpu.wait_indirect_dma semaphore(%run_scoped3A_261 : memref<!tpu.dma_semaphore, #tpu.memory_space<semaphore_mem>>) src(%arg6 : memref<5120xf32, #tpu.memory_space<vmem>>) dst(%dma_wait3A_263 : memref<10240xf32, #tpu.memory_space<vmem_shared>>)
      tpu.yield
    }) : () -> ()
    %barrier3A_250 = arith.constant 0 : index
    tpu.barrier barrier_id(%barrier3A_250)
    %mul3A_251 = arith.constant 640 : i32
    %mul3A_252 = arith.muli %arg1, %mul3A_251 : i32
    %mul3A_253 = arith.constant 640 : i32
    %mul3A_254 = arith.muli %arg1, %mul3A_253 : i32
    %run_scoped3A_255 = arith.constant 0 : i32
    "tpu.region"() ({
      %run_scoped3A_261 = tpu.sem_alloc : memref<!tpu.dma_semaphore, #tpu.memory_space<semaphore_mem>>
      %dma_start3A = tpu.memref_slice %arg3[%arg0, %run_scoped3A_255, %mul3A_254] : memref<2x2x10240xf32, #tpu.memory_space<hbm>> -> memref<1x1x640xf32, #tpu.memory_space<hbm>>
      %dma_start3A_262 = tpu.memref_squeeze %dma_start3A : memref<1x1x640xf32, #tpu.memory_space<hbm>> -> memref<640xf32, #tpu.memory_space<hbm>>
      %dma_start3A_263 = tpu.memref_slice %arg8[%mul3A_252] : memref<10240xf32, #tpu.memory_space<vmem_shared>> -> memref<640xf32, #tpu.memory_space<vmem_shared>>
      tpu.enqueue_dma source(%dma_start3A_263 : memref<640xf32, #tpu.memory_space<vmem_shared>>) target(%dma_start3A_262 : memref<640xf32, #tpu.memory_space<hbm>>) target_semaphore(%run_scoped3A_261 : memref<!tpu.dma_semaphore, #tpu.memory_space<semaphore_mem>>)
      %dma_wait3A = tpu.memref_slice %arg3[%arg0, %run_scoped3A_255, %mul3A_254] : memref<2x2x10240xf32, #tpu.memory_space<hbm>> -> memref<1x1x640xf32, #tpu.memory_space<hbm>>
      %dma_wait3A_264 = tpu.memref_squeeze %dma_wait3A : memref<1x1x640xf32, #tpu.memory_space<hbm>> -> memref<640xf32, #tpu.memory_space<hbm>>
      %dma_wait3A_265 = tpu.memref_slice %arg8[%mul3A_252] : memref<10240xf32, #tpu.memory_space<vmem_shared>> -> memref<640xf32, #tpu.memory_space<vmem_shared>>
      tpu.wait_dma2 semaphore(%run_scoped3A_261 : memref<!tpu.dma_semaphore, #tpu.memory_space<semaphore_mem>>) src(%dma_wait3A_265 : memref<640xf32, #tpu.memory_space<vmem_shared>>) dst(%dma_wait3A_264 : memref<640xf32, #tpu.memory_space<hbm>>)
      tpu.yield
    }) : () -> ()
    %mul3A_256 = arith.constant 640 : i32
    %mul3A_257 = arith.muli %arg1, %mul3A_256 : i32
    %mul3A_258 = arith.constant 640 : i32
    %mul3A_259 = arith.muli %arg1, %mul3A_258 : i32
    %run_scoped3A_260 = arith.constant 1 : i32
    "tpu.region"() ({
      %run_scoped3A_261 = tpu.sem_alloc : memref<!tpu.dma_semaphore, #tpu.memory_space<semaphore_mem>>
      %dma_start3A = tpu.memref_slice %arg3[%arg0, %run_scoped3A_260, %mul3A_259] : memref<2x2x10240xf32, #tpu.memory_space<hbm>> -> memref<1x1x640xf32, #tpu.memory_space<hbm>>
      %dma_start3A_262 = tpu.memref_squeeze %dma_start3A : memref<1x1x640xf32, #tpu.memory_space<hbm>> -> memref<640xf32, #tpu.memory_space<hbm>>
      %dma_start3A_263 = tpu.memref_slice %arg9[%mul3A_257] : memref<10240xf32, #tpu.memory_space<vmem_shared>> -> memref<640xf32, #tpu.memory_space<vmem_shared>>
      tpu.enqueue_dma source(%dma_start3A_263 : memref<640xf32, #tpu.memory_space<vmem_shared>>) target(%dma_start3A_262 : memref<640xf32, #tpu.memory_space<hbm>>) target_semaphore(%run_scoped3A_261 : memref<!tpu.dma_semaphore, #tpu.memory_space<semaphore_mem>>)
      %dma_wait3A = tpu.memref_slice %arg3[%arg0, %run_scoped3A_260, %mul3A_259] : memref<2x2x10240xf32, #tpu.memory_space<hbm>> -> memref<1x1x640xf32, #tpu.memory_space<hbm>>
      %dma_wait3A_264 = tpu.memref_squeeze %dma_wait3A : memref<1x1x640xf32, #tpu.memory_space<hbm>> -> memref<640xf32, #tpu.memory_space<hbm>>
      %dma_wait3A_265 = tpu.memref_slice %arg9[%mul3A_257] : memref<10240xf32, #tpu.memory_space<vmem_shared>> -> memref<640xf32, #tpu.memory_space<vmem_shared>>
      tpu.wait_dma2 semaphore(%run_scoped3A_261 : memref<!tpu.dma_semaphore, #tpu.memory_space<semaphore_mem>>) src(%dma_wait3A_265 : memref<640xf32, #tpu.memory_space<vmem_shared>>) dst(%dma_wait3A_264 : memref<640xf32, #tpu.memory_space<hbm>>)
      tpu.yield
    }) : () -> ()
    return
  }
}

#map = affine_map<(d0, d1) -> (0, 0)>
#map1 = affine_map<(d0, d1) -> (0, 0, 0, 0, 0)>
module attributes {stable_mosaic.version = 14 : i64} {
  func.func @_edge_body(%arg0: i32, %arg1: i32, %arg2: memref<10000x128xf32, #tpu.memory_space<hbm>>, %arg3: memref<10000x128xf32, #tpu.memory_space<hbm>>, %arg4: memref<10000x128xf32, #tpu.memory_space<hbm>>, %arg5: memref<10000x128xf32, #tpu.memory_space<hbm>>, %arg6: memref<2x16x2x40x128xi32, #tpu.memory_space<hbm>>, %arg7: memref<632x128xf32, #tpu.memory_space<hbm>>, %arg8: memref<10112x128xf32, #tpu.memory_space<hbm>>, %arg9: memref<10112x128xf32, #tpu.memory_space<hbm>>, %arg10: memref<10112x128xf32, #tpu.memory_space<hbm>>, %arg11: memref<10112x128xf32, #tpu.memory_space<hbm>>, %arg12: memref<80x128xi32, #tpu.memory_space<vmem>>, %arg13: memref<128x128xf32, #tpu.memory_space<vmem>>, %arg14: memref<128x128xf32, #tpu.memory_space<vmem>>, %arg15: memref<10112x128xf32, #tpu.memory_space<vmem_shared>>, %arg16: memref<!tpu.dma_semaphore, #tpu.memory_space<semaphore_mem>>, %arg17: memref<!tpu.dma_semaphore, #tpu.memory_space<semaphore_mem>>) attributes {dimension_semantics = [#tpu.dimension_semantics<core_parallel>, #tpu.dimension_semantics<subcore_parallel>], iteration_bounds = array<i64: 2, 16>, scalar_prefetch = 0 : i64, scratch_operands = 6 : i64, tpu.core_type = #tpu.core_type<sc_vector_subcore>, window_params = [{transform_indices = #map}, {transform_indices = #map}, {transform_indices = #map}, {transform_indices = #map}, {transform_indices = #map1}, {transform_indices = #map}, {transform_indices = #map}, {transform_indices = #map}, {transform_indices = #map}, {transform_indices = #map}]} {
    %eq3A = arith.constant 0 : i32
    %eq3A_0 = arith.cmpi eq, %arg0, %eq3A : i32
    %convert_element_type3A = arith.extui %eq3A_0 : i1 to i32
    %cond3A = arith.constant 0 : i32
    %cond3A_1 = arith.cmpi ne, %convert_element_type3A, %cond3A : i32
    scf.if %cond3A_1 {
      %mul3A = arith.constant 632 : i32
      %mul3A_17 = arith.muli %arg1, %mul3A : i32
      "tpu.region"() ({
        %run_scoped3A_56 = tpu.sem_alloc : memref<!tpu.dma_semaphore, #tpu.memory_space<semaphore_mem>>
        %dma_start3A_57 = arith.constant 0 : i32
        %dma_start3A_58 = tpu.memref_slice %arg15[%mul3A_17, %dma_start3A_57] : memref<10112x128xf32, #tpu.memory_space<vmem_shared>> -> memref<632x128xf32, #tpu.memory_space<vmem_shared>>
        tpu.enqueue_dma source(%arg7 : memref<632x128xf32, #tpu.memory_space<hbm>>) target(%dma_start3A_58 : memref<632x128xf32, #tpu.memory_space<vmem_shared>>) target_semaphore(%run_scoped3A_56 : memref<!tpu.dma_semaphore, #tpu.memory_space<semaphore_mem>>)
        %dma_wait3A = arith.constant 0 : i32
        %dma_wait3A_59 = tpu.memref_slice %arg15[%mul3A_17, %dma_wait3A] : memref<10112x128xf32, #tpu.memory_space<vmem_shared>> -> memref<632x128xf32, #tpu.memory_space<vmem_shared>>
        tpu.wait_dma2 semaphore(%run_scoped3A_56 : memref<!tpu.dma_semaphore, #tpu.memory_space<semaphore_mem>>) src(%arg7 : memref<632x128xf32, #tpu.memory_space<hbm>>) dst(%dma_wait3A_59 : memref<632x128xf32, #tpu.memory_space<vmem_shared>>)
        tpu.yield
      }) : () -> ()
      %barrier3A = arith.constant 0 : index
      tpu.barrier barrier_id(%barrier3A)
      %run_scoped3A = arith.constant 0 : i32
      %run_scoped3A_18 = arith.constant 0 : i32
      "tpu.region"() ({
        %run_scoped3A_56 = tpu.sem_alloc : memref<!tpu.dma_semaphore, #tpu.memory_space<semaphore_mem>>
        %dma_start3A_57 = arith.constant 0 : i32
        %dma_start3A_58 = arith.constant 0 : i32
        %dma_start3A_59 = tpu.memref_slice %arg12[%dma_start3A_57, %dma_start3A_58] : memref<80x128xi32, #tpu.memory_space<vmem>> -> memref<40x128xi32, #tpu.memory_space<vmem>>
        %dma_start3A_60 = arith.constant 0 : i32
        %dma_start3A_61 = arith.constant 0 : i32
        %dma_start3A_62 = tpu.memref_slice %arg6[%run_scoped3A, %arg1, %run_scoped3A_18, %dma_start3A_60, %dma_start3A_61] : memref<2x16x2x40x128xi32, #tpu.memory_space<hbm>> -> memref<1x1x1x40x128xi32, #tpu.memory_space<hbm>>
        %dma_start3A_63 = tpu.memref_squeeze %dma_start3A_62 : memref<1x1x1x40x128xi32, #tpu.memory_space<hbm>> -> memref<40x128xi32, #tpu.memory_space<hbm>>
        %dma_start3A_64 = arith.constant 0 : i32
        %dma_start3A_65 = arith.constant 0 : i32
        %dma_start3A_66 = tpu.memref_slice %arg12[%dma_start3A_64, %dma_start3A_65] : memref<80x128xi32, #tpu.memory_space<vmem>> -> memref<40x128xi32, #tpu.memory_space<vmem>>
        %dma_start3A_67 = arith.constant 0 : i32
        %dma_start3A_68 = arith.constant 0 : i32
        %dma_start3A_69 = tpu.memref_slice %arg6[%run_scoped3A, %arg1, %run_scoped3A_18, %dma_start3A_67, %dma_start3A_68] : memref<2x16x2x40x128xi32, #tpu.memory_space<hbm>> -> memref<1x1x1x40x128xi32, #tpu.memory_space<hbm>>
        %dma_start3A_70 = tpu.memref_squeeze %dma_start3A_69 : memref<1x1x1x40x128xi32, #tpu.memory_space<hbm>> -> memref<40x128xi32, #tpu.memory_space<hbm>>
        tpu.enqueue_dma source(%dma_start3A_70 : memref<40x128xi32, #tpu.memory_space<hbm>>) target(%dma_start3A_66 : memref<40x128xi32, #tpu.memory_space<vmem>>) target_semaphore(%run_scoped3A_56 : memref<!tpu.dma_semaphore, #tpu.memory_space<semaphore_mem>>)
        %dma_wait3A = arith.constant 0 : i32
        %dma_wait3A_71 = arith.constant 0 : i32
        %dma_wait3A_72 = tpu.memref_slice %arg12[%dma_wait3A, %dma_wait3A_71] : memref<80x128xi32, #tpu.memory_space<vmem>> -> memref<40x128xi32, #tpu.memory_space<vmem>>
        %dma_wait3A_73 = arith.constant 0 : i32
        %dma_wait3A_74 = arith.constant 0 : i32
        %dma_wait3A_75 = tpu.memref_slice %arg6[%run_scoped3A, %arg1, %run_scoped3A_18, %dma_wait3A_73, %dma_wait3A_74] : memref<2x16x2x40x128xi32, #tpu.memory_space<hbm>> -> memref<1x1x1x40x128xi32, #tpu.memory_space<hbm>>
        %dma_wait3A_76 = tpu.memref_squeeze %dma_wait3A_75 : memref<1x1x1x40x128xi32, #tpu.memory_space<hbm>> -> memref<40x128xi32, #tpu.memory_space<hbm>>
        %dma_wait3A_77 = arith.constant 0 : i32
        %dma_wait3A_78 = arith.constant 0 : i32
        %dma_wait3A_79 = tpu.memref_slice %arg12[%dma_wait3A_77, %dma_wait3A_78] : memref<80x128xi32, #tpu.memory_space<vmem>> -> memref<40x128xi32, #tpu.memory_space<vmem>>
        %dma_wait3A_80 = arith.constant 0 : i32
        %dma_wait3A_81 = arith.constant 0 : i32
        %dma_wait3A_82 = tpu.memref_slice %arg6[%run_scoped3A, %arg1, %run_scoped3A_18, %dma_wait3A_80, %dma_wait3A_81] : memref<2x16x2x40x128xi32, #tpu.memory_space<hbm>> -> memref<1x1x1x40x128xi32, #tpu.memory_space<hbm>>
        %dma_wait3A_83 = tpu.memref_squeeze %dma_wait3A_82 : memref<1x1x1x40x128xi32, #tpu.memory_space<hbm>> -> memref<40x128xi32, #tpu.memory_space<hbm>>
        tpu.wait_dma2 semaphore(%run_scoped3A_56 : memref<!tpu.dma_semaphore, #tpu.memory_space<semaphore_mem>>) src(%dma_wait3A_83 : memref<40x128xi32, #tpu.memory_space<hbm>>) dst(%dma_wait3A_79 : memref<40x128xi32, #tpu.memory_space<vmem>>)
        tpu.yield
      }) : () -> ()
      %run_scoped3A_19 = arith.constant 1 : i32
      %run_scoped3A_20 = arith.constant 0 : i32
      "tpu.region"() ({
        %run_scoped3A_56 = tpu.sem_alloc : memref<!tpu.dma_semaphore, #tpu.memory_space<semaphore_mem>>
        %dma_start3A_57 = arith.constant 40 : i32
        %dma_start3A_58 = arith.constant 0 : i32
        %dma_start3A_59 = tpu.memref_slice %arg12[%dma_start3A_57, %dma_start3A_58] : memref<80x128xi32, #tpu.memory_space<vmem>> -> memref<40x128xi32, #tpu.memory_space<vmem>>
        %dma_start3A_60 = arith.constant 0 : i32
        %dma_start3A_61 = arith.constant 0 : i32
        %dma_start3A_62 = tpu.memref_slice %arg6[%run_scoped3A_19, %arg1, %run_scoped3A_20, %dma_start3A_60, %dma_start3A_61] : memref<2x16x2x40x128xi32, #tpu.memory_space<hbm>> -> memref<1x1x1x40x128xi32, #tpu.memory_space<hbm>>
        %dma_start3A_63 = tpu.memref_squeeze %dma_start3A_62 : memref<1x1x1x40x128xi32, #tpu.memory_space<hbm>> -> memref<40x128xi32, #tpu.memory_space<hbm>>
        %dma_start3A_64 = arith.constant 40 : i32
        %dma_start3A_65 = arith.constant 0 : i32
        %dma_start3A_66 = tpu.memref_slice %arg12[%dma_start3A_64, %dma_start3A_65] : memref<80x128xi32, #tpu.memory_space<vmem>> -> memref<40x128xi32, #tpu.memory_space<vmem>>
        %dma_start3A_67 = arith.constant 0 : i32
        %dma_start3A_68 = arith.constant 0 : i32
        %dma_start3A_69 = tpu.memref_slice %arg6[%run_scoped3A_19, %arg1, %run_scoped3A_20, %dma_start3A_67, %dma_start3A_68] : memref<2x16x2x40x128xi32, #tpu.memory_space<hbm>> -> memref<1x1x1x40x128xi32, #tpu.memory_space<hbm>>
        %dma_start3A_70 = tpu.memref_squeeze %dma_start3A_69 : memref<1x1x1x40x128xi32, #tpu.memory_space<hbm>> -> memref<40x128xi32, #tpu.memory_space<hbm>>
        tpu.enqueue_dma source(%dma_start3A_70 : memref<40x128xi32, #tpu.memory_space<hbm>>) target(%dma_start3A_66 : memref<40x128xi32, #tpu.memory_space<vmem>>) target_semaphore(%run_scoped3A_56 : memref<!tpu.dma_semaphore, #tpu.memory_space<semaphore_mem>>)
        %dma_wait3A = arith.constant 40 : i32
        %dma_wait3A_71 = arith.constant 0 : i32
        %dma_wait3A_72 = tpu.memref_slice %arg12[%dma_wait3A, %dma_wait3A_71] : memref<80x128xi32, #tpu.memory_space<vmem>> -> memref<40x128xi32, #tpu.memory_space<vmem>>
        %dma_wait3A_73 = arith.constant 0 : i32
        %dma_wait3A_74 = arith.constant 0 : i32
        %dma_wait3A_75 = tpu.memref_slice %arg6[%run_scoped3A_19, %arg1, %run_scoped3A_20, %dma_wait3A_73, %dma_wait3A_74] : memref<2x16x2x40x128xi32, #tpu.memory_space<hbm>> -> memref<1x1x1x40x128xi32, #tpu.memory_space<hbm>>
        %dma_wait3A_76 = tpu.memref_squeeze %dma_wait3A_75 : memref<1x1x1x40x128xi32, #tpu.memory_space<hbm>> -> memref<40x128xi32, #tpu.memory_space<hbm>>
        %dma_wait3A_77 = arith.constant 40 : i32
        %dma_wait3A_78 = arith.constant 0 : i32
        %dma_wait3A_79 = tpu.memref_slice %arg12[%dma_wait3A_77, %dma_wait3A_78] : memref<80x128xi32, #tpu.memory_space<vmem>> -> memref<40x128xi32, #tpu.memory_space<vmem>>
        %dma_wait3A_80 = arith.constant 0 : i32
        %dma_wait3A_81 = arith.constant 0 : i32
        %dma_wait3A_82 = tpu.memref_slice %arg6[%run_scoped3A_19, %arg1, %run_scoped3A_20, %dma_wait3A_80, %dma_wait3A_81] : memref<2x16x2x40x128xi32, #tpu.memory_space<hbm>> -> memref<1x1x1x40x128xi32, #tpu.memory_space<hbm>>
        %dma_wait3A_83 = tpu.memref_squeeze %dma_wait3A_82 : memref<1x1x1x40x128xi32, #tpu.memory_space<hbm>> -> memref<40x128xi32, #tpu.memory_space<hbm>>
        tpu.wait_dma2 semaphore(%run_scoped3A_56 : memref<!tpu.dma_semaphore, #tpu.memory_space<semaphore_mem>>) src(%dma_wait3A_83 : memref<40x128xi32, #tpu.memory_space<hbm>>) dst(%dma_wait3A_79 : memref<40x128xi32, #tpu.memory_space<vmem>>)
        tpu.yield
      }) : () -> ()
      %dma_start3A = arith.constant 0 : i32
      %dma_start3A_21 = arith.constant 0 : i32
      %dma_start3A_22 = tpu.memref_slice %arg12[%dma_start3A, %dma_start3A_21] : memref<80x128xi32, #tpu.memory_space<vmem>> -> memref<1x128xi32, #tpu.memory_space<vmem>>
      %dma_start3A_23 = tpu.memref_squeeze %dma_start3A_22 : memref<1x128xi32, #tpu.memory_space<vmem>> -> memref<128xi32, #tpu.memory_space<vmem>>
      %dma_start3A_24 = arith.constant 0 : i32
      %dma_start3A_25 = arith.constant 0 : i32
      %dma_start3A_26 = tpu.memref_slice %arg2[%dma_start3A_24, %dma_start3A_25] : memref<10000x128xf32, #tpu.memory_space<hbm>> -> memref<10000x128xf32, #tpu.memory_space<hbm>>
      tpu.enqueue_indirect_dma source(%dma_start3A_26 : memref<10000x128xf32, #tpu.memory_space<hbm>>) target(%arg13 : memref<128x128xf32, #tpu.memory_space<vmem>>) offsets(%dma_start3A_23 : memref<128xi32, #tpu.memory_space<vmem>>) semaphore(%arg16 : memref<!tpu.dma_semaphore, #tpu.memory_space<semaphore_mem>>)
      %scan3A = arith.constant 0 : i32
      %scan3A_27 = arith.constant 0 : i32
      %scan3A_28 = arith.constant 20 : i32
      %scan3A_29 = arith.addi %scan3A_27, %scan3A_28 : i32
      %scan3A_30 = arith.constant 1 : i32
      %scan3A_31 = scf.for %scan3A_56 = %scan3A_27 to %scan3A_29 step %scan3A_30 iter_args(%scan3A_57 = %scan3A) -> (i32)  : i32 {
        %mul3A_58 = arith.constant 2 : i32
        %mul3A_59 = arith.muli %mul3A_58, %scan3A_56 : i32
        %dma_wait3A = arith.constant 0 : i32
        %dma_wait3A_60 = tpu.memref_slice %arg12[%mul3A_59, %dma_wait3A] : memref<80x128xi32, #tpu.memory_space<vmem>> -> memref<1x128xi32, #tpu.memory_space<vmem>>
        %dma_wait3A_61 = tpu.memref_squeeze %dma_wait3A_60 : memref<1x128xi32, #tpu.memory_space<vmem>> -> memref<128xi32, #tpu.memory_space<vmem>>
        %dma_wait3A_62 = arith.constant 0 : i32
        %dma_wait3A_63 = arith.constant 0 : i32
        %dma_wait3A_64 = tpu.memref_slice %arg2[%dma_wait3A_62, %dma_wait3A_63] : memref<10000x128xf32, #tpu.memory_space<hbm>> -> memref<10000x128xf32, #tpu.memory_space<hbm>>
        tpu.wait_indirect_dma semaphore(%arg16 : memref<!tpu.dma_semaphore, #tpu.memory_space<semaphore_mem>>) src(%dma_wait3A_64 : memref<10000x128xf32, #tpu.memory_space<hbm>>) dst(%arg13 : memref<128x128xf32, #tpu.memory_space<vmem>>)
        %add3A = arith.constant 1 : i32
        %add3A_65 = arith.addi %mul3A_59, %add3A : i32
        %dma_start3A_66 = arith.constant 0 : i32
        %dma_start3A_67 = tpu.memref_slice %arg12[%add3A_65, %dma_start3A_66] : memref<80x128xi32, #tpu.memory_space<vmem>> -> memref<1x128xi32, #tpu.memory_space<vmem>>
        %dma_start3A_68 = tpu.memref_squeeze %dma_start3A_67 : memref<1x128xi32, #tpu.memory_space<vmem>> -> memref<128xi32, #tpu.memory_space<vmem>>
        %dma_start3A_69 = arith.constant 0 : i32
        %dma_start3A_70 = arith.constant 0 : i32
        %dma_start3A_71 = tpu.memref_slice %arg2[%dma_start3A_69, %dma_start3A_70] : memref<10000x128xf32, #tpu.memory_space<hbm>> -> memref<10000x128xf32, #tpu.memory_space<hbm>>
        tpu.enqueue_indirect_dma source(%dma_start3A_71 : memref<10000x128xf32, #tpu.memory_space<hbm>>) target(%arg14 : memref<128x128xf32, #tpu.memory_space<vmem>>) offsets(%dma_start3A_68 : memref<128xi32, #tpu.memory_space<vmem>>) semaphore(%arg17 : memref<!tpu.dma_semaphore, #tpu.memory_space<semaphore_mem>>)
        %add3A_72 = arith.constant 40 : i32
        %add3A_73 = arith.addi %add3A_72, %mul3A_59 : i32
        "tpu.region"() ({
          %run_scoped3A_89 = tpu.sem_alloc : memref<!tpu.dma_semaphore, #tpu.memory_space<semaphore_mem>>
          %dma_start3A_90 = arith.constant 0 : i32
          %dma_start3A_91 = tpu.memref_slice %arg12[%add3A_73, %dma_start3A_90] : memref<80x128xi32, #tpu.memory_space<vmem>> -> memref<1x128xi32, #tpu.memory_space<vmem>>
          %dma_start3A_92 = tpu.memref_squeeze %dma_start3A_91 : memref<1x128xi32, #tpu.memory_space<vmem>> -> memref<128xi32, #tpu.memory_space<vmem>>
          %dma_start3A_93 = arith.constant 0 : i32
          %dma_start3A_94 = arith.constant 0 : i32
          %dma_start3A_95 = tpu.memref_slice %arg15[%dma_start3A_93, %dma_start3A_94] : memref<10112x128xf32, #tpu.memory_space<vmem_shared>> -> memref<10112x128xf32, #tpu.memory_space<vmem_shared>>
          tpu.enqueue_indirect_dma source(%arg13 : memref<128x128xf32, #tpu.memory_space<vmem>>) target(%dma_start3A_95 : memref<10112x128xf32, #tpu.memory_space<vmem_shared>>) offsets(%dma_start3A_92 : memref<128xi32, #tpu.memory_space<vmem>>) semaphore(%run_scoped3A_89 : memref<!tpu.dma_semaphore, #tpu.memory_space<semaphore_mem>>) {add = true}
          %dma_wait3A_96 = arith.constant 0 : i32
          %dma_wait3A_97 = tpu.memref_slice %arg12[%add3A_73, %dma_wait3A_96] : memref<80x128xi32, #tpu.memory_space<vmem>> -> memref<1x128xi32, #tpu.memory_space<vmem>>
          %dma_wait3A_98 = tpu.memref_squeeze %dma_wait3A_97 : memref<1x128xi32, #tpu.memory_space<vmem>> -> memref<128xi32, #tpu.memory_space<vmem>>
          %dma_wait3A_99 = arith.constant 0 : i32
          %dma_wait3A_100 = arith.constant 0 : i32
          %dma_wait3A_101 = tpu.memref_slice %arg15[%dma_wait3A_99, %dma_wait3A_100] : memref<10112x128xf32, #tpu.memory_space<vmem_shared>> -> memref<10112x128xf32, #tpu.memory_space<vmem_shared>>
          tpu.wait_indirect_dma semaphore(%run_scoped3A_89 : memref<!tpu.dma_semaphore, #tpu.memory_space<semaphore_mem>>) src(%arg13 : memref<128x128xf32, #tpu.memory_space<vmem>>) dst(%dma_wait3A_101 : memref<10112x128xf32, #tpu.memory_space<vmem_shared>>)
          tpu.yield
        }) : () -> ()
        %add3A_74 = arith.constant 1 : i32
        %add3A_75 = arith.addi %mul3A_59, %add3A_74 : i32
        %dma_wait3A_76 = arith.constant 0 : i32
        %dma_wait3A_77 = tpu.memref_slice %arg12[%add3A_75, %dma_wait3A_76] : memref<80x128xi32, #tpu.memory_space<vmem>> -> memref<1x128xi32, #tpu.memory_space<vmem>>
        %dma_wait3A_78 = tpu.memref_squeeze %dma_wait3A_77 : memref<1x128xi32, #tpu.memory_space<vmem>> -> memref<128xi32, #tpu.memory_space<vmem>>
        %dma_wait3A_79 = arith.constant 0 : i32
        %dma_wait3A_80 = arith.constant 0 : i32
        %dma_wait3A_81 = tpu.memref_slice %arg2[%dma_wait3A_79, %dma_wait3A_80] : memref<10000x128xf32, #tpu.memory_space<hbm>> -> memref<10000x128xf32, #tpu.memory_space<hbm>>
        tpu.wait_indirect_dma semaphore(%arg17 : memref<!tpu.dma_semaphore, #tpu.memory_space<semaphore_mem>>) src(%dma_wait3A_81 : memref<10000x128xf32, #tpu.memory_space<hbm>>) dst(%arg14 : memref<128x128xf32, #tpu.memory_space<vmem>>)
        %lt3A = arith.constant 19 : i32
        %lt3A_82 = arith.cmpi slt, %scan3A_56, %lt3A : i32
        %convert_element_type3A_83 = arith.extui %lt3A_82 : i1 to i32
        %cond3A_84 = arith.constant 0 : i32
        %cond3A_85 = arith.cmpi ne, %convert_element_type3A_83, %cond3A_84 : i32
        scf.if %cond3A_85 {
          %add3A_89 = arith.constant 2 : i32
          %add3A_90 = arith.addi %mul3A_59, %add3A_89 : i32
          %dma_start3A_91 = arith.constant 0 : i32
          %dma_start3A_92 = tpu.memref_slice %arg12[%add3A_90, %dma_start3A_91] : memref<80x128xi32, #tpu.memory_space<vmem>> -> memref<1x128xi32, #tpu.memory_space<vmem>>
          %dma_start3A_93 = tpu.memref_squeeze %dma_start3A_92 : memref<1x128xi32, #tpu.memory_space<vmem>> -> memref<128xi32, #tpu.memory_space<vmem>>
          %dma_start3A_94 = arith.constant 0 : i32
          %dma_start3A_95 = arith.constant 0 : i32
          %dma_start3A_96 = tpu.memref_slice %arg2[%dma_start3A_94, %dma_start3A_95] : memref<10000x128xf32, #tpu.memory_space<hbm>> -> memref<10000x128xf32, #tpu.memory_space<hbm>>
          tpu.enqueue_indirect_dma source(%dma_start3A_96 : memref<10000x128xf32, #tpu.memory_space<hbm>>) target(%arg13 : memref<128x128xf32, #tpu.memory_space<vmem>>) offsets(%dma_start3A_93 : memref<128xi32, #tpu.memory_space<vmem>>) semaphore(%arg16 : memref<!tpu.dma_semaphore, #tpu.memory_space<semaphore_mem>>)
        } else {
        }
        %add3A_86 = arith.constant 41 : i32
        %add3A_87 = arith.addi %add3A_86, %mul3A_59 : i32
        "tpu.region"() ({
          %run_scoped3A_89 = tpu.sem_alloc : memref<!tpu.dma_semaphore, #tpu.memory_space<semaphore_mem>>
          %dma_start3A_90 = arith.constant 0 : i32
          %dma_start3A_91 = tpu.memref_slice %arg12[%add3A_87, %dma_start3A_90] : memref<80x128xi32, #tpu.memory_space<vmem>> -> memref<1x128xi32, #tpu.memory_space<vmem>>
          %dma_start3A_92 = tpu.memref_squeeze %dma_start3A_91 : memref<1x128xi32, #tpu.memory_space<vmem>> -> memref<128xi32, #tpu.memory_space<vmem>>
          %dma_start3A_93 = arith.constant 0 : i32
          %dma_start3A_94 = arith.constant 0 : i32
          %dma_start3A_95 = tpu.memref_slice %arg15[%dma_start3A_93, %dma_start3A_94] : memref<10112x128xf32, #tpu.memory_space<vmem_shared>> -> memref<10112x128xf32, #tpu.memory_space<vmem_shared>>
          tpu.enqueue_indirect_dma source(%arg14 : memref<128x128xf32, #tpu.memory_space<vmem>>) target(%dma_start3A_95 : memref<10112x128xf32, #tpu.memory_space<vmem_shared>>) offsets(%dma_start3A_92 : memref<128xi32, #tpu.memory_space<vmem>>) semaphore(%run_scoped3A_89 : memref<!tpu.dma_semaphore, #tpu.memory_space<semaphore_mem>>) {add = true}
          %dma_wait3A_96 = arith.constant 0 : i32
          %dma_wait3A_97 = tpu.memref_slice %arg12[%add3A_87, %dma_wait3A_96] : memref<80x128xi32, #tpu.memory_space<vmem>> -> memref<1x128xi32, #tpu.memory_space<vmem>>
          %dma_wait3A_98 = tpu.memref_squeeze %dma_wait3A_97 : memref<1x128xi32, #tpu.memory_space<vmem>> -> memref<128xi32, #tpu.memory_space<vmem>>
          %dma_wait3A_99 = arith.constant 0 : i32
          %dma_wait3A_100 = arith.constant 0 : i32
          %dma_wait3A_101 = tpu.memref_slice %arg15[%dma_wait3A_99, %dma_wait3A_100] : memref<10112x128xf32, #tpu.memory_space<vmem_shared>> -> memref<10112x128xf32, #tpu.memory_space<vmem_shared>>
          tpu.wait_indirect_dma semaphore(%run_scoped3A_89 : memref<!tpu.dma_semaphore, #tpu.memory_space<semaphore_mem>>) src(%arg14 : memref<128x128xf32, #tpu.memory_space<vmem>>) dst(%dma_wait3A_101 : memref<10112x128xf32, #tpu.memory_space<vmem_shared>>)
          tpu.yield
        }) : () -> ()
        %scan3A_88 = arith.constant 0 : i32
        scf.yield %scan3A_88 : i32
      }
      %scan3A_32 = arith.constant 20 : i32
      %run_scoped3A_33 = arith.constant 0 : i32
      %run_scoped3A_34 = arith.constant 1 : i32
      "tpu.region"() ({
        %run_scoped3A_56 = tpu.sem_alloc : memref<!tpu.dma_semaphore, #tpu.memory_space<semaphore_mem>>
        %dma_start3A_57 = arith.constant 0 : i32
        %dma_start3A_58 = arith.constant 0 : i32
        %dma_start3A_59 = tpu.memref_slice %arg12[%dma_start3A_57, %dma_start3A_58] : memref<80x128xi32, #tpu.memory_space<vmem>> -> memref<40x128xi32, #tpu.memory_space<vmem>>
        %dma_start3A_60 = arith.constant 0 : i32
        %dma_start3A_61 = arith.constant 0 : i32
        %dma_start3A_62 = tpu.memref_slice %arg6[%run_scoped3A_33, %arg1, %run_scoped3A_34, %dma_start3A_60, %dma_start3A_61] : memref<2x16x2x40x128xi32, #tpu.memory_space<hbm>> -> memref<1x1x1x40x128xi32, #tpu.memory_space<hbm>>
        %dma_start3A_63 = tpu.memref_squeeze %dma_start3A_62 : memref<1x1x1x40x128xi32, #tpu.memory_space<hbm>> -> memref<40x128xi32, #tpu.memory_space<hbm>>
        %dma_start3A_64 = arith.constant 0 : i32
        %dma_start3A_65 = arith.constant 0 : i32
        %dma_start3A_66 = tpu.memref_slice %arg12[%dma_start3A_64, %dma_start3A_65] : memref<80x128xi32, #tpu.memory_space<vmem>> -> memref<40x128xi32, #tpu.memory_space<vmem>>
        %dma_start3A_67 = arith.constant 0 : i32
        %dma_start3A_68 = arith.constant 0 : i32
        %dma_start3A_69 = tpu.memref_slice %arg6[%run_scoped3A_33, %arg1, %run_scoped3A_34, %dma_start3A_67, %dma_start3A_68] : memref<2x16x2x40x128xi32, #tpu.memory_space<hbm>> -> memref<1x1x1x40x128xi32, #tpu.memory_space<hbm>>
        %dma_start3A_70 = tpu.memref_squeeze %dma_start3A_69 : memref<1x1x1x40x128xi32, #tpu.memory_space<hbm>> -> memref<40x128xi32, #tpu.memory_space<hbm>>
        tpu.enqueue_dma source(%dma_start3A_70 : memref<40x128xi32, #tpu.memory_space<hbm>>) target(%dma_start3A_66 : memref<40x128xi32, #tpu.memory_space<vmem>>) target_semaphore(%run_scoped3A_56 : memref<!tpu.dma_semaphore, #tpu.memory_space<semaphore_mem>>)
        %dma_wait3A = arith.constant 0 : i32
        %dma_wait3A_71 = arith.constant 0 : i32
        %dma_wait3A_72 = tpu.memref_slice %arg12[%dma_wait3A, %dma_wait3A_71] : memref<80x128xi32, #tpu.memory_space<vmem>> -> memref<40x128xi32, #tpu.memory_space<vmem>>
        %dma_wait3A_73 = arith.constant 0 : i32
        %dma_wait3A_74 = arith.constant 0 : i32
        %dma_wait3A_75 = tpu.memref_slice %arg6[%run_scoped3A_33, %arg1, %run_scoped3A_34, %dma_wait3A_73, %dma_wait3A_74] : memref<2x16x2x40x128xi32, #tpu.memory_space<hbm>> -> memref<1x1x1x40x128xi32, #tpu.memory_space<hbm>>
        %dma_wait3A_76 = tpu.memref_squeeze %dma_wait3A_75 : memref<1x1x1x40x128xi32, #tpu.memory_space<hbm>> -> memref<40x128xi32, #tpu.memory_space<hbm>>
        %dma_wait3A_77 = arith.constant 0 : i32
        %dma_wait3A_78 = arith.constant 0 : i32
        %dma_wait3A_79 = tpu.memref_slice %arg12[%dma_wait3A_77, %dma_wait3A_78] : memref<80x128xi32, #tpu.memory_space<vmem>> -> memref<40x128xi32, #tpu.memory_space<vmem>>
        %dma_wait3A_80 = arith.constant 0 : i32
        %dma_wait3A_81 = arith.constant 0 : i32
        %dma_wait3A_82 = tpu.memref_slice %arg6[%run_scoped3A_33, %arg1, %run_scoped3A_34, %dma_wait3A_80, %dma_wait3A_81] : memref<2x16x2x40x128xi32, #tpu.memory_space<hbm>> -> memref<1x1x1x40x128xi32, #tpu.memory_space<hbm>>
        %dma_wait3A_83 = tpu.memref_squeeze %dma_wait3A_82 : memref<1x1x1x40x128xi32, #tpu.memory_space<hbm>> -> memref<40x128xi32, #tpu.memory_space<hbm>>
        tpu.wait_dma2 semaphore(%run_scoped3A_56 : memref<!tpu.dma_semaphore, #tpu.memory_space<semaphore_mem>>) src(%dma_wait3A_83 : memref<40x128xi32, #tpu.memory_space<hbm>>) dst(%dma_wait3A_79 : memref<40x128xi32, #tpu.memory_space<vmem>>)
        tpu.yield
      }) : () -> ()
      %run_scoped3A_35 = arith.constant 1 : i32
      %run_scoped3A_36 = arith.constant 1 : i32
      "tpu.region"() ({
        %run_scoped3A_56 = tpu.sem_alloc : memref<!tpu.dma_semaphore, #tpu.memory_space<semaphore_mem>>
        %dma_start3A_57 = arith.constant 40 : i32
        %dma_start3A_58 = arith.constant 0 : i32
        %dma_start3A_59 = tpu.memref_slice %arg12[%dma_start3A_57, %dma_start3A_58] : memref<80x128xi32, #tpu.memory_space<vmem>> -> memref<40x128xi32, #tpu.memory_space<vmem>>
        %dma_start3A_60 = arith.constant 0 : i32
        %dma_start3A_61 = arith.constant 0 : i32
        %dma_start3A_62 = tpu.memref_slice %arg6[%run_scoped3A_35, %arg1, %run_scoped3A_36, %dma_start3A_60, %dma_start3A_61] : memref<2x16x2x40x128xi32, #tpu.memory_space<hbm>> -> memref<1x1x1x40x128xi32, #tpu.memory_space<hbm>>
        %dma_start3A_63 = tpu.memref_squeeze %dma_start3A_62 : memref<1x1x1x40x128xi32, #tpu.memory_space<hbm>> -> memref<40x128xi32, #tpu.memory_space<hbm>>
        %dma_start3A_64 = arith.constant 40 : i32
        %dma_start3A_65 = arith.constant 0 : i32
        %dma_start3A_66 = tpu.memref_slice %arg12[%dma_start3A_64, %dma_start3A_65] : memref<80x128xi32, #tpu.memory_space<vmem>> -> memref<40x128xi32, #tpu.memory_space<vmem>>
        %dma_start3A_67 = arith.constant 0 : i32
        %dma_start3A_68 = arith.constant 0 : i32
        %dma_start3A_69 = tpu.memref_slice %arg6[%run_scoped3A_35, %arg1, %run_scoped3A_36, %dma_start3A_67, %dma_start3A_68] : memref<2x16x2x40x128xi32, #tpu.memory_space<hbm>> -> memref<1x1x1x40x128xi32, #tpu.memory_space<hbm>>
        %dma_start3A_70 = tpu.memref_squeeze %dma_start3A_69 : memref<1x1x1x40x128xi32, #tpu.memory_space<hbm>> -> memref<40x128xi32, #tpu.memory_space<hbm>>
        tpu.enqueue_dma source(%dma_start3A_70 : memref<40x128xi32, #tpu.memory_space<hbm>>) target(%dma_start3A_66 : memref<40x128xi32, #tpu.memory_space<vmem>>) target_semaphore(%run_scoped3A_56 : memref<!tpu.dma_semaphore, #tpu.memory_space<semaphore_mem>>)
        %dma_wait3A = arith.constant 40 : i32
        %dma_wait3A_71 = arith.constant 0 : i32
        %dma_wait3A_72 = tpu.memref_slice %arg12[%dma_wait3A, %dma_wait3A_71] : memref<80x128xi32, #tpu.memory_space<vmem>> -> memref<40x128xi32, #tpu.memory_space<vmem>>
        %dma_wait3A_73 = arith.constant 0 : i32
        %dma_wait3A_74 = arith.constant 0 : i32
        %dma_wait3A_75 = tpu.memref_slice %arg6[%run_scoped3A_35, %arg1, %run_scoped3A_36, %dma_wait3A_73, %dma_wait3A_74] : memref<2x16x2x40x128xi32, #tpu.memory_space<hbm>> -> memref<1x1x1x40x128xi32, #tpu.memory_space<hbm>>
        %dma_wait3A_76 = tpu.memref_squeeze %dma_wait3A_75 : memref<1x1x1x40x128xi32, #tpu.memory_space<hbm>> -> memref<40x128xi32, #tpu.memory_space<hbm>>
        %dma_wait3A_77 = arith.constant 40 : i32
        %dma_wait3A_78 = arith.constant 0 : i32
        %dma_wait3A_79 = tpu.memref_slice %arg12[%dma_wait3A_77, %dma_wait3A_78] : memref<80x128xi32, #tpu.memory_space<vmem>> -> memref<40x128xi32, #tpu.memory_space<vmem>>
        %dma_wait3A_80 = arith.constant 0 : i32
        %dma_wait3A_81 = arith.constant 0 : i32
        %dma_wait3A_82 = tpu.memref_slice %arg6[%run_scoped3A_35, %arg1, %run_scoped3A_36, %dma_wait3A_80, %dma_wait3A_81] : memref<2x16x2x40x128xi32, #tpu.memory_space<hbm>> -> memref<1x1x1x40x128xi32, #tpu.memory_space<hbm>>
        %dma_wait3A_83 = tpu.memref_squeeze %dma_wait3A_82 : memref<1x1x1x40x128xi32, #tpu.memory_space<hbm>> -> memref<40x128xi32, #tpu.memory_space<hbm>>
        tpu.wait_dma2 semaphore(%run_scoped3A_56 : memref<!tpu.dma_semaphore, #tpu.memory_space<semaphore_mem>>) src(%dma_wait3A_83 : memref<40x128xi32, #tpu.memory_space<hbm>>) dst(%dma_wait3A_79 : memref<40x128xi32, #tpu.memory_space<vmem>>)
        tpu.yield
      }) : () -> ()
      %dma_start3A_37 = arith.constant 0 : i32
      %dma_start3A_38 = arith.constant 0 : i32
      %dma_start3A_39 = tpu.memref_slice %arg12[%dma_start3A_37, %dma_start3A_38] : memref<80x128xi32, #tpu.memory_space<vmem>> -> memref<1x128xi32, #tpu.memory_space<vmem>>
      %dma_start3A_40 = tpu.memref_squeeze %dma_start3A_39 : memref<1x128xi32, #tpu.memory_space<vmem>> -> memref<128xi32, #tpu.memory_space<vmem>>
      %dma_start3A_41 = arith.constant 0 : i32
      %dma_start3A_42 = arith.constant 0 : i32
      %dma_start3A_43 = tpu.memref_slice %arg2[%dma_start3A_41, %dma_start3A_42] : memref<10000x128xf32, #tpu.memory_space<hbm>> -> memref<10000x128xf32, #tpu.memory_space<hbm>>
      tpu.enqueue_indirect_dma source(%dma_start3A_43 : memref<10000x128xf32, #tpu.memory_space<hbm>>) target(%arg13 : memref<128x128xf32, #tpu.memory_space<vmem>>) offsets(%dma_start3A_40 : memref<128xi32, #tpu.memory_space<vmem>>) semaphore(%arg16 : memref<!tpu.dma_semaphore, #tpu.memory_space<semaphore_mem>>)
      %scan3A_44 = arith.constant 0 : i32
      %scan3A_45 = arith.constant 0 : i32
      %scan3A_46 = arith.constant 20 : i32
      %scan3A_47 = arith.addi %scan3A_45, %scan3A_46 : i32
      %scan3A_48 = arith.constant 1 : i32
      %scan3A_49 = scf.for %scan3A_56 = %scan3A_45 to %scan3A_47 step %scan3A_48 iter_args(%scan3A_57 = %scan3A_44) -> (i32)  : i32 {
        %mul3A_58 = arith.constant 2 : i32
        %mul3A_59 = arith.muli %mul3A_58, %scan3A_56 : i32
        %dma_wait3A = arith.constant 0 : i32
        %dma_wait3A_60 = tpu.memref_slice %arg12[%mul3A_59, %dma_wait3A] : memref<80x128xi32, #tpu.memory_space<vmem>> -> memref<1x128xi32, #tpu.memory_space<vmem>>
        %dma_wait3A_61 = tpu.memref_squeeze %dma_wait3A_60 : memref<1x128xi32, #tpu.memory_space<vmem>> -> memref<128xi32, #tpu.memory_space<vmem>>
        %dma_wait3A_62 = arith.constant 0 : i32
        %dma_wait3A_63 = arith.constant 0 : i32
        %dma_wait3A_64 = tpu.memref_slice %arg2[%dma_wait3A_62, %dma_wait3A_63] : memref<10000x128xf32, #tpu.memory_space<hbm>> -> memref<10000x128xf32, #tpu.memory_space<hbm>>
        tpu.wait_indirect_dma semaphore(%arg16 : memref<!tpu.dma_semaphore, #tpu.memory_space<semaphore_mem>>) src(%dma_wait3A_64 : memref<10000x128xf32, #tpu.memory_space<hbm>>) dst(%arg13 : memref<128x128xf32, #tpu.memory_space<vmem>>)
        %add3A = arith.constant 1 : i32
        %add3A_65 = arith.addi %mul3A_59, %add3A : i32
        %dma_start3A_66 = arith.constant 0 : i32
        %dma_start3A_67 = tpu.memref_slice %arg12[%add3A_65, %dma_start3A_66] : memref<80x128xi32, #tpu.memory_space<vmem>> -> memref<1x128xi32, #tpu.memory_space<vmem>>
        %dma_start3A_68 = tpu.memref_squeeze %dma_start3A_67 : memref<1x128xi32, #tpu.memory_space<vmem>> -> memref<128xi32, #tpu.memory_space<vmem>>
        %dma_start3A_69 = arith.constant 0 : i32
        %dma_start3A_70 = arith.constant 0 : i32
        %dma_start3A_71 = tpu.memref_slice %arg2[%dma_start3A_69, %dma_start3A_70] : memref<10000x128xf32, #tpu.memory_space<hbm>> -> memref<10000x128xf32, #tpu.memory_space<hbm>>
        tpu.enqueue_indirect_dma source(%dma_start3A_71 : memref<10000x128xf32, #tpu.memory_space<hbm>>) target(%arg14 : memref<128x128xf32, #tpu.memory_space<vmem>>) offsets(%dma_start3A_68 : memref<128xi32, #tpu.memory_space<vmem>>) semaphore(%arg17 : memref<!tpu.dma_semaphore, #tpu.memory_space<semaphore_mem>>)
        %add3A_72 = arith.constant 40 : i32
        %add3A_73 = arith.addi %add3A_72, %mul3A_59 : i32
        "tpu.region"() ({
          %run_scoped3A_89 = tpu.sem_alloc : memref<!tpu.dma_semaphore, #tpu.memory_space<semaphore_mem>>
          %dma_start3A_90 = arith.constant 0 : i32
          %dma_start3A_91 = tpu.memref_slice %arg12[%add3A_73, %dma_start3A_90] : memref<80x128xi32, #tpu.memory_space<vmem>> -> memref<1x128xi32, #tpu.memory_space<vmem>>
          %dma_start3A_92 = tpu.memref_squeeze %dma_start3A_91 : memref<1x128xi32, #tpu.memory_space<vmem>> -> memref<128xi32, #tpu.memory_space<vmem>>
          %dma_start3A_93 = arith.constant 0 : i32
          %dma_start3A_94 = arith.constant 0 : i32
          %dma_start3A_95 = tpu.memref_slice %arg15[%dma_start3A_93, %dma_start3A_94] : memref<10112x128xf32, #tpu.memory_space<vmem_shared>> -> memref<10112x128xf32, #tpu.memory_space<vmem_shared>>
          tpu.enqueue_indirect_dma source(%arg13 : memref<128x128xf32, #tpu.memory_space<vmem>>) target(%dma_start3A_95 : memref<10112x128xf32, #tpu.memory_space<vmem_shared>>) offsets(%dma_start3A_92 : memref<128xi32, #tpu.memory_space<vmem>>) semaphore(%run_scoped3A_89 : memref<!tpu.dma_semaphore, #tpu.memory_space<semaphore_mem>>) {add = true}
          %dma_wait3A_96 = arith.constant 0 : i32
          %dma_wait3A_97 = tpu.memref_slice %arg12[%add3A_73, %dma_wait3A_96] : memref<80x128xi32, #tpu.memory_space<vmem>> -> memref<1x128xi32, #tpu.memory_space<vmem>>
          %dma_wait3A_98 = tpu.memref_squeeze %dma_wait3A_97 : memref<1x128xi32, #tpu.memory_space<vmem>> -> memref<128xi32, #tpu.memory_space<vmem>>
          %dma_wait3A_99 = arith.constant 0 : i32
          %dma_wait3A_100 = arith.constant 0 : i32
          %dma_wait3A_101 = tpu.memref_slice %arg15[%dma_wait3A_99, %dma_wait3A_100] : memref<10112x128xf32, #tpu.memory_space<vmem_shared>> -> memref<10112x128xf32, #tpu.memory_space<vmem_shared>>
          tpu.wait_indirect_dma semaphore(%run_scoped3A_89 : memref<!tpu.dma_semaphore, #tpu.memory_space<semaphore_mem>>) src(%arg13 : memref<128x128xf32, #tpu.memory_space<vmem>>) dst(%dma_wait3A_101 : memref<10112x128xf32, #tpu.memory_space<vmem_shared>>)
          tpu.yield
        }) : () -> ()
        %add3A_74 = arith.constant 1 : i32
        %add3A_75 = arith.addi %mul3A_59, %add3A_74 : i32
        %dma_wait3A_76 = arith.constant 0 : i32
        %dma_wait3A_77 = tpu.memref_slice %arg12[%add3A_75, %dma_wait3A_76] : memref<80x128xi32, #tpu.memory_space<vmem>> -> memref<1x128xi32, #tpu.memory_space<vmem>>
        %dma_wait3A_78 = tpu.memref_squeeze %dma_wait3A_77 : memref<1x128xi32, #tpu.memory_space<vmem>> -> memref<128xi32, #tpu.memory_space<vmem>>
        %dma_wait3A_79 = arith.constant 0 : i32
        %dma_wait3A_80 = arith.constant 0 : i32
        %dma_wait3A_81 = tpu.memref_slice %arg2[%dma_wait3A_79, %dma_wait3A_80] : memref<10000x128xf32, #tpu.memory_space<hbm>> -> memref<10000x128xf32, #tpu.memory_space<hbm>>
        tpu.wait_indirect_dma semaphore(%arg17 : memref<!tpu.dma_semaphore, #tpu.memory_space<semaphore_mem>>) src(%dma_wait3A_81 : memref<10000x128xf32, #tpu.memory_space<hbm>>) dst(%arg14 : memref<128x128xf32, #tpu.memory_space<vmem>>)
        %lt3A = arith.constant 19 : i32
        %lt3A_82 = arith.cmpi slt, %scan3A_56, %lt3A : i32
        %convert_element_type3A_83 = arith.extui %lt3A_82 : i1 to i32
        %cond3A_84 = arith.constant 0 : i32
        %cond3A_85 = arith.cmpi ne, %convert_element_type3A_83, %cond3A_84 : i32
        scf.if %cond3A_85 {
          %add3A_89 = arith.constant 2 : i32
          %add3A_90 = arith.addi %mul3A_59, %add3A_89 : i32
          %dma_start3A_91 = arith.constant 0 : i32
          %dma_start3A_92 = tpu.memref_slice %arg12[%add3A_90, %dma_start3A_91] : memref<80x128xi32, #tpu.memory_space<vmem>> -> memref<1x128xi32, #tpu.memory_space<vmem>>
          %dma_start3A_93 = tpu.memref_squeeze %dma_start3A_92 : memref<1x128xi32, #tpu.memory_space<vmem>> -> memref<128xi32, #tpu.memory_space<vmem>>
          %dma_start3A_94 = arith.constant 0 : i32
          %dma_start3A_95 = arith.constant 0 : i32
          %dma_start3A_96 = tpu.memref_slice %arg2[%dma_start3A_94, %dma_start3A_95] : memref<10000x128xf32, #tpu.memory_space<hbm>> -> memref<10000x128xf32, #tpu.memory_space<hbm>>
          tpu.enqueue_indirect_dma source(%dma_start3A_96 : memref<10000x128xf32, #tpu.memory_space<hbm>>) target(%arg13 : memref<128x128xf32, #tpu.memory_space<vmem>>) offsets(%dma_start3A_93 : memref<128xi32, #tpu.memory_space<vmem>>) semaphore(%arg16 : memref<!tpu.dma_semaphore, #tpu.memory_space<semaphore_mem>>)
        } else {
        }
        %add3A_86 = arith.constant 41 : i32
        %add3A_87 = arith.addi %add3A_86, %mul3A_59 : i32
        "tpu.region"() ({
          %run_scoped3A_89 = tpu.sem_alloc : memref<!tpu.dma_semaphore, #tpu.memory_space<semaphore_mem>>
          %dma_start3A_90 = arith.constant 0 : i32
          %dma_start3A_91 = tpu.memref_slice %arg12[%add3A_87, %dma_start3A_90] : memref<80x128xi32, #tpu.memory_space<vmem>> -> memref<1x128xi32, #tpu.memory_space<vmem>>
          %dma_start3A_92 = tpu.memref_squeeze %dma_start3A_91 : memref<1x128xi32, #tpu.memory_space<vmem>> -> memref<128xi32, #tpu.memory_space<vmem>>
          %dma_start3A_93 = arith.constant 0 : i32
          %dma_start3A_94 = arith.constant 0 : i32
          %dma_start3A_95 = tpu.memref_slice %arg15[%dma_start3A_93, %dma_start3A_94] : memref<10112x128xf32, #tpu.memory_space<vmem_shared>> -> memref<10112x128xf32, #tpu.memory_space<vmem_shared>>
          tpu.enqueue_indirect_dma source(%arg14 : memref<128x128xf32, #tpu.memory_space<vmem>>) target(%dma_start3A_95 : memref<10112x128xf32, #tpu.memory_space<vmem_shared>>) offsets(%dma_start3A_92 : memref<128xi32, #tpu.memory_space<vmem>>) semaphore(%run_scoped3A_89 : memref<!tpu.dma_semaphore, #tpu.memory_space<semaphore_mem>>) {add = true}
          %dma_wait3A_96 = arith.constant 0 : i32
          %dma_wait3A_97 = tpu.memref_slice %arg12[%add3A_87, %dma_wait3A_96] : memref<80x128xi32, #tpu.memory_space<vmem>> -> memref<1x128xi32, #tpu.memory_space<vmem>>
          %dma_wait3A_98 = tpu.memref_squeeze %dma_wait3A_97 : memref<1x128xi32, #tpu.memory_space<vmem>> -> memref<128xi32, #tpu.memory_space<vmem>>
          %dma_wait3A_99 = arith.constant 0 : i32
          %dma_wait3A_100 = arith.constant 0 : i32
          %dma_wait3A_101 = tpu.memref_slice %arg15[%dma_wait3A_99, %dma_wait3A_100] : memref<10112x128xf32, #tpu.memory_space<vmem_shared>> -> memref<10112x128xf32, #tpu.memory_space<vmem_shared>>
          tpu.wait_indirect_dma semaphore(%run_scoped3A_89 : memref<!tpu.dma_semaphore, #tpu.memory_space<semaphore_mem>>) src(%arg14 : memref<128x128xf32, #tpu.memory_space<vmem>>) dst(%dma_wait3A_101 : memref<10112x128xf32, #tpu.memory_space<vmem_shared>>)
          tpu.yield
        }) : () -> ()
        %scan3A_88 = arith.constant 0 : i32
        scf.yield %scan3A_88 : i32
      }
      %scan3A_50 = arith.constant 20 : i32
      %barrier3A_51 = arith.constant 0 : index
      tpu.barrier barrier_id(%barrier3A_51)
      %mul3A_52 = arith.constant 632 : i32
      %mul3A_53 = arith.muli %arg1, %mul3A_52 : i32
      %mul3A_54 = arith.constant 632 : i32
      %mul3A_55 = arith.muli %arg1, %mul3A_54 : i32
      "tpu.region"() ({
        %run_scoped3A_56 = tpu.sem_alloc : memref<!tpu.dma_semaphore, #tpu.memory_space<semaphore_mem>>
        %dma_start3A_57 = arith.constant 0 : i32
        %dma_start3A_58 = tpu.memref_slice %arg8[%mul3A_55, %dma_start3A_57] : memref<10112x128xf32, #tpu.memory_space<hbm>> -> memref<632x128xf32, #tpu.memory_space<hbm>>
        %dma_start3A_59 = arith.constant 0 : i32
        %dma_start3A_60 = tpu.memref_slice %arg15[%mul3A_53, %dma_start3A_59] : memref<10112x128xf32, #tpu.memory_space<vmem_shared>> -> memref<632x128xf32, #tpu.memory_space<vmem_shared>>
        tpu.enqueue_dma source(%dma_start3A_60 : memref<632x128xf32, #tpu.memory_space<vmem_shared>>) target(%dma_start3A_58 : memref<632x128xf32, #tpu.memory_space<hbm>>) target_semaphore(%run_scoped3A_56 : memref<!tpu.dma_semaphore, #tpu.memory_space<semaphore_mem>>)
        %dma_wait3A = arith.constant 0 : i32
        %dma_wait3A_61 = tpu.memref_slice %arg8[%mul3A_55, %dma_wait3A] : memref<10112x128xf32, #tpu.memory_space<hbm>> -> memref<632x128xf32, #tpu.memory_space<hbm>>
        %dma_wait3A_62 = arith.constant 0 : i32
        %dma_wait3A_63 = tpu.memref_slice %arg15[%mul3A_53, %dma_wait3A_62] : memref<10112x128xf32, #tpu.memory_space<vmem_shared>> -> memref<632x128xf32, #tpu.memory_space<vmem_shared>>
        tpu.wait_dma2 semaphore(%run_scoped3A_56 : memref<!tpu.dma_semaphore, #tpu.memory_space<semaphore_mem>>) src(%dma_wait3A_63 : memref<632x128xf32, #tpu.memory_space<vmem_shared>>) dst(%dma_wait3A_61 : memref<632x128xf32, #tpu.memory_space<hbm>>)
        tpu.yield
      }) : () -> ()
    } else {
    }
    %eq3A_2 = arith.constant 1 : i32
    %eq3A_3 = arith.cmpi eq, %arg0, %eq3A_2 : i32
    %convert_element_type3A_4 = arith.extui %eq3A_3 : i1 to i32
    %cond3A_5 = arith.constant 0 : i32
    %cond3A_6 = arith.cmpi ne, %convert_element_type3A_4, %cond3A_5 : i32
    scf.if %cond3A_6 {
      %mul3A = arith.constant 632 : i32
      %mul3A_17 = arith.muli %arg1, %mul3A : i32
      "tpu.region"() ({
        %run_scoped3A_56 = tpu.sem_alloc : memref<!tpu.dma_semaphore, #tpu.memory_space<semaphore_mem>>
        %dma_start3A_57 = arith.constant 0 : i32
        %dma_start3A_58 = tpu.memref_slice %arg15[%mul3A_17, %dma_start3A_57] : memref<10112x128xf32, #tpu.memory_space<vmem_shared>> -> memref<632x128xf32, #tpu.memory_space<vmem_shared>>
        tpu.enqueue_dma source(%arg7 : memref<632x128xf32, #tpu.memory_space<hbm>>) target(%dma_start3A_58 : memref<632x128xf32, #tpu.memory_space<vmem_shared>>) target_semaphore(%run_scoped3A_56 : memref<!tpu.dma_semaphore, #tpu.memory_space<semaphore_mem>>)
        %dma_wait3A = arith.constant 0 : i32
        %dma_wait3A_59 = tpu.memref_slice %arg15[%mul3A_17, %dma_wait3A] : memref<10112x128xf32, #tpu.memory_space<vmem_shared>> -> memref<632x128xf32, #tpu.memory_space<vmem_shared>>
        tpu.wait_dma2 semaphore(%run_scoped3A_56 : memref<!tpu.dma_semaphore, #tpu.memory_space<semaphore_mem>>) src(%arg7 : memref<632x128xf32, #tpu.memory_space<hbm>>) dst(%dma_wait3A_59 : memref<632x128xf32, #tpu.memory_space<vmem_shared>>)
        tpu.yield
      }) : () -> ()
      %barrier3A = arith.constant 0 : index
      tpu.barrier barrier_id(%barrier3A)
      %run_scoped3A = arith.constant 0 : i32
      %run_scoped3A_18 = arith.constant 0 : i32
      "tpu.region"() ({
        %run_scoped3A_56 = tpu.sem_alloc : memref<!tpu.dma_semaphore, #tpu.memory_space<semaphore_mem>>
        %dma_start3A_57 = arith.constant 0 : i32
        %dma_start3A_58 = arith.constant 0 : i32
        %dma_start3A_59 = tpu.memref_slice %arg12[%dma_start3A_57, %dma_start3A_58] : memref<80x128xi32, #tpu.memory_space<vmem>> -> memref<40x128xi32, #tpu.memory_space<vmem>>
        %dma_start3A_60 = arith.constant 0 : i32
        %dma_start3A_61 = arith.constant 0 : i32
        %dma_start3A_62 = tpu.memref_slice %arg6[%run_scoped3A, %arg1, %run_scoped3A_18, %dma_start3A_60, %dma_start3A_61] : memref<2x16x2x40x128xi32, #tpu.memory_space<hbm>> -> memref<1x1x1x40x128xi32, #tpu.memory_space<hbm>>
        %dma_start3A_63 = tpu.memref_squeeze %dma_start3A_62 : memref<1x1x1x40x128xi32, #tpu.memory_space<hbm>> -> memref<40x128xi32, #tpu.memory_space<hbm>>
        %dma_start3A_64 = arith.constant 0 : i32
        %dma_start3A_65 = arith.constant 0 : i32
        %dma_start3A_66 = tpu.memref_slice %arg12[%dma_start3A_64, %dma_start3A_65] : memref<80x128xi32, #tpu.memory_space<vmem>> -> memref<40x128xi32, #tpu.memory_space<vmem>>
        %dma_start3A_67 = arith.constant 0 : i32
        %dma_start3A_68 = arith.constant 0 : i32
        %dma_start3A_69 = tpu.memref_slice %arg6[%run_scoped3A, %arg1, %run_scoped3A_18, %dma_start3A_67, %dma_start3A_68] : memref<2x16x2x40x128xi32, #tpu.memory_space<hbm>> -> memref<1x1x1x40x128xi32, #tpu.memory_space<hbm>>
        %dma_start3A_70 = tpu.memref_squeeze %dma_start3A_69 : memref<1x1x1x40x128xi32, #tpu.memory_space<hbm>> -> memref<40x128xi32, #tpu.memory_space<hbm>>
        tpu.enqueue_dma source(%dma_start3A_70 : memref<40x128xi32, #tpu.memory_space<hbm>>) target(%dma_start3A_66 : memref<40x128xi32, #tpu.memory_space<vmem>>) target_semaphore(%run_scoped3A_56 : memref<!tpu.dma_semaphore, #tpu.memory_space<semaphore_mem>>)
        %dma_wait3A = arith.constant 0 : i32
        %dma_wait3A_71 = arith.constant 0 : i32
        %dma_wait3A_72 = tpu.memref_slice %arg12[%dma_wait3A, %dma_wait3A_71] : memref<80x128xi32, #tpu.memory_space<vmem>> -> memref<40x128xi32, #tpu.memory_space<vmem>>
        %dma_wait3A_73 = arith.constant 0 : i32
        %dma_wait3A_74 = arith.constant 0 : i32
        %dma_wait3A_75 = tpu.memref_slice %arg6[%run_scoped3A, %arg1, %run_scoped3A_18, %dma_wait3A_73, %dma_wait3A_74] : memref<2x16x2x40x128xi32, #tpu.memory_space<hbm>> -> memref<1x1x1x40x128xi32, #tpu.memory_space<hbm>>
        %dma_wait3A_76 = tpu.memref_squeeze %dma_wait3A_75 : memref<1x1x1x40x128xi32, #tpu.memory_space<hbm>> -> memref<40x128xi32, #tpu.memory_space<hbm>>
        %dma_wait3A_77 = arith.constant 0 : i32
        %dma_wait3A_78 = arith.constant 0 : i32
        %dma_wait3A_79 = tpu.memref_slice %arg12[%dma_wait3A_77, %dma_wait3A_78] : memref<80x128xi32, #tpu.memory_space<vmem>> -> memref<40x128xi32, #tpu.memory_space<vmem>>
        %dma_wait3A_80 = arith.constant 0 : i32
        %dma_wait3A_81 = arith.constant 0 : i32
        %dma_wait3A_82 = tpu.memref_slice %arg6[%run_scoped3A, %arg1, %run_scoped3A_18, %dma_wait3A_80, %dma_wait3A_81] : memref<2x16x2x40x128xi32, #tpu.memory_space<hbm>> -> memref<1x1x1x40x128xi32, #tpu.memory_space<hbm>>
        %dma_wait3A_83 = tpu.memref_squeeze %dma_wait3A_82 : memref<1x1x1x40x128xi32, #tpu.memory_space<hbm>> -> memref<40x128xi32, #tpu.memory_space<hbm>>
        tpu.wait_dma2 semaphore(%run_scoped3A_56 : memref<!tpu.dma_semaphore, #tpu.memory_space<semaphore_mem>>) src(%dma_wait3A_83 : memref<40x128xi32, #tpu.memory_space<hbm>>) dst(%dma_wait3A_79 : memref<40x128xi32, #tpu.memory_space<vmem>>)
        tpu.yield
      }) : () -> ()
      %run_scoped3A_19 = arith.constant 1 : i32
      %run_scoped3A_20 = arith.constant 0 : i32
      "tpu.region"() ({
        %run_scoped3A_56 = tpu.sem_alloc : memref<!tpu.dma_semaphore, #tpu.memory_space<semaphore_mem>>
        %dma_start3A_57 = arith.constant 40 : i32
        %dma_start3A_58 = arith.constant 0 : i32
        %dma_start3A_59 = tpu.memref_slice %arg12[%dma_start3A_57, %dma_start3A_58] : memref<80x128xi32, #tpu.memory_space<vmem>> -> memref<40x128xi32, #tpu.memory_space<vmem>>
        %dma_start3A_60 = arith.constant 0 : i32
        %dma_start3A_61 = arith.constant 0 : i32
        %dma_start3A_62 = tpu.memref_slice %arg6[%run_scoped3A_19, %arg1, %run_scoped3A_20, %dma_start3A_60, %dma_start3A_61] : memref<2x16x2x40x128xi32, #tpu.memory_space<hbm>> -> memref<1x1x1x40x128xi32, #tpu.memory_space<hbm>>
        %dma_start3A_63 = tpu.memref_squeeze %dma_start3A_62 : memref<1x1x1x40x128xi32, #tpu.memory_space<hbm>> -> memref<40x128xi32, #tpu.memory_space<hbm>>
        %dma_start3A_64 = arith.constant 40 : i32
        %dma_start3A_65 = arith.constant 0 : i32
        %dma_start3A_66 = tpu.memref_slice %arg12[%dma_start3A_64, %dma_start3A_65] : memref<80x128xi32, #tpu.memory_space<vmem>> -> memref<40x128xi32, #tpu.memory_space<vmem>>
        %dma_start3A_67 = arith.constant 0 : i32
        %dma_start3A_68 = arith.constant 0 : i32
        %dma_start3A_69 = tpu.memref_slice %arg6[%run_scoped3A_19, %arg1, %run_scoped3A_20, %dma_start3A_67, %dma_start3A_68] : memref<2x16x2x40x128xi32, #tpu.memory_space<hbm>> -> memref<1x1x1x40x128xi32, #tpu.memory_space<hbm>>
        %dma_start3A_70 = tpu.memref_squeeze %dma_start3A_69 : memref<1x1x1x40x128xi32, #tpu.memory_space<hbm>> -> memref<40x128xi32, #tpu.memory_space<hbm>>
        tpu.enqueue_dma source(%dma_start3A_70 : memref<40x128xi32, #tpu.memory_space<hbm>>) target(%dma_start3A_66 : memref<40x128xi32, #tpu.memory_space<vmem>>) target_semaphore(%run_scoped3A_56 : memref<!tpu.dma_semaphore, #tpu.memory_space<semaphore_mem>>)
        %dma_wait3A = arith.constant 40 : i32
        %dma_wait3A_71 = arith.constant 0 : i32
        %dma_wait3A_72 = tpu.memref_slice %arg12[%dma_wait3A, %dma_wait3A_71] : memref<80x128xi32, #tpu.memory_space<vmem>> -> memref<40x128xi32, #tpu.memory_space<vmem>>
        %dma_wait3A_73 = arith.constant 0 : i32
        %dma_wait3A_74 = arith.constant 0 : i32
        %dma_wait3A_75 = tpu.memref_slice %arg6[%run_scoped3A_19, %arg1, %run_scoped3A_20, %dma_wait3A_73, %dma_wait3A_74] : memref<2x16x2x40x128xi32, #tpu.memory_space<hbm>> -> memref<1x1x1x40x128xi32, #tpu.memory_space<hbm>>
        %dma_wait3A_76 = tpu.memref_squeeze %dma_wait3A_75 : memref<1x1x1x40x128xi32, #tpu.memory_space<hbm>> -> memref<40x128xi32, #tpu.memory_space<hbm>>
        %dma_wait3A_77 = arith.constant 40 : i32
        %dma_wait3A_78 = arith.constant 0 : i32
        %dma_wait3A_79 = tpu.memref_slice %arg12[%dma_wait3A_77, %dma_wait3A_78] : memref<80x128xi32, #tpu.memory_space<vmem>> -> memref<40x128xi32, #tpu.memory_space<vmem>>
        %dma_wait3A_80 = arith.constant 0 : i32
        %dma_wait3A_81 = arith.constant 0 : i32
        %dma_wait3A_82 = tpu.memref_slice %arg6[%run_scoped3A_19, %arg1, %run_scoped3A_20, %dma_wait3A_80, %dma_wait3A_81] : memref<2x16x2x40x128xi32, #tpu.memory_space<hbm>> -> memref<1x1x1x40x128xi32, #tpu.memory_space<hbm>>
        %dma_wait3A_83 = tpu.memref_squeeze %dma_wait3A_82 : memref<1x1x1x40x128xi32, #tpu.memory_space<hbm>> -> memref<40x128xi32, #tpu.memory_space<hbm>>
        tpu.wait_dma2 semaphore(%run_scoped3A_56 : memref<!tpu.dma_semaphore, #tpu.memory_space<semaphore_mem>>) src(%dma_wait3A_83 : memref<40x128xi32, #tpu.memory_space<hbm>>) dst(%dma_wait3A_79 : memref<40x128xi32, #tpu.memory_space<vmem>>)
        tpu.yield
      }) : () -> ()
      %dma_start3A = arith.constant 0 : i32
      %dma_start3A_21 = arith.constant 0 : i32
      %dma_start3A_22 = tpu.memref_slice %arg12[%dma_start3A, %dma_start3A_21] : memref<80x128xi32, #tpu.memory_space<vmem>> -> memref<1x128xi32, #tpu.memory_space<vmem>>
      %dma_start3A_23 = tpu.memref_squeeze %dma_start3A_22 : memref<1x128xi32, #tpu.memory_space<vmem>> -> memref<128xi32, #tpu.memory_space<vmem>>
      %dma_start3A_24 = arith.constant 0 : i32
      %dma_start3A_25 = arith.constant 0 : i32
      %dma_start3A_26 = tpu.memref_slice %arg4[%dma_start3A_24, %dma_start3A_25] : memref<10000x128xf32, #tpu.memory_space<hbm>> -> memref<10000x128xf32, #tpu.memory_space<hbm>>
      tpu.enqueue_indirect_dma source(%dma_start3A_26 : memref<10000x128xf32, #tpu.memory_space<hbm>>) target(%arg13 : memref<128x128xf32, #tpu.memory_space<vmem>>) offsets(%dma_start3A_23 : memref<128xi32, #tpu.memory_space<vmem>>) semaphore(%arg16 : memref<!tpu.dma_semaphore, #tpu.memory_space<semaphore_mem>>)
      %scan3A = arith.constant 0 : i32
      %scan3A_27 = arith.constant 0 : i32
      %scan3A_28 = arith.constant 20 : i32
      %scan3A_29 = arith.addi %scan3A_27, %scan3A_28 : i32
      %scan3A_30 = arith.constant 1 : i32
      %scan3A_31 = scf.for %scan3A_56 = %scan3A_27 to %scan3A_29 step %scan3A_30 iter_args(%scan3A_57 = %scan3A) -> (i32)  : i32 {
        %mul3A_58 = arith.constant 2 : i32
        %mul3A_59 = arith.muli %mul3A_58, %scan3A_56 : i32
        %dma_wait3A = arith.constant 0 : i32
        %dma_wait3A_60 = tpu.memref_slice %arg12[%mul3A_59, %dma_wait3A] : memref<80x128xi32, #tpu.memory_space<vmem>> -> memref<1x128xi32, #tpu.memory_space<vmem>>
        %dma_wait3A_61 = tpu.memref_squeeze %dma_wait3A_60 : memref<1x128xi32, #tpu.memory_space<vmem>> -> memref<128xi32, #tpu.memory_space<vmem>>
        %dma_wait3A_62 = arith.constant 0 : i32
        %dma_wait3A_63 = arith.constant 0 : i32
        %dma_wait3A_64 = tpu.memref_slice %arg4[%dma_wait3A_62, %dma_wait3A_63] : memref<10000x128xf32, #tpu.memory_space<hbm>> -> memref<10000x128xf32, #tpu.memory_space<hbm>>
        tpu.wait_indirect_dma semaphore(%arg16 : memref<!tpu.dma_semaphore, #tpu.memory_space<semaphore_mem>>) src(%dma_wait3A_64 : memref<10000x128xf32, #tpu.memory_space<hbm>>) dst(%arg13 : memref<128x128xf32, #tpu.memory_space<vmem>>)
        %add3A = arith.constant 1 : i32
        %add3A_65 = arith.addi %mul3A_59, %add3A : i32
        %dma_start3A_66 = arith.constant 0 : i32
        %dma_start3A_67 = tpu.memref_slice %arg12[%add3A_65, %dma_start3A_66] : memref<80x128xi32, #tpu.memory_space<vmem>> -> memref<1x128xi32, #tpu.memory_space<vmem>>
        %dma_start3A_68 = tpu.memref_squeeze %dma_start3A_67 : memref<1x128xi32, #tpu.memory_space<vmem>> -> memref<128xi32, #tpu.memory_space<vmem>>
        %dma_start3A_69 = arith.constant 0 : i32
        %dma_start3A_70 = arith.constant 0 : i32
        %dma_start3A_71 = tpu.memref_slice %arg4[%dma_start3A_69, %dma_start3A_70] : memref<10000x128xf32, #tpu.memory_space<hbm>> -> memref<10000x128xf32, #tpu.memory_space<hbm>>
        tpu.enqueue_indirect_dma source(%dma_start3A_71 : memref<10000x128xf32, #tpu.memory_space<hbm>>) target(%arg14 : memref<128x128xf32, #tpu.memory_space<vmem>>) offsets(%dma_start3A_68 : memref<128xi32, #tpu.memory_space<vmem>>) semaphore(%arg17 : memref<!tpu.dma_semaphore, #tpu.memory_space<semaphore_mem>>)
        %add3A_72 = arith.constant 40 : i32
        %add3A_73 = arith.addi %add3A_72, %mul3A_59 : i32
        "tpu.region"() ({
          %run_scoped3A_89 = tpu.sem_alloc : memref<!tpu.dma_semaphore, #tpu.memory_space<semaphore_mem>>
          %dma_start3A_90 = arith.constant 0 : i32
          %dma_start3A_91 = tpu.memref_slice %arg12[%add3A_73, %dma_start3A_90] : memref<80x128xi32, #tpu.memory_space<vmem>> -> memref<1x128xi32, #tpu.memory_space<vmem>>
          %dma_start3A_92 = tpu.memref_squeeze %dma_start3A_91 : memref<1x128xi32, #tpu.memory_space<vmem>> -> memref<128xi32, #tpu.memory_space<vmem>>
          %dma_start3A_93 = arith.constant 0 : i32
          %dma_start3A_94 = arith.constant 0 : i32
          %dma_start3A_95 = tpu.memref_slice %arg15[%dma_start3A_93, %dma_start3A_94] : memref<10112x128xf32, #tpu.memory_space<vmem_shared>> -> memref<10112x128xf32, #tpu.memory_space<vmem_shared>>
          tpu.enqueue_indirect_dma source(%arg13 : memref<128x128xf32, #tpu.memory_space<vmem>>) target(%dma_start3A_95 : memref<10112x128xf32, #tpu.memory_space<vmem_shared>>) offsets(%dma_start3A_92 : memref<128xi32, #tpu.memory_space<vmem>>) semaphore(%run_scoped3A_89 : memref<!tpu.dma_semaphore, #tpu.memory_space<semaphore_mem>>) {add = true}
          %dma_wait3A_96 = arith.constant 0 : i32
          %dma_wait3A_97 = tpu.memref_slice %arg12[%add3A_73, %dma_wait3A_96] : memref<80x128xi32, #tpu.memory_space<vmem>> -> memref<1x128xi32, #tpu.memory_space<vmem>>
          %dma_wait3A_98 = tpu.memref_squeeze %dma_wait3A_97 : memref<1x128xi32, #tpu.memory_space<vmem>> -> memref<128xi32, #tpu.memory_space<vmem>>
          %dma_wait3A_99 = arith.constant 0 : i32
          %dma_wait3A_100 = arith.constant 0 : i32
          %dma_wait3A_101 = tpu.memref_slice %arg15[%dma_wait3A_99, %dma_wait3A_100] : memref<10112x128xf32, #tpu.memory_space<vmem_shared>> -> memref<10112x128xf32, #tpu.memory_space<vmem_shared>>
          tpu.wait_indirect_dma semaphore(%run_scoped3A_89 : memref<!tpu.dma_semaphore, #tpu.memory_space<semaphore_mem>>) src(%arg13 : memref<128x128xf32, #tpu.memory_space<vmem>>) dst(%dma_wait3A_101 : memref<10112x128xf32, #tpu.memory_space<vmem_shared>>)
          tpu.yield
        }) : () -> ()
        %add3A_74 = arith.constant 1 : i32
        %add3A_75 = arith.addi %mul3A_59, %add3A_74 : i32
        %dma_wait3A_76 = arith.constant 0 : i32
        %dma_wait3A_77 = tpu.memref_slice %arg12[%add3A_75, %dma_wait3A_76] : memref<80x128xi32, #tpu.memory_space<vmem>> -> memref<1x128xi32, #tpu.memory_space<vmem>>
        %dma_wait3A_78 = tpu.memref_squeeze %dma_wait3A_77 : memref<1x128xi32, #tpu.memory_space<vmem>> -> memref<128xi32, #tpu.memory_space<vmem>>
        %dma_wait3A_79 = arith.constant 0 : i32
        %dma_wait3A_80 = arith.constant 0 : i32
        %dma_wait3A_81 = tpu.memref_slice %arg4[%dma_wait3A_79, %dma_wait3A_80] : memref<10000x128xf32, #tpu.memory_space<hbm>> -> memref<10000x128xf32, #tpu.memory_space<hbm>>
        tpu.wait_indirect_dma semaphore(%arg17 : memref<!tpu.dma_semaphore, #tpu.memory_space<semaphore_mem>>) src(%dma_wait3A_81 : memref<10000x128xf32, #tpu.memory_space<hbm>>) dst(%arg14 : memref<128x128xf32, #tpu.memory_space<vmem>>)
        %lt3A = arith.constant 19 : i32
        %lt3A_82 = arith.cmpi slt, %scan3A_56, %lt3A : i32
        %convert_element_type3A_83 = arith.extui %lt3A_82 : i1 to i32
        %cond3A_84 = arith.constant 0 : i32
        %cond3A_85 = arith.cmpi ne, %convert_element_type3A_83, %cond3A_84 : i32
        scf.if %cond3A_85 {
          %add3A_89 = arith.constant 2 : i32
          %add3A_90 = arith.addi %mul3A_59, %add3A_89 : i32
          %dma_start3A_91 = arith.constant 0 : i32
          %dma_start3A_92 = tpu.memref_slice %arg12[%add3A_90, %dma_start3A_91] : memref<80x128xi32, #tpu.memory_space<vmem>> -> memref<1x128xi32, #tpu.memory_space<vmem>>
          %dma_start3A_93 = tpu.memref_squeeze %dma_start3A_92 : memref<1x128xi32, #tpu.memory_space<vmem>> -> memref<128xi32, #tpu.memory_space<vmem>>
          %dma_start3A_94 = arith.constant 0 : i32
          %dma_start3A_95 = arith.constant 0 : i32
          %dma_start3A_96 = tpu.memref_slice %arg4[%dma_start3A_94, %dma_start3A_95] : memref<10000x128xf32, #tpu.memory_space<hbm>> -> memref<10000x128xf32, #tpu.memory_space<hbm>>
          tpu.enqueue_indirect_dma source(%dma_start3A_96 : memref<10000x128xf32, #tpu.memory_space<hbm>>) target(%arg13 : memref<128x128xf32, #tpu.memory_space<vmem>>) offsets(%dma_start3A_93 : memref<128xi32, #tpu.memory_space<vmem>>) semaphore(%arg16 : memref<!tpu.dma_semaphore, #tpu.memory_space<semaphore_mem>>)
        } else {
        }
        %add3A_86 = arith.constant 41 : i32
        %add3A_87 = arith.addi %add3A_86, %mul3A_59 : i32
        "tpu.region"() ({
          %run_scoped3A_89 = tpu.sem_alloc : memref<!tpu.dma_semaphore, #tpu.memory_space<semaphore_mem>>
          %dma_start3A_90 = arith.constant 0 : i32
          %dma_start3A_91 = tpu.memref_slice %arg12[%add3A_87, %dma_start3A_90] : memref<80x128xi32, #tpu.memory_space<vmem>> -> memref<1x128xi32, #tpu.memory_space<vmem>>
          %dma_start3A_92 = tpu.memref_squeeze %dma_start3A_91 : memref<1x128xi32, #tpu.memory_space<vmem>> -> memref<128xi32, #tpu.memory_space<vmem>>
          %dma_start3A_93 = arith.constant 0 : i32
          %dma_start3A_94 = arith.constant 0 : i32
          %dma_start3A_95 = tpu.memref_slice %arg15[%dma_start3A_93, %dma_start3A_94] : memref<10112x128xf32, #tpu.memory_space<vmem_shared>> -> memref<10112x128xf32, #tpu.memory_space<vmem_shared>>
          tpu.enqueue_indirect_dma source(%arg14 : memref<128x128xf32, #tpu.memory_space<vmem>>) target(%dma_start3A_95 : memref<10112x128xf32, #tpu.memory_space<vmem_shared>>) offsets(%dma_start3A_92 : memref<128xi32, #tpu.memory_space<vmem>>) semaphore(%run_scoped3A_89 : memref<!tpu.dma_semaphore, #tpu.memory_space<semaphore_mem>>) {add = true}
          %dma_wait3A_96 = arith.constant 0 : i32
          %dma_wait3A_97 = tpu.memref_slice %arg12[%add3A_87, %dma_wait3A_96] : memref<80x128xi32, #tpu.memory_space<vmem>> -> memref<1x128xi32, #tpu.memory_space<vmem>>
          %dma_wait3A_98 = tpu.memref_squeeze %dma_wait3A_97 : memref<1x128xi32, #tpu.memory_space<vmem>> -> memref<128xi32, #tpu.memory_space<vmem>>
          %dma_wait3A_99 = arith.constant 0 : i32
          %dma_wait3A_100 = arith.constant 0 : i32
          %dma_wait3A_101 = tpu.memref_slice %arg15[%dma_wait3A_99, %dma_wait3A_100] : memref<10112x128xf32, #tpu.memory_space<vmem_shared>> -> memref<10112x128xf32, #tpu.memory_space<vmem_shared>>
          tpu.wait_indirect_dma semaphore(%run_scoped3A_89 : memref<!tpu.dma_semaphore, #tpu.memory_space<semaphore_mem>>) src(%arg14 : memref<128x128xf32, #tpu.memory_space<vmem>>) dst(%dma_wait3A_101 : memref<10112x128xf32, #tpu.memory_space<vmem_shared>>)
          tpu.yield
        }) : () -> ()
        %scan3A_88 = arith.constant 0 : i32
        scf.yield %scan3A_88 : i32
      }
      %scan3A_32 = arith.constant 20 : i32
      %run_scoped3A_33 = arith.constant 0 : i32
      %run_scoped3A_34 = arith.constant 1 : i32
      "tpu.region"() ({
        %run_scoped3A_56 = tpu.sem_alloc : memref<!tpu.dma_semaphore, #tpu.memory_space<semaphore_mem>>
        %dma_start3A_57 = arith.constant 0 : i32
        %dma_start3A_58 = arith.constant 0 : i32
        %dma_start3A_59 = tpu.memref_slice %arg12[%dma_start3A_57, %dma_start3A_58] : memref<80x128xi32, #tpu.memory_space<vmem>> -> memref<40x128xi32, #tpu.memory_space<vmem>>
        %dma_start3A_60 = arith.constant 0 : i32
        %dma_start3A_61 = arith.constant 0 : i32
        %dma_start3A_62 = tpu.memref_slice %arg6[%run_scoped3A_33, %arg1, %run_scoped3A_34, %dma_start3A_60, %dma_start3A_61] : memref<2x16x2x40x128xi32, #tpu.memory_space<hbm>> -> memref<1x1x1x40x128xi32, #tpu.memory_space<hbm>>
        %dma_start3A_63 = tpu.memref_squeeze %dma_start3A_62 : memref<1x1x1x40x128xi32, #tpu.memory_space<hbm>> -> memref<40x128xi32, #tpu.memory_space<hbm>>
        %dma_start3A_64 = arith.constant 0 : i32
        %dma_start3A_65 = arith.constant 0 : i32
        %dma_start3A_66 = tpu.memref_slice %arg12[%dma_start3A_64, %dma_start3A_65] : memref<80x128xi32, #tpu.memory_space<vmem>> -> memref<40x128xi32, #tpu.memory_space<vmem>>
        %dma_start3A_67 = arith.constant 0 : i32
        %dma_start3A_68 = arith.constant 0 : i32
        %dma_start3A_69 = tpu.memref_slice %arg6[%run_scoped3A_33, %arg1, %run_scoped3A_34, %dma_start3A_67, %dma_start3A_68] : memref<2x16x2x40x128xi32, #tpu.memory_space<hbm>> -> memref<1x1x1x40x128xi32, #tpu.memory_space<hbm>>
        %dma_start3A_70 = tpu.memref_squeeze %dma_start3A_69 : memref<1x1x1x40x128xi32, #tpu.memory_space<hbm>> -> memref<40x128xi32, #tpu.memory_space<hbm>>
        tpu.enqueue_dma source(%dma_start3A_70 : memref<40x128xi32, #tpu.memory_space<hbm>>) target(%dma_start3A_66 : memref<40x128xi32, #tpu.memory_space<vmem>>) target_semaphore(%run_scoped3A_56 : memref<!tpu.dma_semaphore, #tpu.memory_space<semaphore_mem>>)
        %dma_wait3A = arith.constant 0 : i32
        %dma_wait3A_71 = arith.constant 0 : i32
        %dma_wait3A_72 = tpu.memref_slice %arg12[%dma_wait3A, %dma_wait3A_71] : memref<80x128xi32, #tpu.memory_space<vmem>> -> memref<40x128xi32, #tpu.memory_space<vmem>>
        %dma_wait3A_73 = arith.constant 0 : i32
        %dma_wait3A_74 = arith.constant 0 : i32
        %dma_wait3A_75 = tpu.memref_slice %arg6[%run_scoped3A_33, %arg1, %run_scoped3A_34, %dma_wait3A_73, %dma_wait3A_74] : memref<2x16x2x40x128xi32, #tpu.memory_space<hbm>> -> memref<1x1x1x40x128xi32, #tpu.memory_space<hbm>>
        %dma_wait3A_76 = tpu.memref_squeeze %dma_wait3A_75 : memref<1x1x1x40x128xi32, #tpu.memory_space<hbm>> -> memref<40x128xi32, #tpu.memory_space<hbm>>
        %dma_wait3A_77 = arith.constant 0 : i32
        %dma_wait3A_78 = arith.constant 0 : i32
        %dma_wait3A_79 = tpu.memref_slice %arg12[%dma_wait3A_77, %dma_wait3A_78] : memref<80x128xi32, #tpu.memory_space<vmem>> -> memref<40x128xi32, #tpu.memory_space<vmem>>
        %dma_wait3A_80 = arith.constant 0 : i32
        %dma_wait3A_81 = arith.constant 0 : i32
        %dma_wait3A_82 = tpu.memref_slice %arg6[%run_scoped3A_33, %arg1, %run_scoped3A_34, %dma_wait3A_80, %dma_wait3A_81] : memref<2x16x2x40x128xi32, #tpu.memory_space<hbm>> -> memref<1x1x1x40x128xi32, #tpu.memory_space<hbm>>
        %dma_wait3A_83 = tpu.memref_squeeze %dma_wait3A_82 : memref<1x1x1x40x128xi32, #tpu.memory_space<hbm>> -> memref<40x128xi32, #tpu.memory_space<hbm>>
        tpu.wait_dma2 semaphore(%run_scoped3A_56 : memref<!tpu.dma_semaphore, #tpu.memory_space<semaphore_mem>>) src(%dma_wait3A_83 : memref<40x128xi32, #tpu.memory_space<hbm>>) dst(%dma_wait3A_79 : memref<40x128xi32, #tpu.memory_space<vmem>>)
        tpu.yield
      }) : () -> ()
      %run_scoped3A_35 = arith.constant 1 : i32
      %run_scoped3A_36 = arith.constant 1 : i32
      "tpu.region"() ({
        %run_scoped3A_56 = tpu.sem_alloc : memref<!tpu.dma_semaphore, #tpu.memory_space<semaphore_mem>>
        %dma_start3A_57 = arith.constant 40 : i32
        %dma_start3A_58 = arith.constant 0 : i32
        %dma_start3A_59 = tpu.memref_slice %arg12[%dma_start3A_57, %dma_start3A_58] : memref<80x128xi32, #tpu.memory_space<vmem>> -> memref<40x128xi32, #tpu.memory_space<vmem>>
        %dma_start3A_60 = arith.constant 0 : i32
        %dma_start3A_61 = arith.constant 0 : i32
        %dma_start3A_62 = tpu.memref_slice %arg6[%run_scoped3A_35, %arg1, %run_scoped3A_36, %dma_start3A_60, %dma_start3A_61] : memref<2x16x2x40x128xi32, #tpu.memory_space<hbm>> -> memref<1x1x1x40x128xi32, #tpu.memory_space<hbm>>
        %dma_start3A_63 = tpu.memref_squeeze %dma_start3A_62 : memref<1x1x1x40x128xi32, #tpu.memory_space<hbm>> -> memref<40x128xi32, #tpu.memory_space<hbm>>
        %dma_start3A_64 = arith.constant 40 : i32
        %dma_start3A_65 = arith.constant 0 : i32
        %dma_start3A_66 = tpu.memref_slice %arg12[%dma_start3A_64, %dma_start3A_65] : memref<80x128xi32, #tpu.memory_space<vmem>> -> memref<40x128xi32, #tpu.memory_space<vmem>>
        %dma_start3A_67 = arith.constant 0 : i32
        %dma_start3A_68 = arith.constant 0 : i32
        %dma_start3A_69 = tpu.memref_slice %arg6[%run_scoped3A_35, %arg1, %run_scoped3A_36, %dma_start3A_67, %dma_start3A_68] : memref<2x16x2x40x128xi32, #tpu.memory_space<hbm>> -> memref<1x1x1x40x128xi32, #tpu.memory_space<hbm>>
        %dma_start3A_70 = tpu.memref_squeeze %dma_start3A_69 : memref<1x1x1x40x128xi32, #tpu.memory_space<hbm>> -> memref<40x128xi32, #tpu.memory_space<hbm>>
        tpu.enqueue_dma source(%dma_start3A_70 : memref<40x128xi32, #tpu.memory_space<hbm>>) target(%dma_start3A_66 : memref<40x128xi32, #tpu.memory_space<vmem>>) target_semaphore(%run_scoped3A_56 : memref<!tpu.dma_semaphore, #tpu.memory_space<semaphore_mem>>)
        %dma_wait3A = arith.constant 40 : i32
        %dma_wait3A_71 = arith.constant 0 : i32
        %dma_wait3A_72 = tpu.memref_slice %arg12[%dma_wait3A, %dma_wait3A_71] : memref<80x128xi32, #tpu.memory_space<vmem>> -> memref<40x128xi32, #tpu.memory_space<vmem>>
        %dma_wait3A_73 = arith.constant 0 : i32
        %dma_wait3A_74 = arith.constant 0 : i32
        %dma_wait3A_75 = tpu.memref_slice %arg6[%run_scoped3A_35, %arg1, %run_scoped3A_36, %dma_wait3A_73, %dma_wait3A_74] : memref<2x16x2x40x128xi32, #tpu.memory_space<hbm>> -> memref<1x1x1x40x128xi32, #tpu.memory_space<hbm>>
        %dma_wait3A_76 = tpu.memref_squeeze %dma_wait3A_75 : memref<1x1x1x40x128xi32, #tpu.memory_space<hbm>> -> memref<40x128xi32, #tpu.memory_space<hbm>>
        %dma_wait3A_77 = arith.constant 40 : i32
        %dma_wait3A_78 = arith.constant 0 : i32
        %dma_wait3A_79 = tpu.memref_slice %arg12[%dma_wait3A_77, %dma_wait3A_78] : memref<80x128xi32, #tpu.memory_space<vmem>> -> memref<40x128xi32, #tpu.memory_space<vmem>>
        %dma_wait3A_80 = arith.constant 0 : i32
        %dma_wait3A_81 = arith.constant 0 : i32
        %dma_wait3A_82 = tpu.memref_slice %arg6[%run_scoped3A_35, %arg1, %run_scoped3A_36, %dma_wait3A_80, %dma_wait3A_81] : memref<2x16x2x40x128xi32, #tpu.memory_space<hbm>> -> memref<1x1x1x40x128xi32, #tpu.memory_space<hbm>>
        %dma_wait3A_83 = tpu.memref_squeeze %dma_wait3A_82 : memref<1x1x1x40x128xi32, #tpu.memory_space<hbm>> -> memref<40x128xi32, #tpu.memory_space<hbm>>
        tpu.wait_dma2 semaphore(%run_scoped3A_56 : memref<!tpu.dma_semaphore, #tpu.memory_space<semaphore_mem>>) src(%dma_wait3A_83 : memref<40x128xi32, #tpu.memory_space<hbm>>) dst(%dma_wait3A_79 : memref<40x128xi32, #tpu.memory_space<vmem>>)
        tpu.yield
      }) : () -> ()
      %dma_start3A_37 = arith.constant 0 : i32
      %dma_start3A_38 = arith.constant 0 : i32
      %dma_start3A_39 = tpu.memref_slice %arg12[%dma_start3A_37, %dma_start3A_38] : memref<80x128xi32, #tpu.memory_space<vmem>> -> memref<1x128xi32, #tpu.memory_space<vmem>>
      %dma_start3A_40 = tpu.memref_squeeze %dma_start3A_39 : memref<1x128xi32, #tpu.memory_space<vmem>> -> memref<128xi32, #tpu.memory_space<vmem>>
      %dma_start3A_41 = arith.constant 0 : i32
      %dma_start3A_42 = arith.constant 0 : i32
      %dma_start3A_43 = tpu.memref_slice %arg4[%dma_start3A_41, %dma_start3A_42] : memref<10000x128xf32, #tpu.memory_space<hbm>> -> memref<10000x128xf32, #tpu.memory_space<hbm>>
      tpu.enqueue_indirect_dma source(%dma_start3A_43 : memref<10000x128xf32, #tpu.memory_space<hbm>>) target(%arg13 : memref<128x128xf32, #tpu.memory_space<vmem>>) offsets(%dma_start3A_40 : memref<128xi32, #tpu.memory_space<vmem>>) semaphore(%arg16 : memref<!tpu.dma_semaphore, #tpu.memory_space<semaphore_mem>>)
      %scan3A_44 = arith.constant 0 : i32
      %scan3A_45 = arith.constant 0 : i32
      %scan3A_46 = arith.constant 20 : i32
      %scan3A_47 = arith.addi %scan3A_45, %scan3A_46 : i32
      %scan3A_48 = arith.constant 1 : i32
      %scan3A_49 = scf.for %scan3A_56 = %scan3A_45 to %scan3A_47 step %scan3A_48 iter_args(%scan3A_57 = %scan3A_44) -> (i32)  : i32 {
        %mul3A_58 = arith.constant 2 : i32
        %mul3A_59 = arith.muli %mul3A_58, %scan3A_56 : i32
        %dma_wait3A = arith.constant 0 : i32
        %dma_wait3A_60 = tpu.memref_slice %arg12[%mul3A_59, %dma_wait3A] : memref<80x128xi32, #tpu.memory_space<vmem>> -> memref<1x128xi32, #tpu.memory_space<vmem>>
        %dma_wait3A_61 = tpu.memref_squeeze %dma_wait3A_60 : memref<1x128xi32, #tpu.memory_space<vmem>> -> memref<128xi32, #tpu.memory_space<vmem>>
        %dma_wait3A_62 = arith.constant 0 : i32
        %dma_wait3A_63 = arith.constant 0 : i32
        %dma_wait3A_64 = tpu.memref_slice %arg4[%dma_wait3A_62, %dma_wait3A_63] : memref<10000x128xf32, #tpu.memory_space<hbm>> -> memref<10000x128xf32, #tpu.memory_space<hbm>>
        tpu.wait_indirect_dma semaphore(%arg16 : memref<!tpu.dma_semaphore, #tpu.memory_space<semaphore_mem>>) src(%dma_wait3A_64 : memref<10000x128xf32, #tpu.memory_space<hbm>>) dst(%arg13 : memref<128x128xf32, #tpu.memory_space<vmem>>)
        %add3A = arith.constant 1 : i32
        %add3A_65 = arith.addi %mul3A_59, %add3A : i32
        %dma_start3A_66 = arith.constant 0 : i32
        %dma_start3A_67 = tpu.memref_slice %arg12[%add3A_65, %dma_start3A_66] : memref<80x128xi32, #tpu.memory_space<vmem>> -> memref<1x128xi32, #tpu.memory_space<vmem>>
        %dma_start3A_68 = tpu.memref_squeeze %dma_start3A_67 : memref<1x128xi32, #tpu.memory_space<vmem>> -> memref<128xi32, #tpu.memory_space<vmem>>
        %dma_start3A_69 = arith.constant 0 : i32
        %dma_start3A_70 = arith.constant 0 : i32
        %dma_start3A_71 = tpu.memref_slice %arg4[%dma_start3A_69, %dma_start3A_70] : memref<10000x128xf32, #tpu.memory_space<hbm>> -> memref<10000x128xf32, #tpu.memory_space<hbm>>
        tpu.enqueue_indirect_dma source(%dma_start3A_71 : memref<10000x128xf32, #tpu.memory_space<hbm>>) target(%arg14 : memref<128x128xf32, #tpu.memory_space<vmem>>) offsets(%dma_start3A_68 : memref<128xi32, #tpu.memory_space<vmem>>) semaphore(%arg17 : memref<!tpu.dma_semaphore, #tpu.memory_space<semaphore_mem>>)
        %add3A_72 = arith.constant 40 : i32
        %add3A_73 = arith.addi %add3A_72, %mul3A_59 : i32
        "tpu.region"() ({
          %run_scoped3A_89 = tpu.sem_alloc : memref<!tpu.dma_semaphore, #tpu.memory_space<semaphore_mem>>
          %dma_start3A_90 = arith.constant 0 : i32
          %dma_start3A_91 = tpu.memref_slice %arg12[%add3A_73, %dma_start3A_90] : memref<80x128xi32, #tpu.memory_space<vmem>> -> memref<1x128xi32, #tpu.memory_space<vmem>>
          %dma_start3A_92 = tpu.memref_squeeze %dma_start3A_91 : memref<1x128xi32, #tpu.memory_space<vmem>> -> memref<128xi32, #tpu.memory_space<vmem>>
          %dma_start3A_93 = arith.constant 0 : i32
          %dma_start3A_94 = arith.constant 0 : i32
          %dma_start3A_95 = tpu.memref_slice %arg15[%dma_start3A_93, %dma_start3A_94] : memref<10112x128xf32, #tpu.memory_space<vmem_shared>> -> memref<10112x128xf32, #tpu.memory_space<vmem_shared>>
          tpu.enqueue_indirect_dma source(%arg13 : memref<128x128xf32, #tpu.memory_space<vmem>>) target(%dma_start3A_95 : memref<10112x128xf32, #tpu.memory_space<vmem_shared>>) offsets(%dma_start3A_92 : memref<128xi32, #tpu.memory_space<vmem>>) semaphore(%run_scoped3A_89 : memref<!tpu.dma_semaphore, #tpu.memory_space<semaphore_mem>>) {add = true}
          %dma_wait3A_96 = arith.constant 0 : i32
          %dma_wait3A_97 = tpu.memref_slice %arg12[%add3A_73, %dma_wait3A_96] : memref<80x128xi32, #tpu.memory_space<vmem>> -> memref<1x128xi32, #tpu.memory_space<vmem>>
          %dma_wait3A_98 = tpu.memref_squeeze %dma_wait3A_97 : memref<1x128xi32, #tpu.memory_space<vmem>> -> memref<128xi32, #tpu.memory_space<vmem>>
          %dma_wait3A_99 = arith.constant 0 : i32
          %dma_wait3A_100 = arith.constant 0 : i32
          %dma_wait3A_101 = tpu.memref_slice %arg15[%dma_wait3A_99, %dma_wait3A_100] : memref<10112x128xf32, #tpu.memory_space<vmem_shared>> -> memref<10112x128xf32, #tpu.memory_space<vmem_shared>>
          tpu.wait_indirect_dma semaphore(%run_scoped3A_89 : memref<!tpu.dma_semaphore, #tpu.memory_space<semaphore_mem>>) src(%arg13 : memref<128x128xf32, #tpu.memory_space<vmem>>) dst(%dma_wait3A_101 : memref<10112x128xf32, #tpu.memory_space<vmem_shared>>)
          tpu.yield
        }) : () -> ()
        %add3A_74 = arith.constant 1 : i32
        %add3A_75 = arith.addi %mul3A_59, %add3A_74 : i32
        %dma_wait3A_76 = arith.constant 0 : i32
        %dma_wait3A_77 = tpu.memref_slice %arg12[%add3A_75, %dma_wait3A_76] : memref<80x128xi32, #tpu.memory_space<vmem>> -> memref<1x128xi32, #tpu.memory_space<vmem>>
        %dma_wait3A_78 = tpu.memref_squeeze %dma_wait3A_77 : memref<1x128xi32, #tpu.memory_space<vmem>> -> memref<128xi32, #tpu.memory_space<vmem>>
        %dma_wait3A_79 = arith.constant 0 : i32
        %dma_wait3A_80 = arith.constant 0 : i32
        %dma_wait3A_81 = tpu.memref_slice %arg4[%dma_wait3A_79, %dma_wait3A_80] : memref<10000x128xf32, #tpu.memory_space<hbm>> -> memref<10000x128xf32, #tpu.memory_space<hbm>>
        tpu.wait_indirect_dma semaphore(%arg17 : memref<!tpu.dma_semaphore, #tpu.memory_space<semaphore_mem>>) src(%dma_wait3A_81 : memref<10000x128xf32, #tpu.memory_space<hbm>>) dst(%arg14 : memref<128x128xf32, #tpu.memory_space<vmem>>)
        %lt3A = arith.constant 19 : i32
        %lt3A_82 = arith.cmpi slt, %scan3A_56, %lt3A : i32
        %convert_element_type3A_83 = arith.extui %lt3A_82 : i1 to i32
        %cond3A_84 = arith.constant 0 : i32
        %cond3A_85 = arith.cmpi ne, %convert_element_type3A_83, %cond3A_84 : i32
        scf.if %cond3A_85 {
          %add3A_89 = arith.constant 2 : i32
          %add3A_90 = arith.addi %mul3A_59, %add3A_89 : i32
          %dma_start3A_91 = arith.constant 0 : i32
          %dma_start3A_92 = tpu.memref_slice %arg12[%add3A_90, %dma_start3A_91] : memref<80x128xi32, #tpu.memory_space<vmem>> -> memref<1x128xi32, #tpu.memory_space<vmem>>
          %dma_start3A_93 = tpu.memref_squeeze %dma_start3A_92 : memref<1x128xi32, #tpu.memory_space<vmem>> -> memref<128xi32, #tpu.memory_space<vmem>>
          %dma_start3A_94 = arith.constant 0 : i32
          %dma_start3A_95 = arith.constant 0 : i32
          %dma_start3A_96 = tpu.memref_slice %arg4[%dma_start3A_94, %dma_start3A_95] : memref<10000x128xf32, #tpu.memory_space<hbm>> -> memref<10000x128xf32, #tpu.memory_space<hbm>>
          tpu.enqueue_indirect_dma source(%dma_start3A_96 : memref<10000x128xf32, #tpu.memory_space<hbm>>) target(%arg13 : memref<128x128xf32, #tpu.memory_space<vmem>>) offsets(%dma_start3A_93 : memref<128xi32, #tpu.memory_space<vmem>>) semaphore(%arg16 : memref<!tpu.dma_semaphore, #tpu.memory_space<semaphore_mem>>)
        } else {
        }
        %add3A_86 = arith.constant 41 : i32
        %add3A_87 = arith.addi %add3A_86, %mul3A_59 : i32
        "tpu.region"() ({
          %run_scoped3A_89 = tpu.sem_alloc : memref<!tpu.dma_semaphore, #tpu.memory_space<semaphore_mem>>
          %dma_start3A_90 = arith.constant 0 : i32
          %dma_start3A_91 = tpu.memref_slice %arg12[%add3A_87, %dma_start3A_90] : memref<80x128xi32, #tpu.memory_space<vmem>> -> memref<1x128xi32, #tpu.memory_space<vmem>>
          %dma_start3A_92 = tpu.memref_squeeze %dma_start3A_91 : memref<1x128xi32, #tpu.memory_space<vmem>> -> memref<128xi32, #tpu.memory_space<vmem>>
          %dma_start3A_93 = arith.constant 0 : i32
          %dma_start3A_94 = arith.constant 0 : i32
          %dma_start3A_95 = tpu.memref_slice %arg15[%dma_start3A_93, %dma_start3A_94] : memref<10112x128xf32, #tpu.memory_space<vmem_shared>> -> memref<10112x128xf32, #tpu.memory_space<vmem_shared>>
          tpu.enqueue_indirect_dma source(%arg14 : memref<128x128xf32, #tpu.memory_space<vmem>>) target(%dma_start3A_95 : memref<10112x128xf32, #tpu.memory_space<vmem_shared>>) offsets(%dma_start3A_92 : memref<128xi32, #tpu.memory_space<vmem>>) semaphore(%run_scoped3A_89 : memref<!tpu.dma_semaphore, #tpu.memory_space<semaphore_mem>>) {add = true}
          %dma_wait3A_96 = arith.constant 0 : i32
          %dma_wait3A_97 = tpu.memref_slice %arg12[%add3A_87, %dma_wait3A_96] : memref<80x128xi32, #tpu.memory_space<vmem>> -> memref<1x128xi32, #tpu.memory_space<vmem>>
          %dma_wait3A_98 = tpu.memref_squeeze %dma_wait3A_97 : memref<1x128xi32, #tpu.memory_space<vmem>> -> memref<128xi32, #tpu.memory_space<vmem>>
          %dma_wait3A_99 = arith.constant 0 : i32
          %dma_wait3A_100 = arith.constant 0 : i32
          %dma_wait3A_101 = tpu.memref_slice %arg15[%dma_wait3A_99, %dma_wait3A_100] : memref<10112x128xf32, #tpu.memory_space<vmem_shared>> -> memref<10112x128xf32, #tpu.memory_space<vmem_shared>>
          tpu.wait_indirect_dma semaphore(%run_scoped3A_89 : memref<!tpu.dma_semaphore, #tpu.memory_space<semaphore_mem>>) src(%arg14 : memref<128x128xf32, #tpu.memory_space<vmem>>) dst(%dma_wait3A_101 : memref<10112x128xf32, #tpu.memory_space<vmem_shared>>)
          tpu.yield
        }) : () -> ()
        %scan3A_88 = arith.constant 0 : i32
        scf.yield %scan3A_88 : i32
      }
      %scan3A_50 = arith.constant 20 : i32
      %barrier3A_51 = arith.constant 0 : index
      tpu.barrier barrier_id(%barrier3A_51)
      %mul3A_52 = arith.constant 632 : i32
      %mul3A_53 = arith.muli %arg1, %mul3A_52 : i32
      %mul3A_54 = arith.constant 632 : i32
      %mul3A_55 = arith.muli %arg1, %mul3A_54 : i32
      "tpu.region"() ({
        %run_scoped3A_56 = tpu.sem_alloc : memref<!tpu.dma_semaphore, #tpu.memory_space<semaphore_mem>>
        %dma_start3A_57 = arith.constant 0 : i32
        %dma_start3A_58 = tpu.memref_slice %arg10[%mul3A_55, %dma_start3A_57] : memref<10112x128xf32, #tpu.memory_space<hbm>> -> memref<632x128xf32, #tpu.memory_space<hbm>>
        %dma_start3A_59 = arith.constant 0 : i32
        %dma_start3A_60 = tpu.memref_slice %arg15[%mul3A_53, %dma_start3A_59] : memref<10112x128xf32, #tpu.memory_space<vmem_shared>> -> memref<632x128xf32, #tpu.memory_space<vmem_shared>>
        tpu.enqueue_dma source(%dma_start3A_60 : memref<632x128xf32, #tpu.memory_space<vmem_shared>>) target(%dma_start3A_58 : memref<632x128xf32, #tpu.memory_space<hbm>>) target_semaphore(%run_scoped3A_56 : memref<!tpu.dma_semaphore, #tpu.memory_space<semaphore_mem>>)
        %dma_wait3A = arith.constant 0 : i32
        %dma_wait3A_61 = tpu.memref_slice %arg10[%mul3A_55, %dma_wait3A] : memref<10112x128xf32, #tpu.memory_space<hbm>> -> memref<632x128xf32, #tpu.memory_space<hbm>>
        %dma_wait3A_62 = arith.constant 0 : i32
        %dma_wait3A_63 = tpu.memref_slice %arg15[%mul3A_53, %dma_wait3A_62] : memref<10112x128xf32, #tpu.memory_space<vmem_shared>> -> memref<632x128xf32, #tpu.memory_space<vmem_shared>>
        tpu.wait_dma2 semaphore(%run_scoped3A_56 : memref<!tpu.dma_semaphore, #tpu.memory_space<semaphore_mem>>) src(%dma_wait3A_63 : memref<632x128xf32, #tpu.memory_space<vmem_shared>>) dst(%dma_wait3A_61 : memref<632x128xf32, #tpu.memory_space<hbm>>)
        tpu.yield
      }) : () -> ()
    } else {
    }
    %eq3A_7 = arith.constant 0 : i32
    %eq3A_8 = arith.cmpi eq, %arg0, %eq3A_7 : i32
    %convert_element_type3A_9 = arith.extui %eq3A_8 : i1 to i32
    %cond3A_10 = arith.constant 0 : i32
    %cond3A_11 = arith.cmpi ne, %convert_element_type3A_9, %cond3A_10 : i32
    scf.if %cond3A_11 {
      %mul3A = arith.constant 632 : i32
      %mul3A_17 = arith.muli %arg1, %mul3A : i32
      "tpu.region"() ({
        %run_scoped3A_56 = tpu.sem_alloc : memref<!tpu.dma_semaphore, #tpu.memory_space<semaphore_mem>>
        %dma_start3A_57 = arith.constant 0 : i32
        %dma_start3A_58 = tpu.memref_slice %arg15[%mul3A_17, %dma_start3A_57] : memref<10112x128xf32, #tpu.memory_space<vmem_shared>> -> memref<632x128xf32, #tpu.memory_space<vmem_shared>>
        tpu.enqueue_dma source(%arg7 : memref<632x128xf32, #tpu.memory_space<hbm>>) target(%dma_start3A_58 : memref<632x128xf32, #tpu.memory_space<vmem_shared>>) target_semaphore(%run_scoped3A_56 : memref<!tpu.dma_semaphore, #tpu.memory_space<semaphore_mem>>)
        %dma_wait3A = arith.constant 0 : i32
        %dma_wait3A_59 = tpu.memref_slice %arg15[%mul3A_17, %dma_wait3A] : memref<10112x128xf32, #tpu.memory_space<vmem_shared>> -> memref<632x128xf32, #tpu.memory_space<vmem_shared>>
        tpu.wait_dma2 semaphore(%run_scoped3A_56 : memref<!tpu.dma_semaphore, #tpu.memory_space<semaphore_mem>>) src(%arg7 : memref<632x128xf32, #tpu.memory_space<hbm>>) dst(%dma_wait3A_59 : memref<632x128xf32, #tpu.memory_space<vmem_shared>>)
        tpu.yield
      }) : () -> ()
      %barrier3A = arith.constant 0 : index
      tpu.barrier barrier_id(%barrier3A)
      %run_scoped3A = arith.constant 0 : i32
      %run_scoped3A_18 = arith.constant 0 : i32
      "tpu.region"() ({
        %run_scoped3A_56 = tpu.sem_alloc : memref<!tpu.dma_semaphore, #tpu.memory_space<semaphore_mem>>
        %dma_start3A_57 = arith.constant 0 : i32
        %dma_start3A_58 = arith.constant 0 : i32
        %dma_start3A_59 = tpu.memref_slice %arg12[%dma_start3A_57, %dma_start3A_58] : memref<80x128xi32, #tpu.memory_space<vmem>> -> memref<40x128xi32, #tpu.memory_space<vmem>>
        %dma_start3A_60 = arith.constant 0 : i32
        %dma_start3A_61 = arith.constant 0 : i32
        %dma_start3A_62 = tpu.memref_slice %arg6[%run_scoped3A, %arg1, %run_scoped3A_18, %dma_start3A_60, %dma_start3A_61] : memref<2x16x2x40x128xi32, #tpu.memory_space<hbm>> -> memref<1x1x1x40x128xi32, #tpu.memory_space<hbm>>
        %dma_start3A_63 = tpu.memref_squeeze %dma_start3A_62 : memref<1x1x1x40x128xi32, #tpu.memory_space<hbm>> -> memref<40x128xi32, #tpu.memory_space<hbm>>
        %dma_start3A_64 = arith.constant 0 : i32
        %dma_start3A_65 = arith.constant 0 : i32
        %dma_start3A_66 = tpu.memref_slice %arg12[%dma_start3A_64, %dma_start3A_65] : memref<80x128xi32, #tpu.memory_space<vmem>> -> memref<40x128xi32, #tpu.memory_space<vmem>>
        %dma_start3A_67 = arith.constant 0 : i32
        %dma_start3A_68 = arith.constant 0 : i32
        %dma_start3A_69 = tpu.memref_slice %arg6[%run_scoped3A, %arg1, %run_scoped3A_18, %dma_start3A_67, %dma_start3A_68] : memref<2x16x2x40x128xi32, #tpu.memory_space<hbm>> -> memref<1x1x1x40x128xi32, #tpu.memory_space<hbm>>
        %dma_start3A_70 = tpu.memref_squeeze %dma_start3A_69 : memref<1x1x1x40x128xi32, #tpu.memory_space<hbm>> -> memref<40x128xi32, #tpu.memory_space<hbm>>
        tpu.enqueue_dma source(%dma_start3A_70 : memref<40x128xi32, #tpu.memory_space<hbm>>) target(%dma_start3A_66 : memref<40x128xi32, #tpu.memory_space<vmem>>) target_semaphore(%run_scoped3A_56 : memref<!tpu.dma_semaphore, #tpu.memory_space<semaphore_mem>>)
        %dma_wait3A = arith.constant 0 : i32
        %dma_wait3A_71 = arith.constant 0 : i32
        %dma_wait3A_72 = tpu.memref_slice %arg12[%dma_wait3A, %dma_wait3A_71] : memref<80x128xi32, #tpu.memory_space<vmem>> -> memref<40x128xi32, #tpu.memory_space<vmem>>
        %dma_wait3A_73 = arith.constant 0 : i32
        %dma_wait3A_74 = arith.constant 0 : i32
        %dma_wait3A_75 = tpu.memref_slice %arg6[%run_scoped3A, %arg1, %run_scoped3A_18, %dma_wait3A_73, %dma_wait3A_74] : memref<2x16x2x40x128xi32, #tpu.memory_space<hbm>> -> memref<1x1x1x40x128xi32, #tpu.memory_space<hbm>>
        %dma_wait3A_76 = tpu.memref_squeeze %dma_wait3A_75 : memref<1x1x1x40x128xi32, #tpu.memory_space<hbm>> -> memref<40x128xi32, #tpu.memory_space<hbm>>
        %dma_wait3A_77 = arith.constant 0 : i32
        %dma_wait3A_78 = arith.constant 0 : i32
        %dma_wait3A_79 = tpu.memref_slice %arg12[%dma_wait3A_77, %dma_wait3A_78] : memref<80x128xi32, #tpu.memory_space<vmem>> -> memref<40x128xi32, #tpu.memory_space<vmem>>
        %dma_wait3A_80 = arith.constant 0 : i32
        %dma_wait3A_81 = arith.constant 0 : i32
        %dma_wait3A_82 = tpu.memref_slice %arg6[%run_scoped3A, %arg1, %run_scoped3A_18, %dma_wait3A_80, %dma_wait3A_81] : memref<2x16x2x40x128xi32, #tpu.memory_space<hbm>> -> memref<1x1x1x40x128xi32, #tpu.memory_space<hbm>>
        %dma_wait3A_83 = tpu.memref_squeeze %dma_wait3A_82 : memref<1x1x1x40x128xi32, #tpu.memory_space<hbm>> -> memref<40x128xi32, #tpu.memory_space<hbm>>
        tpu.wait_dma2 semaphore(%run_scoped3A_56 : memref<!tpu.dma_semaphore, #tpu.memory_space<semaphore_mem>>) src(%dma_wait3A_83 : memref<40x128xi32, #tpu.memory_space<hbm>>) dst(%dma_wait3A_79 : memref<40x128xi32, #tpu.memory_space<vmem>>)
        tpu.yield
      }) : () -> ()
      %run_scoped3A_19 = arith.constant 1 : i32
      %run_scoped3A_20 = arith.constant 0 : i32
      "tpu.region"() ({
        %run_scoped3A_56 = tpu.sem_alloc : memref<!tpu.dma_semaphore, #tpu.memory_space<semaphore_mem>>
        %dma_start3A_57 = arith.constant 40 : i32
        %dma_start3A_58 = arith.constant 0 : i32
        %dma_start3A_59 = tpu.memref_slice %arg12[%dma_start3A_57, %dma_start3A_58] : memref<80x128xi32, #tpu.memory_space<vmem>> -> memref<40x128xi32, #tpu.memory_space<vmem>>
        %dma_start3A_60 = arith.constant 0 : i32
        %dma_start3A_61 = arith.constant 0 : i32
        %dma_start3A_62 = tpu.memref_slice %arg6[%run_scoped3A_19, %arg1, %run_scoped3A_20, %dma_start3A_60, %dma_start3A_61] : memref<2x16x2x40x128xi32, #tpu.memory_space<hbm>> -> memref<1x1x1x40x128xi32, #tpu.memory_space<hbm>>
        %dma_start3A_63 = tpu.memref_squeeze %dma_start3A_62 : memref<1x1x1x40x128xi32, #tpu.memory_space<hbm>> -> memref<40x128xi32, #tpu.memory_space<hbm>>
        %dma_start3A_64 = arith.constant 40 : i32
        %dma_start3A_65 = arith.constant 0 : i32
        %dma_start3A_66 = tpu.memref_slice %arg12[%dma_start3A_64, %dma_start3A_65] : memref<80x128xi32, #tpu.memory_space<vmem>> -> memref<40x128xi32, #tpu.memory_space<vmem>>
        %dma_start3A_67 = arith.constant 0 : i32
        %dma_start3A_68 = arith.constant 0 : i32
        %dma_start3A_69 = tpu.memref_slice %arg6[%run_scoped3A_19, %arg1, %run_scoped3A_20, %dma_start3A_67, %dma_start3A_68] : memref<2x16x2x40x128xi32, #tpu.memory_space<hbm>> -> memref<1x1x1x40x128xi32, #tpu.memory_space<hbm>>
        %dma_start3A_70 = tpu.memref_squeeze %dma_start3A_69 : memref<1x1x1x40x128xi32, #tpu.memory_space<hbm>> -> memref<40x128xi32, #tpu.memory_space<hbm>>
        tpu.enqueue_dma source(%dma_start3A_70 : memref<40x128xi32, #tpu.memory_space<hbm>>) target(%dma_start3A_66 : memref<40x128xi32, #tpu.memory_space<vmem>>) target_semaphore(%run_scoped3A_56 : memref<!tpu.dma_semaphore, #tpu.memory_space<semaphore_mem>>)
        %dma_wait3A = arith.constant 40 : i32
        %dma_wait3A_71 = arith.constant 0 : i32
        %dma_wait3A_72 = tpu.memref_slice %arg12[%dma_wait3A, %dma_wait3A_71] : memref<80x128xi32, #tpu.memory_space<vmem>> -> memref<40x128xi32, #tpu.memory_space<vmem>>
        %dma_wait3A_73 = arith.constant 0 : i32
        %dma_wait3A_74 = arith.constant 0 : i32
        %dma_wait3A_75 = tpu.memref_slice %arg6[%run_scoped3A_19, %arg1, %run_scoped3A_20, %dma_wait3A_73, %dma_wait3A_74] : memref<2x16x2x40x128xi32, #tpu.memory_space<hbm>> -> memref<1x1x1x40x128xi32, #tpu.memory_space<hbm>>
        %dma_wait3A_76 = tpu.memref_squeeze %dma_wait3A_75 : memref<1x1x1x40x128xi32, #tpu.memory_space<hbm>> -> memref<40x128xi32, #tpu.memory_space<hbm>>
        %dma_wait3A_77 = arith.constant 40 : i32
        %dma_wait3A_78 = arith.constant 0 : i32
        %dma_wait3A_79 = tpu.memref_slice %arg12[%dma_wait3A_77, %dma_wait3A_78] : memref<80x128xi32, #tpu.memory_space<vmem>> -> memref<40x128xi32, #tpu.memory_space<vmem>>
        %dma_wait3A_80 = arith.constant 0 : i32
        %dma_wait3A_81 = arith.constant 0 : i32
        %dma_wait3A_82 = tpu.memref_slice %arg6[%run_scoped3A_19, %arg1, %run_scoped3A_20, %dma_wait3A_80, %dma_wait3A_81] : memref<2x16x2x40x128xi32, #tpu.memory_space<hbm>> -> memref<1x1x1x40x128xi32, #tpu.memory_space<hbm>>
        %dma_wait3A_83 = tpu.memref_squeeze %dma_wait3A_82 : memref<1x1x1x40x128xi32, #tpu.memory_space<hbm>> -> memref<40x128xi32, #tpu.memory_space<hbm>>
        tpu.wait_dma2 semaphore(%run_scoped3A_56 : memref<!tpu.dma_semaphore, #tpu.memory_space<semaphore_mem>>) src(%dma_wait3A_83 : memref<40x128xi32, #tpu.memory_space<hbm>>) dst(%dma_wait3A_79 : memref<40x128xi32, #tpu.memory_space<vmem>>)
        tpu.yield
      }) : () -> ()
      %dma_start3A = arith.constant 0 : i32
      %dma_start3A_21 = arith.constant 0 : i32
      %dma_start3A_22 = tpu.memref_slice %arg12[%dma_start3A, %dma_start3A_21] : memref<80x128xi32, #tpu.memory_space<vmem>> -> memref<1x128xi32, #tpu.memory_space<vmem>>
      %dma_start3A_23 = tpu.memref_squeeze %dma_start3A_22 : memref<1x128xi32, #tpu.memory_space<vmem>> -> memref<128xi32, #tpu.memory_space<vmem>>
      %dma_start3A_24 = arith.constant 0 : i32
      %dma_start3A_25 = arith.constant 0 : i32
      %dma_start3A_26 = tpu.memref_slice %arg3[%dma_start3A_24, %dma_start3A_25] : memref<10000x128xf32, #tpu.memory_space<hbm>> -> memref<10000x128xf32, #tpu.memory_space<hbm>>
      tpu.enqueue_indirect_dma source(%dma_start3A_26 : memref<10000x128xf32, #tpu.memory_space<hbm>>) target(%arg13 : memref<128x128xf32, #tpu.memory_space<vmem>>) offsets(%dma_start3A_23 : memref<128xi32, #tpu.memory_space<vmem>>) semaphore(%arg16 : memref<!tpu.dma_semaphore, #tpu.memory_space<semaphore_mem>>)
      %scan3A = arith.constant 0 : i32
      %scan3A_27 = arith.constant 0 : i32
      %scan3A_28 = arith.constant 20 : i32
      %scan3A_29 = arith.addi %scan3A_27, %scan3A_28 : i32
      %scan3A_30 = arith.constant 1 : i32
      %scan3A_31 = scf.for %scan3A_56 = %scan3A_27 to %scan3A_29 step %scan3A_30 iter_args(%scan3A_57 = %scan3A) -> (i32)  : i32 {
        %mul3A_58 = arith.constant 2 : i32
        %mul3A_59 = arith.muli %mul3A_58, %scan3A_56 : i32
        %dma_wait3A = arith.constant 0 : i32
        %dma_wait3A_60 = tpu.memref_slice %arg12[%mul3A_59, %dma_wait3A] : memref<80x128xi32, #tpu.memory_space<vmem>> -> memref<1x128xi32, #tpu.memory_space<vmem>>
        %dma_wait3A_61 = tpu.memref_squeeze %dma_wait3A_60 : memref<1x128xi32, #tpu.memory_space<vmem>> -> memref<128xi32, #tpu.memory_space<vmem>>
        %dma_wait3A_62 = arith.constant 0 : i32
        %dma_wait3A_63 = arith.constant 0 : i32
        %dma_wait3A_64 = tpu.memref_slice %arg3[%dma_wait3A_62, %dma_wait3A_63] : memref<10000x128xf32, #tpu.memory_space<hbm>> -> memref<10000x128xf32, #tpu.memory_space<hbm>>
        tpu.wait_indirect_dma semaphore(%arg16 : memref<!tpu.dma_semaphore, #tpu.memory_space<semaphore_mem>>) src(%dma_wait3A_64 : memref<10000x128xf32, #tpu.memory_space<hbm>>) dst(%arg13 : memref<128x128xf32, #tpu.memory_space<vmem>>)
        %add3A = arith.constant 1 : i32
        %add3A_65 = arith.addi %mul3A_59, %add3A : i32
        %dma_start3A_66 = arith.constant 0 : i32
        %dma_start3A_67 = tpu.memref_slice %arg12[%add3A_65, %dma_start3A_66] : memref<80x128xi32, #tpu.memory_space<vmem>> -> memref<1x128xi32, #tpu.memory_space<vmem>>
        %dma_start3A_68 = tpu.memref_squeeze %dma_start3A_67 : memref<1x128xi32, #tpu.memory_space<vmem>> -> memref<128xi32, #tpu.memory_space<vmem>>
        %dma_start3A_69 = arith.constant 0 : i32
        %dma_start3A_70 = arith.constant 0 : i32
        %dma_start3A_71 = tpu.memref_slice %arg3[%dma_start3A_69, %dma_start3A_70] : memref<10000x128xf32, #tpu.memory_space<hbm>> -> memref<10000x128xf32, #tpu.memory_space<hbm>>
        tpu.enqueue_indirect_dma source(%dma_start3A_71 : memref<10000x128xf32, #tpu.memory_space<hbm>>) target(%arg14 : memref<128x128xf32, #tpu.memory_space<vmem>>) offsets(%dma_start3A_68 : memref<128xi32, #tpu.memory_space<vmem>>) semaphore(%arg17 : memref<!tpu.dma_semaphore, #tpu.memory_space<semaphore_mem>>)
        %add3A_72 = arith.constant 40 : i32
        %add3A_73 = arith.addi %add3A_72, %mul3A_59 : i32
        "tpu.region"() ({
          %run_scoped3A_89 = tpu.sem_alloc : memref<!tpu.dma_semaphore, #tpu.memory_space<semaphore_mem>>
          %dma_start3A_90 = arith.constant 0 : i32
          %dma_start3A_91 = tpu.memref_slice %arg12[%add3A_73, %dma_start3A_90] : memref<80x128xi32, #tpu.memory_space<vmem>> -> memref<1x128xi32, #tpu.memory_space<vmem>>
          %dma_start3A_92 = tpu.memref_squeeze %dma_start3A_91 : memref<1x128xi32, #tpu.memory_space<vmem>> -> memref<128xi32, #tpu.memory_space<vmem>>
          %dma_start3A_93 = arith.constant 0 : i32
          %dma_start3A_94 = arith.constant 0 : i32
          %dma_start3A_95 = tpu.memref_slice %arg15[%dma_start3A_93, %dma_start3A_94] : memref<10112x128xf32, #tpu.memory_space<vmem_shared>> -> memref<10112x128xf32, #tpu.memory_space<vmem_shared>>
          tpu.enqueue_indirect_dma source(%arg13 : memref<128x128xf32, #tpu.memory_space<vmem>>) target(%dma_start3A_95 : memref<10112x128xf32, #tpu.memory_space<vmem_shared>>) offsets(%dma_start3A_92 : memref<128xi32, #tpu.memory_space<vmem>>) semaphore(%run_scoped3A_89 : memref<!tpu.dma_semaphore, #tpu.memory_space<semaphore_mem>>) {add = true}
          %dma_wait3A_96 = arith.constant 0 : i32
          %dma_wait3A_97 = tpu.memref_slice %arg12[%add3A_73, %dma_wait3A_96] : memref<80x128xi32, #tpu.memory_space<vmem>> -> memref<1x128xi32, #tpu.memory_space<vmem>>
          %dma_wait3A_98 = tpu.memref_squeeze %dma_wait3A_97 : memref<1x128xi32, #tpu.memory_space<vmem>> -> memref<128xi32, #tpu.memory_space<vmem>>
          %dma_wait3A_99 = arith.constant 0 : i32
          %dma_wait3A_100 = arith.constant 0 : i32
          %dma_wait3A_101 = tpu.memref_slice %arg15[%dma_wait3A_99, %dma_wait3A_100] : memref<10112x128xf32, #tpu.memory_space<vmem_shared>> -> memref<10112x128xf32, #tpu.memory_space<vmem_shared>>
          tpu.wait_indirect_dma semaphore(%run_scoped3A_89 : memref<!tpu.dma_semaphore, #tpu.memory_space<semaphore_mem>>) src(%arg13 : memref<128x128xf32, #tpu.memory_space<vmem>>) dst(%dma_wait3A_101 : memref<10112x128xf32, #tpu.memory_space<vmem_shared>>)
          tpu.yield
        }) : () -> ()
        %add3A_74 = arith.constant 1 : i32
        %add3A_75 = arith.addi %mul3A_59, %add3A_74 : i32
        %dma_wait3A_76 = arith.constant 0 : i32
        %dma_wait3A_77 = tpu.memref_slice %arg12[%add3A_75, %dma_wait3A_76] : memref<80x128xi32, #tpu.memory_space<vmem>> -> memref<1x128xi32, #tpu.memory_space<vmem>>
        %dma_wait3A_78 = tpu.memref_squeeze %dma_wait3A_77 : memref<1x128xi32, #tpu.memory_space<vmem>> -> memref<128xi32, #tpu.memory_space<vmem>>
        %dma_wait3A_79 = arith.constant 0 : i32
        %dma_wait3A_80 = arith.constant 0 : i32
        %dma_wait3A_81 = tpu.memref_slice %arg3[%dma_wait3A_79, %dma_wait3A_80] : memref<10000x128xf32, #tpu.memory_space<hbm>> -> memref<10000x128xf32, #tpu.memory_space<hbm>>
        tpu.wait_indirect_dma semaphore(%arg17 : memref<!tpu.dma_semaphore, #tpu.memory_space<semaphore_mem>>) src(%dma_wait3A_81 : memref<10000x128xf32, #tpu.memory_space<hbm>>) dst(%arg14 : memref<128x128xf32, #tpu.memory_space<vmem>>)
        %lt3A = arith.constant 19 : i32
        %lt3A_82 = arith.cmpi slt, %scan3A_56, %lt3A : i32
        %convert_element_type3A_83 = arith.extui %lt3A_82 : i1 to i32
        %cond3A_84 = arith.constant 0 : i32
        %cond3A_85 = arith.cmpi ne, %convert_element_type3A_83, %cond3A_84 : i32
        scf.if %cond3A_85 {
          %add3A_89 = arith.constant 2 : i32
          %add3A_90 = arith.addi %mul3A_59, %add3A_89 : i32
          %dma_start3A_91 = arith.constant 0 : i32
          %dma_start3A_92 = tpu.memref_slice %arg12[%add3A_90, %dma_start3A_91] : memref<80x128xi32, #tpu.memory_space<vmem>> -> memref<1x128xi32, #tpu.memory_space<vmem>>
          %dma_start3A_93 = tpu.memref_squeeze %dma_start3A_92 : memref<1x128xi32, #tpu.memory_space<vmem>> -> memref<128xi32, #tpu.memory_space<vmem>>
          %dma_start3A_94 = arith.constant 0 : i32
          %dma_start3A_95 = arith.constant 0 : i32
          %dma_start3A_96 = tpu.memref_slice %arg3[%dma_start3A_94, %dma_start3A_95] : memref<10000x128xf32, #tpu.memory_space<hbm>> -> memref<10000x128xf32, #tpu.memory_space<hbm>>
          tpu.enqueue_indirect_dma source(%dma_start3A_96 : memref<10000x128xf32, #tpu.memory_space<hbm>>) target(%arg13 : memref<128x128xf32, #tpu.memory_space<vmem>>) offsets(%dma_start3A_93 : memref<128xi32, #tpu.memory_space<vmem>>) semaphore(%arg16 : memref<!tpu.dma_semaphore, #tpu.memory_space<semaphore_mem>>)
        } else {
        }
        %add3A_86 = arith.constant 41 : i32
        %add3A_87 = arith.addi %add3A_86, %mul3A_59 : i32
        "tpu.region"() ({
          %run_scoped3A_89 = tpu.sem_alloc : memref<!tpu.dma_semaphore, #tpu.memory_space<semaphore_mem>>
          %dma_start3A_90 = arith.constant 0 : i32
          %dma_start3A_91 = tpu.memref_slice %arg12[%add3A_87, %dma_start3A_90] : memref<80x128xi32, #tpu.memory_space<vmem>> -> memref<1x128xi32, #tpu.memory_space<vmem>>
          %dma_start3A_92 = tpu.memref_squeeze %dma_start3A_91 : memref<1x128xi32, #tpu.memory_space<vmem>> -> memref<128xi32, #tpu.memory_space<vmem>>
          %dma_start3A_93 = arith.constant 0 : i32
          %dma_start3A_94 = arith.constant 0 : i32
          %dma_start3A_95 = tpu.memref_slice %arg15[%dma_start3A_93, %dma_start3A_94] : memref<10112x128xf32, #tpu.memory_space<vmem_shared>> -> memref<10112x128xf32, #tpu.memory_space<vmem_shared>>
          tpu.enqueue_indirect_dma source(%arg14 : memref<128x128xf32, #tpu.memory_space<vmem>>) target(%dma_start3A_95 : memref<10112x128xf32, #tpu.memory_space<vmem_shared>>) offsets(%dma_start3A_92 : memref<128xi32, #tpu.memory_space<vmem>>) semaphore(%run_scoped3A_89 : memref<!tpu.dma_semaphore, #tpu.memory_space<semaphore_mem>>) {add = true}
          %dma_wait3A_96 = arith.constant 0 : i32
          %dma_wait3A_97 = tpu.memref_slice %arg12[%add3A_87, %dma_wait3A_96] : memref<80x128xi32, #tpu.memory_space<vmem>> -> memref<1x128xi32, #tpu.memory_space<vmem>>
          %dma_wait3A_98 = tpu.memref_squeeze %dma_wait3A_97 : memref<1x128xi32, #tpu.memory_space<vmem>> -> memref<128xi32, #tpu.memory_space<vmem>>
          %dma_wait3A_99 = arith.constant 0 : i32
          %dma_wait3A_100 = arith.constant 0 : i32
          %dma_wait3A_101 = tpu.memref_slice %arg15[%dma_wait3A_99, %dma_wait3A_100] : memref<10112x128xf32, #tpu.memory_space<vmem_shared>> -> memref<10112x128xf32, #tpu.memory_space<vmem_shared>>
          tpu.wait_indirect_dma semaphore(%run_scoped3A_89 : memref<!tpu.dma_semaphore, #tpu.memory_space<semaphore_mem>>) src(%arg14 : memref<128x128xf32, #tpu.memory_space<vmem>>) dst(%dma_wait3A_101 : memref<10112x128xf32, #tpu.memory_space<vmem_shared>>)
          tpu.yield
        }) : () -> ()
        %scan3A_88 = arith.constant 0 : i32
        scf.yield %scan3A_88 : i32
      }
      %scan3A_32 = arith.constant 20 : i32
      %run_scoped3A_33 = arith.constant 0 : i32
      %run_scoped3A_34 = arith.constant 1 : i32
      "tpu.region"() ({
        %run_scoped3A_56 = tpu.sem_alloc : memref<!tpu.dma_semaphore, #tpu.memory_space<semaphore_mem>>
        %dma_start3A_57 = arith.constant 0 : i32
        %dma_start3A_58 = arith.constant 0 : i32
        %dma_start3A_59 = tpu.memref_slice %arg12[%dma_start3A_57, %dma_start3A_58] : memref<80x128xi32, #tpu.memory_space<vmem>> -> memref<40x128xi32, #tpu.memory_space<vmem>>
        %dma_start3A_60 = arith.constant 0 : i32
        %dma_start3A_61 = arith.constant 0 : i32
        %dma_start3A_62 = tpu.memref_slice %arg6[%run_scoped3A_33, %arg1, %run_scoped3A_34, %dma_start3A_60, %dma_start3A_61] : memref<2x16x2x40x128xi32, #tpu.memory_space<hbm>> -> memref<1x1x1x40x128xi32, #tpu.memory_space<hbm>>
        %dma_start3A_63 = tpu.memref_squeeze %dma_start3A_62 : memref<1x1x1x40x128xi32, #tpu.memory_space<hbm>> -> memref<40x128xi32, #tpu.memory_space<hbm>>
        %dma_start3A_64 = arith.constant 0 : i32
        %dma_start3A_65 = arith.constant 0 : i32
        %dma_start3A_66 = tpu.memref_slice %arg12[%dma_start3A_64, %dma_start3A_65] : memref<80x128xi32, #tpu.memory_space<vmem>> -> memref<40x128xi32, #tpu.memory_space<vmem>>
        %dma_start3A_67 = arith.constant 0 : i32
        %dma_start3A_68 = arith.constant 0 : i32
        %dma_start3A_69 = tpu.memref_slice %arg6[%run_scoped3A_33, %arg1, %run_scoped3A_34, %dma_start3A_67, %dma_start3A_68] : memref<2x16x2x40x128xi32, #tpu.memory_space<hbm>> -> memref<1x1x1x40x128xi32, #tpu.memory_space<hbm>>
        %dma_start3A_70 = tpu.memref_squeeze %dma_start3A_69 : memref<1x1x1x40x128xi32, #tpu.memory_space<hbm>> -> memref<40x128xi32, #tpu.memory_space<hbm>>
        tpu.enqueue_dma source(%dma_start3A_70 : memref<40x128xi32, #tpu.memory_space<hbm>>) target(%dma_start3A_66 : memref<40x128xi32, #tpu.memory_space<vmem>>) target_semaphore(%run_scoped3A_56 : memref<!tpu.dma_semaphore, #tpu.memory_space<semaphore_mem>>)
        %dma_wait3A = arith.constant 0 : i32
        %dma_wait3A_71 = arith.constant 0 : i32
        %dma_wait3A_72 = tpu.memref_slice %arg12[%dma_wait3A, %dma_wait3A_71] : memref<80x128xi32, #tpu.memory_space<vmem>> -> memref<40x128xi32, #tpu.memory_space<vmem>>
        %dma_wait3A_73 = arith.constant 0 : i32
        %dma_wait3A_74 = arith.constant 0 : i32
        %dma_wait3A_75 = tpu.memref_slice %arg6[%run_scoped3A_33, %arg1, %run_scoped3A_34, %dma_wait3A_73, %dma_wait3A_74] : memref<2x16x2x40x128xi32, #tpu.memory_space<hbm>> -> memref<1x1x1x40x128xi32, #tpu.memory_space<hbm>>
        %dma_wait3A_76 = tpu.memref_squeeze %dma_wait3A_75 : memref<1x1x1x40x128xi32, #tpu.memory_space<hbm>> -> memref<40x128xi32, #tpu.memory_space<hbm>>
        %dma_wait3A_77 = arith.constant 0 : i32
        %dma_wait3A_78 = arith.constant 0 : i32
        %dma_wait3A_79 = tpu.memref_slice %arg12[%dma_wait3A_77, %dma_wait3A_78] : memref<80x128xi32, #tpu.memory_space<vmem>> -> memref<40x128xi32, #tpu.memory_space<vmem>>
        %dma_wait3A_80 = arith.constant 0 : i32
        %dma_wait3A_81 = arith.constant 0 : i32
        %dma_wait3A_82 = tpu.memref_slice %arg6[%run_scoped3A_33, %arg1, %run_scoped3A_34, %dma_wait3A_80, %dma_wait3A_81] : memref<2x16x2x40x128xi32, #tpu.memory_space<hbm>> -> memref<1x1x1x40x128xi32, #tpu.memory_space<hbm>>
        %dma_wait3A_83 = tpu.memref_squeeze %dma_wait3A_82 : memref<1x1x1x40x128xi32, #tpu.memory_space<hbm>> -> memref<40x128xi32, #tpu.memory_space<hbm>>
        tpu.wait_dma2 semaphore(%run_scoped3A_56 : memref<!tpu.dma_semaphore, #tpu.memory_space<semaphore_mem>>) src(%dma_wait3A_83 : memref<40x128xi32, #tpu.memory_space<hbm>>) dst(%dma_wait3A_79 : memref<40x128xi32, #tpu.memory_space<vmem>>)
        tpu.yield
      }) : () -> ()
      %run_scoped3A_35 = arith.constant 1 : i32
      %run_scoped3A_36 = arith.constant 1 : i32
      "tpu.region"() ({
        %run_scoped3A_56 = tpu.sem_alloc : memref<!tpu.dma_semaphore, #tpu.memory_space<semaphore_mem>>
        %dma_start3A_57 = arith.constant 40 : i32
        %dma_start3A_58 = arith.constant 0 : i32
        %dma_start3A_59 = tpu.memref_slice %arg12[%dma_start3A_57, %dma_start3A_58] : memref<80x128xi32, #tpu.memory_space<vmem>> -> memref<40x128xi32, #tpu.memory_space<vmem>>
        %dma_start3A_60 = arith.constant 0 : i32
        %dma_start3A_61 = arith.constant 0 : i32
        %dma_start3A_62 = tpu.memref_slice %arg6[%run_scoped3A_35, %arg1, %run_scoped3A_36, %dma_start3A_60, %dma_start3A_61] : memref<2x16x2x40x128xi32, #tpu.memory_space<hbm>> -> memref<1x1x1x40x128xi32, #tpu.memory_space<hbm>>
        %dma_start3A_63 = tpu.memref_squeeze %dma_start3A_62 : memref<1x1x1x40x128xi32, #tpu.memory_space<hbm>> -> memref<40x128xi32, #tpu.memory_space<hbm>>
        %dma_start3A_64 = arith.constant 40 : i32
        %dma_start3A_65 = arith.constant 0 : i32
        %dma_start3A_66 = tpu.memref_slice %arg12[%dma_start3A_64, %dma_start3A_65] : memref<80x128xi32, #tpu.memory_space<vmem>> -> memref<40x128xi32, #tpu.memory_space<vmem>>
        %dma_start3A_67 = arith.constant 0 : i32
        %dma_start3A_68 = arith.constant 0 : i32
        %dma_start3A_69 = tpu.memref_slice %arg6[%run_scoped3A_35, %arg1, %run_scoped3A_36, %dma_start3A_67, %dma_start3A_68] : memref<2x16x2x40x128xi32, #tpu.memory_space<hbm>> -> memref<1x1x1x40x128xi32, #tpu.memory_space<hbm>>
        %dma_start3A_70 = tpu.memref_squeeze %dma_start3A_69 : memref<1x1x1x40x128xi32, #tpu.memory_space<hbm>> -> memref<40x128xi32, #tpu.memory_space<hbm>>
        tpu.enqueue_dma source(%dma_start3A_70 : memref<40x128xi32, #tpu.memory_space<hbm>>) target(%dma_start3A_66 : memref<40x128xi32, #tpu.memory_space<vmem>>) target_semaphore(%run_scoped3A_56 : memref<!tpu.dma_semaphore, #tpu.memory_space<semaphore_mem>>)
        %dma_wait3A = arith.constant 40 : i32
        %dma_wait3A_71 = arith.constant 0 : i32
        %dma_wait3A_72 = tpu.memref_slice %arg12[%dma_wait3A, %dma_wait3A_71] : memref<80x128xi32, #tpu.memory_space<vmem>> -> memref<40x128xi32, #tpu.memory_space<vmem>>
        %dma_wait3A_73 = arith.constant 0 : i32
        %dma_wait3A_74 = arith.constant 0 : i32
        %dma_wait3A_75 = tpu.memref_slice %arg6[%run_scoped3A_35, %arg1, %run_scoped3A_36, %dma_wait3A_73, %dma_wait3A_74] : memref<2x16x2x40x128xi32, #tpu.memory_space<hbm>> -> memref<1x1x1x40x128xi32, #tpu.memory_space<hbm>>
        %dma_wait3A_76 = tpu.memref_squeeze %dma_wait3A_75 : memref<1x1x1x40x128xi32, #tpu.memory_space<hbm>> -> memref<40x128xi32, #tpu.memory_space<hbm>>
        %dma_wait3A_77 = arith.constant 40 : i32
        %dma_wait3A_78 = arith.constant 0 : i32
        %dma_wait3A_79 = tpu.memref_slice %arg12[%dma_wait3A_77, %dma_wait3A_78] : memref<80x128xi32, #tpu.memory_space<vmem>> -> memref<40x128xi32, #tpu.memory_space<vmem>>
        %dma_wait3A_80 = arith.constant 0 : i32
        %dma_wait3A_81 = arith.constant 0 : i32
        %dma_wait3A_82 = tpu.memref_slice %arg6[%run_scoped3A_35, %arg1, %run_scoped3A_36, %dma_wait3A_80, %dma_wait3A_81] : memref<2x16x2x40x128xi32, #tpu.memory_space<hbm>> -> memref<1x1x1x40x128xi32, #tpu.memory_space<hbm>>
        %dma_wait3A_83 = tpu.memref_squeeze %dma_wait3A_82 : memref<1x1x1x40x128xi32, #tpu.memory_space<hbm>> -> memref<40x128xi32, #tpu.memory_space<hbm>>
        tpu.wait_dma2 semaphore(%run_scoped3A_56 : memref<!tpu.dma_semaphore, #tpu.memory_space<semaphore_mem>>) src(%dma_wait3A_83 : memref<40x128xi32, #tpu.memory_space<hbm>>) dst(%dma_wait3A_79 : memref<40x128xi32, #tpu.memory_space<vmem>>)
        tpu.yield
      }) : () -> ()
      %dma_start3A_37 = arith.constant 0 : i32
      %dma_start3A_38 = arith.constant 0 : i32
      %dma_start3A_39 = tpu.memref_slice %arg12[%dma_start3A_37, %dma_start3A_38] : memref<80x128xi32, #tpu.memory_space<vmem>> -> memref<1x128xi32, #tpu.memory_space<vmem>>
      %dma_start3A_40 = tpu.memref_squeeze %dma_start3A_39 : memref<1x128xi32, #tpu.memory_space<vmem>> -> memref<128xi32, #tpu.memory_space<vmem>>
      %dma_start3A_41 = arith.constant 0 : i32
      %dma_start3A_42 = arith.constant 0 : i32
      %dma_start3A_43 = tpu.memref_slice %arg3[%dma_start3A_41, %dma_start3A_42] : memref<10000x128xf32, #tpu.memory_space<hbm>> -> memref<10000x128xf32, #tpu.memory_space<hbm>>
      tpu.enqueue_indirect_dma source(%dma_start3A_43 : memref<10000x128xf32, #tpu.memory_space<hbm>>) target(%arg13 : memref<128x128xf32, #tpu.memory_space<vmem>>) offsets(%dma_start3A_40 : memref<128xi32, #tpu.memory_space<vmem>>) semaphore(%arg16 : memref<!tpu.dma_semaphore, #tpu.memory_space<semaphore_mem>>)
      %scan3A_44 = arith.constant 0 : i32
      %scan3A_45 = arith.constant 0 : i32
      %scan3A_46 = arith.constant 20 : i32
      %scan3A_47 = arith.addi %scan3A_45, %scan3A_46 : i32
      %scan3A_48 = arith.constant 1 : i32
      %scan3A_49 = scf.for %scan3A_56 = %scan3A_45 to %scan3A_47 step %scan3A_48 iter_args(%scan3A_57 = %scan3A_44) -> (i32)  : i32 {
        %mul3A_58 = arith.constant 2 : i32
        %mul3A_59 = arith.muli %mul3A_58, %scan3A_56 : i32
        %dma_wait3A = arith.constant 0 : i32
        %dma_wait3A_60 = tpu.memref_slice %arg12[%mul3A_59, %dma_wait3A] : memref<80x128xi32, #tpu.memory_space<vmem>> -> memref<1x128xi32, #tpu.memory_space<vmem>>
        %dma_wait3A_61 = tpu.memref_squeeze %dma_wait3A_60 : memref<1x128xi32, #tpu.memory_space<vmem>> -> memref<128xi32, #tpu.memory_space<vmem>>
        %dma_wait3A_62 = arith.constant 0 : i32
        %dma_wait3A_63 = arith.constant 0 : i32
        %dma_wait3A_64 = tpu.memref_slice %arg3[%dma_wait3A_62, %dma_wait3A_63] : memref<10000x128xf32, #tpu.memory_space<hbm>> -> memref<10000x128xf32, #tpu.memory_space<hbm>>
        tpu.wait_indirect_dma semaphore(%arg16 : memref<!tpu.dma_semaphore, #tpu.memory_space<semaphore_mem>>) src(%dma_wait3A_64 : memref<10000x128xf32, #tpu.memory_space<hbm>>) dst(%arg13 : memref<128x128xf32, #tpu.memory_space<vmem>>)
        %add3A = arith.constant 1 : i32
        %add3A_65 = arith.addi %mul3A_59, %add3A : i32
        %dma_start3A_66 = arith.constant 0 : i32
        %dma_start3A_67 = tpu.memref_slice %arg12[%add3A_65, %dma_start3A_66] : memref<80x128xi32, #tpu.memory_space<vmem>> -> memref<1x128xi32, #tpu.memory_space<vmem>>
        %dma_start3A_68 = tpu.memref_squeeze %dma_start3A_67 : memref<1x128xi32, #tpu.memory_space<vmem>> -> memref<128xi32, #tpu.memory_space<vmem>>
        %dma_start3A_69 = arith.constant 0 : i32
        %dma_start3A_70 = arith.constant 0 : i32
        %dma_start3A_71 = tpu.memref_slice %arg3[%dma_start3A_69, %dma_start3A_70] : memref<10000x128xf32, #tpu.memory_space<hbm>> -> memref<10000x128xf32, #tpu.memory_space<hbm>>
        tpu.enqueue_indirect_dma source(%dma_start3A_71 : memref<10000x128xf32, #tpu.memory_space<hbm>>) target(%arg14 : memref<128x128xf32, #tpu.memory_space<vmem>>) offsets(%dma_start3A_68 : memref<128xi32, #tpu.memory_space<vmem>>) semaphore(%arg17 : memref<!tpu.dma_semaphore, #tpu.memory_space<semaphore_mem>>)
        %add3A_72 = arith.constant 40 : i32
        %add3A_73 = arith.addi %add3A_72, %mul3A_59 : i32
        "tpu.region"() ({
          %run_scoped3A_89 = tpu.sem_alloc : memref<!tpu.dma_semaphore, #tpu.memory_space<semaphore_mem>>
          %dma_start3A_90 = arith.constant 0 : i32
          %dma_start3A_91 = tpu.memref_slice %arg12[%add3A_73, %dma_start3A_90] : memref<80x128xi32, #tpu.memory_space<vmem>> -> memref<1x128xi32, #tpu.memory_space<vmem>>
          %dma_start3A_92 = tpu.memref_squeeze %dma_start3A_91 : memref<1x128xi32, #tpu.memory_space<vmem>> -> memref<128xi32, #tpu.memory_space<vmem>>
          %dma_start3A_93 = arith.constant 0 : i32
          %dma_start3A_94 = arith.constant 0 : i32
          %dma_start3A_95 = tpu.memref_slice %arg15[%dma_start3A_93, %dma_start3A_94] : memref<10112x128xf32, #tpu.memory_space<vmem_shared>> -> memref<10112x128xf32, #tpu.memory_space<vmem_shared>>
          tpu.enqueue_indirect_dma source(%arg13 : memref<128x128xf32, #tpu.memory_space<vmem>>) target(%dma_start3A_95 : memref<10112x128xf32, #tpu.memory_space<vmem_shared>>) offsets(%dma_start3A_92 : memref<128xi32, #tpu.memory_space<vmem>>) semaphore(%run_scoped3A_89 : memref<!tpu.dma_semaphore, #tpu.memory_space<semaphore_mem>>) {add = true}
          %dma_wait3A_96 = arith.constant 0 : i32
          %dma_wait3A_97 = tpu.memref_slice %arg12[%add3A_73, %dma_wait3A_96] : memref<80x128xi32, #tpu.memory_space<vmem>> -> memref<1x128xi32, #tpu.memory_space<vmem>>
          %dma_wait3A_98 = tpu.memref_squeeze %dma_wait3A_97 : memref<1x128xi32, #tpu.memory_space<vmem>> -> memref<128xi32, #tpu.memory_space<vmem>>
          %dma_wait3A_99 = arith.constant 0 : i32
          %dma_wait3A_100 = arith.constant 0 : i32
          %dma_wait3A_101 = tpu.memref_slice %arg15[%dma_wait3A_99, %dma_wait3A_100] : memref<10112x128xf32, #tpu.memory_space<vmem_shared>> -> memref<10112x128xf32, #tpu.memory_space<vmem_shared>>
          tpu.wait_indirect_dma semaphore(%run_scoped3A_89 : memref<!tpu.dma_semaphore, #tpu.memory_space<semaphore_mem>>) src(%arg13 : memref<128x128xf32, #tpu.memory_space<vmem>>) dst(%dma_wait3A_101 : memref<10112x128xf32, #tpu.memory_space<vmem_shared>>)
          tpu.yield
        }) : () -> ()
        %add3A_74 = arith.constant 1 : i32
        %add3A_75 = arith.addi %mul3A_59, %add3A_74 : i32
        %dma_wait3A_76 = arith.constant 0 : i32
        %dma_wait3A_77 = tpu.memref_slice %arg12[%add3A_75, %dma_wait3A_76] : memref<80x128xi32, #tpu.memory_space<vmem>> -> memref<1x128xi32, #tpu.memory_space<vmem>>
        %dma_wait3A_78 = tpu.memref_squeeze %dma_wait3A_77 : memref<1x128xi32, #tpu.memory_space<vmem>> -> memref<128xi32, #tpu.memory_space<vmem>>
        %dma_wait3A_79 = arith.constant 0 : i32
        %dma_wait3A_80 = arith.constant 0 : i32
        %dma_wait3A_81 = tpu.memref_slice %arg3[%dma_wait3A_79, %dma_wait3A_80] : memref<10000x128xf32, #tpu.memory_space<hbm>> -> memref<10000x128xf32, #tpu.memory_space<hbm>>
        tpu.wait_indirect_dma semaphore(%arg17 : memref<!tpu.dma_semaphore, #tpu.memory_space<semaphore_mem>>) src(%dma_wait3A_81 : memref<10000x128xf32, #tpu.memory_space<hbm>>) dst(%arg14 : memref<128x128xf32, #tpu.memory_space<vmem>>)
        %lt3A = arith.constant 19 : i32
        %lt3A_82 = arith.cmpi slt, %scan3A_56, %lt3A : i32
        %convert_element_type3A_83 = arith.extui %lt3A_82 : i1 to i32
        %cond3A_84 = arith.constant 0 : i32
        %cond3A_85 = arith.cmpi ne, %convert_element_type3A_83, %cond3A_84 : i32
        scf.if %cond3A_85 {
          %add3A_89 = arith.constant 2 : i32
          %add3A_90 = arith.addi %mul3A_59, %add3A_89 : i32
          %dma_start3A_91 = arith.constant 0 : i32
          %dma_start3A_92 = tpu.memref_slice %arg12[%add3A_90, %dma_start3A_91] : memref<80x128xi32, #tpu.memory_space<vmem>> -> memref<1x128xi32, #tpu.memory_space<vmem>>
          %dma_start3A_93 = tpu.memref_squeeze %dma_start3A_92 : memref<1x128xi32, #tpu.memory_space<vmem>> -> memref<128xi32, #tpu.memory_space<vmem>>
          %dma_start3A_94 = arith.constant 0 : i32
          %dma_start3A_95 = arith.constant 0 : i32
          %dma_start3A_96 = tpu.memref_slice %arg3[%dma_start3A_94, %dma_start3A_95] : memref<10000x128xf32, #tpu.memory_space<hbm>> -> memref<10000x128xf32, #tpu.memory_space<hbm>>
          tpu.enqueue_indirect_dma source(%dma_start3A_96 : memref<10000x128xf32, #tpu.memory_space<hbm>>) target(%arg13 : memref<128x128xf32, #tpu.memory_space<vmem>>) offsets(%dma_start3A_93 : memref<128xi32, #tpu.memory_space<vmem>>) semaphore(%arg16 : memref<!tpu.dma_semaphore, #tpu.memory_space<semaphore_mem>>)
        } else {
        }
        %add3A_86 = arith.constant 41 : i32
        %add3A_87 = arith.addi %add3A_86, %mul3A_59 : i32
        "tpu.region"() ({
          %run_scoped3A_89 = tpu.sem_alloc : memref<!tpu.dma_semaphore, #tpu.memory_space<semaphore_mem>>
          %dma_start3A_90 = arith.constant 0 : i32
          %dma_start3A_91 = tpu.memref_slice %arg12[%add3A_87, %dma_start3A_90] : memref<80x128xi32, #tpu.memory_space<vmem>> -> memref<1x128xi32, #tpu.memory_space<vmem>>
          %dma_start3A_92 = tpu.memref_squeeze %dma_start3A_91 : memref<1x128xi32, #tpu.memory_space<vmem>> -> memref<128xi32, #tpu.memory_space<vmem>>
          %dma_start3A_93 = arith.constant 0 : i32
          %dma_start3A_94 = arith.constant 0 : i32
          %dma_start3A_95 = tpu.memref_slice %arg15[%dma_start3A_93, %dma_start3A_94] : memref<10112x128xf32, #tpu.memory_space<vmem_shared>> -> memref<10112x128xf32, #tpu.memory_space<vmem_shared>>
          tpu.enqueue_indirect_dma source(%arg14 : memref<128x128xf32, #tpu.memory_space<vmem>>) target(%dma_start3A_95 : memref<10112x128xf32, #tpu.memory_space<vmem_shared>>) offsets(%dma_start3A_92 : memref<128xi32, #tpu.memory_space<vmem>>) semaphore(%run_scoped3A_89 : memref<!tpu.dma_semaphore, #tpu.memory_space<semaphore_mem>>) {add = true}
          %dma_wait3A_96 = arith.constant 0 : i32
          %dma_wait3A_97 = tpu.memref_slice %arg12[%add3A_87, %dma_wait3A_96] : memref<80x128xi32, #tpu.memory_space<vmem>> -> memref<1x128xi32, #tpu.memory_space<vmem>>
          %dma_wait3A_98 = tpu.memref_squeeze %dma_wait3A_97 : memref<1x128xi32, #tpu.memory_space<vmem>> -> memref<128xi32, #tpu.memory_space<vmem>>
          %dma_wait3A_99 = arith.constant 0 : i32
          %dma_wait3A_100 = arith.constant 0 : i32
          %dma_wait3A_101 = tpu.memref_slice %arg15[%dma_wait3A_99, %dma_wait3A_100] : memref<10112x128xf32, #tpu.memory_space<vmem_shared>> -> memref<10112x128xf32, #tpu.memory_space<vmem_shared>>
          tpu.wait_indirect_dma semaphore(%run_scoped3A_89 : memref<!tpu.dma_semaphore, #tpu.memory_space<semaphore_mem>>) src(%arg14 : memref<128x128xf32, #tpu.memory_space<vmem>>) dst(%dma_wait3A_101 : memref<10112x128xf32, #tpu.memory_space<vmem_shared>>)
          tpu.yield
        }) : () -> ()
        %scan3A_88 = arith.constant 0 : i32
        scf.yield %scan3A_88 : i32
      }
      %scan3A_50 = arith.constant 20 : i32
      %barrier3A_51 = arith.constant 0 : index
      tpu.barrier barrier_id(%barrier3A_51)
      %mul3A_52 = arith.constant 632 : i32
      %mul3A_53 = arith.muli %arg1, %mul3A_52 : i32
      %mul3A_54 = arith.constant 632 : i32
      %mul3A_55 = arith.muli %arg1, %mul3A_54 : i32
      "tpu.region"() ({
        %run_scoped3A_56 = tpu.sem_alloc : memref<!tpu.dma_semaphore, #tpu.memory_space<semaphore_mem>>
        %dma_start3A_57 = arith.constant 0 : i32
        %dma_start3A_58 = tpu.memref_slice %arg9[%mul3A_55, %dma_start3A_57] : memref<10112x128xf32, #tpu.memory_space<hbm>> -> memref<632x128xf32, #tpu.memory_space<hbm>>
        %dma_start3A_59 = arith.constant 0 : i32
        %dma_start3A_60 = tpu.memref_slice %arg15[%mul3A_53, %dma_start3A_59] : memref<10112x128xf32, #tpu.memory_space<vmem_shared>> -> memref<632x128xf32, #tpu.memory_space<vmem_shared>>
        tpu.enqueue_dma source(%dma_start3A_60 : memref<632x128xf32, #tpu.memory_space<vmem_shared>>) target(%dma_start3A_58 : memref<632x128xf32, #tpu.memory_space<hbm>>) target_semaphore(%run_scoped3A_56 : memref<!tpu.dma_semaphore, #tpu.memory_space<semaphore_mem>>)
        %dma_wait3A = arith.constant 0 : i32
        %dma_wait3A_61 = tpu.memref_slice %arg9[%mul3A_55, %dma_wait3A] : memref<10112x128xf32, #tpu.memory_space<hbm>> -> memref<632x128xf32, #tpu.memory_space<hbm>>
        %dma_wait3A_62 = arith.constant 0 : i32
        %dma_wait3A_63 = tpu.memref_slice %arg15[%mul3A_53, %dma_wait3A_62] : memref<10112x128xf32, #tpu.memory_space<vmem_shared>> -> memref<632x128xf32, #tpu.memory_space<vmem_shared>>
        tpu.wait_dma2 semaphore(%run_scoped3A_56 : memref<!tpu.dma_semaphore, #tpu.memory_space<semaphore_mem>>) src(%dma_wait3A_63 : memref<632x128xf32, #tpu.memory_space<vmem_shared>>) dst(%dma_wait3A_61 : memref<632x128xf32, #tpu.memory_space<hbm>>)
        tpu.yield
      }) : () -> ()
    } else {
    }
    %eq3A_12 = arith.constant 1 : i32
    %eq3A_13 = arith.cmpi eq, %arg0, %eq3A_12 : i32
    %convert_element_type3A_14 = arith.extui %eq3A_13 : i1 to i32
    %cond3A_15 = arith.constant 0 : i32
    %cond3A_16 = arith.cmpi ne, %convert_element_type3A_14, %cond3A_15 : i32
    scf.if %cond3A_16 {
      %mul3A = arith.constant 632 : i32
      %mul3A_17 = arith.muli %arg1, %mul3A : i32
      "tpu.region"() ({
        %run_scoped3A_56 = tpu.sem_alloc : memref<!tpu.dma_semaphore, #tpu.memory_space<semaphore_mem>>
        %dma_start3A_57 = arith.constant 0 : i32
        %dma_start3A_58 = tpu.memref_slice %arg15[%mul3A_17, %dma_start3A_57] : memref<10112x128xf32, #tpu.memory_space<vmem_shared>> -> memref<632x128xf32, #tpu.memory_space<vmem_shared>>
        tpu.enqueue_dma source(%arg7 : memref<632x128xf32, #tpu.memory_space<hbm>>) target(%dma_start3A_58 : memref<632x128xf32, #tpu.memory_space<vmem_shared>>) target_semaphore(%run_scoped3A_56 : memref<!tpu.dma_semaphore, #tpu.memory_space<semaphore_mem>>)
        %dma_wait3A = arith.constant 0 : i32
        %dma_wait3A_59 = tpu.memref_slice %arg15[%mul3A_17, %dma_wait3A] : memref<10112x128xf32, #tpu.memory_space<vmem_shared>> -> memref<632x128xf32, #tpu.memory_space<vmem_shared>>
        tpu.wait_dma2 semaphore(%run_scoped3A_56 : memref<!tpu.dma_semaphore, #tpu.memory_space<semaphore_mem>>) src(%arg7 : memref<632x128xf32, #tpu.memory_space<hbm>>) dst(%dma_wait3A_59 : memref<632x128xf32, #tpu.memory_space<vmem_shared>>)
        tpu.yield
      }) : () -> ()
      %barrier3A = arith.constant 0 : index
      tpu.barrier barrier_id(%barrier3A)
      %run_scoped3A = arith.constant 0 : i32
      %run_scoped3A_18 = arith.constant 0 : i32
      "tpu.region"() ({
        %run_scoped3A_56 = tpu.sem_alloc : memref<!tpu.dma_semaphore, #tpu.memory_space<semaphore_mem>>
        %dma_start3A_57 = arith.constant 0 : i32
        %dma_start3A_58 = arith.constant 0 : i32
        %dma_start3A_59 = tpu.memref_slice %arg12[%dma_start3A_57, %dma_start3A_58] : memref<80x128xi32, #tpu.memory_space<vmem>> -> memref<40x128xi32, #tpu.memory_space<vmem>>
        %dma_start3A_60 = arith.constant 0 : i32
        %dma_start3A_61 = arith.constant 0 : i32
        %dma_start3A_62 = tpu.memref_slice %arg6[%run_scoped3A, %arg1, %run_scoped3A_18, %dma_start3A_60, %dma_start3A_61] : memref<2x16x2x40x128xi32, #tpu.memory_space<hbm>> -> memref<1x1x1x40x128xi32, #tpu.memory_space<hbm>>
        %dma_start3A_63 = tpu.memref_squeeze %dma_start3A_62 : memref<1x1x1x40x128xi32, #tpu.memory_space<hbm>> -> memref<40x128xi32, #tpu.memory_space<hbm>>
        %dma_start3A_64 = arith.constant 0 : i32
        %dma_start3A_65 = arith.constant 0 : i32
        %dma_start3A_66 = tpu.memref_slice %arg12[%dma_start3A_64, %dma_start3A_65] : memref<80x128xi32, #tpu.memory_space<vmem>> -> memref<40x128xi32, #tpu.memory_space<vmem>>
        %dma_start3A_67 = arith.constant 0 : i32
        %dma_start3A_68 = arith.constant 0 : i32
        %dma_start3A_69 = tpu.memref_slice %arg6[%run_scoped3A, %arg1, %run_scoped3A_18, %dma_start3A_67, %dma_start3A_68] : memref<2x16x2x40x128xi32, #tpu.memory_space<hbm>> -> memref<1x1x1x40x128xi32, #tpu.memory_space<hbm>>
        %dma_start3A_70 = tpu.memref_squeeze %dma_start3A_69 : memref<1x1x1x40x128xi32, #tpu.memory_space<hbm>> -> memref<40x128xi32, #tpu.memory_space<hbm>>
        tpu.enqueue_dma source(%dma_start3A_70 : memref<40x128xi32, #tpu.memory_space<hbm>>) target(%dma_start3A_66 : memref<40x128xi32, #tpu.memory_space<vmem>>) target_semaphore(%run_scoped3A_56 : memref<!tpu.dma_semaphore, #tpu.memory_space<semaphore_mem>>)
        %dma_wait3A = arith.constant 0 : i32
        %dma_wait3A_71 = arith.constant 0 : i32
        %dma_wait3A_72 = tpu.memref_slice %arg12[%dma_wait3A, %dma_wait3A_71] : memref<80x128xi32, #tpu.memory_space<vmem>> -> memref<40x128xi32, #tpu.memory_space<vmem>>
        %dma_wait3A_73 = arith.constant 0 : i32
        %dma_wait3A_74 = arith.constant 0 : i32
        %dma_wait3A_75 = tpu.memref_slice %arg6[%run_scoped3A, %arg1, %run_scoped3A_18, %dma_wait3A_73, %dma_wait3A_74] : memref<2x16x2x40x128xi32, #tpu.memory_space<hbm>> -> memref<1x1x1x40x128xi32, #tpu.memory_space<hbm>>
        %dma_wait3A_76 = tpu.memref_squeeze %dma_wait3A_75 : memref<1x1x1x40x128xi32, #tpu.memory_space<hbm>> -> memref<40x128xi32, #tpu.memory_space<hbm>>
        %dma_wait3A_77 = arith.constant 0 : i32
        %dma_wait3A_78 = arith.constant 0 : i32
        %dma_wait3A_79 = tpu.memref_slice %arg12[%dma_wait3A_77, %dma_wait3A_78] : memref<80x128xi32, #tpu.memory_space<vmem>> -> memref<40x128xi32, #tpu.memory_space<vmem>>
        %dma_wait3A_80 = arith.constant 0 : i32
        %dma_wait3A_81 = arith.constant 0 : i32
        %dma_wait3A_82 = tpu.memref_slice %arg6[%run_scoped3A, %arg1, %run_scoped3A_18, %dma_wait3A_80, %dma_wait3A_81] : memref<2x16x2x40x128xi32, #tpu.memory_space<hbm>> -> memref<1x1x1x40x128xi32, #tpu.memory_space<hbm>>
        %dma_wait3A_83 = tpu.memref_squeeze %dma_wait3A_82 : memref<1x1x1x40x128xi32, #tpu.memory_space<hbm>> -> memref<40x128xi32, #tpu.memory_space<hbm>>
        tpu.wait_dma2 semaphore(%run_scoped3A_56 : memref<!tpu.dma_semaphore, #tpu.memory_space<semaphore_mem>>) src(%dma_wait3A_83 : memref<40x128xi32, #tpu.memory_space<hbm>>) dst(%dma_wait3A_79 : memref<40x128xi32, #tpu.memory_space<vmem>>)
        tpu.yield
      }) : () -> ()
      %run_scoped3A_19 = arith.constant 1 : i32
      %run_scoped3A_20 = arith.constant 0 : i32
      "tpu.region"() ({
        %run_scoped3A_56 = tpu.sem_alloc : memref<!tpu.dma_semaphore, #tpu.memory_space<semaphore_mem>>
        %dma_start3A_57 = arith.constant 40 : i32
        %dma_start3A_58 = arith.constant 0 : i32
        %dma_start3A_59 = tpu.memref_slice %arg12[%dma_start3A_57, %dma_start3A_58] : memref<80x128xi32, #tpu.memory_space<vmem>> -> memref<40x128xi32, #tpu.memory_space<vmem>>
        %dma_start3A_60 = arith.constant 0 : i32
        %dma_start3A_61 = arith.constant 0 : i32
        %dma_start3A_62 = tpu.memref_slice %arg6[%run_scoped3A_19, %arg1, %run_scoped3A_20, %dma_start3A_60, %dma_start3A_61] : memref<2x16x2x40x128xi32, #tpu.memory_space<hbm>> -> memref<1x1x1x40x128xi32, #tpu.memory_space<hbm>>
        %dma_start3A_63 = tpu.memref_squeeze %dma_start3A_62 : memref<1x1x1x40x128xi32, #tpu.memory_space<hbm>> -> memref<40x128xi32, #tpu.memory_space<hbm>>
        %dma_start3A_64 = arith.constant 40 : i32
        %dma_start3A_65 = arith.constant 0 : i32
        %dma_start3A_66 = tpu.memref_slice %arg12[%dma_start3A_64, %dma_start3A_65] : memref<80x128xi32, #tpu.memory_space<vmem>> -> memref<40x128xi32, #tpu.memory_space<vmem>>
        %dma_start3A_67 = arith.constant 0 : i32
        %dma_start3A_68 = arith.constant 0 : i32
        %dma_start3A_69 = tpu.memref_slice %arg6[%run_scoped3A_19, %arg1, %run_scoped3A_20, %dma_start3A_67, %dma_start3A_68] : memref<2x16x2x40x128xi32, #tpu.memory_space<hbm>> -> memref<1x1x1x40x128xi32, #tpu.memory_space<hbm>>
        %dma_start3A_70 = tpu.memref_squeeze %dma_start3A_69 : memref<1x1x1x40x128xi32, #tpu.memory_space<hbm>> -> memref<40x128xi32, #tpu.memory_space<hbm>>
        tpu.enqueue_dma source(%dma_start3A_70 : memref<40x128xi32, #tpu.memory_space<hbm>>) target(%dma_start3A_66 : memref<40x128xi32, #tpu.memory_space<vmem>>) target_semaphore(%run_scoped3A_56 : memref<!tpu.dma_semaphore, #tpu.memory_space<semaphore_mem>>)
        %dma_wait3A = arith.constant 40 : i32
        %dma_wait3A_71 = arith.constant 0 : i32
        %dma_wait3A_72 = tpu.memref_slice %arg12[%dma_wait3A, %dma_wait3A_71] : memref<80x128xi32, #tpu.memory_space<vmem>> -> memref<40x128xi32, #tpu.memory_space<vmem>>
        %dma_wait3A_73 = arith.constant 0 : i32
        %dma_wait3A_74 = arith.constant 0 : i32
        %dma_wait3A_75 = tpu.memref_slice %arg6[%run_scoped3A_19, %arg1, %run_scoped3A_20, %dma_wait3A_73, %dma_wait3A_74] : memref<2x16x2x40x128xi32, #tpu.memory_space<hbm>> -> memref<1x1x1x40x128xi32, #tpu.memory_space<hbm>>
        %dma_wait3A_76 = tpu.memref_squeeze %dma_wait3A_75 : memref<1x1x1x40x128xi32, #tpu.memory_space<hbm>> -> memref<40x128xi32, #tpu.memory_space<hbm>>
        %dma_wait3A_77 = arith.constant 40 : i32
        %dma_wait3A_78 = arith.constant 0 : i32
        %dma_wait3A_79 = tpu.memref_slice %arg12[%dma_wait3A_77, %dma_wait3A_78] : memref<80x128xi32, #tpu.memory_space<vmem>> -> memref<40x128xi32, #tpu.memory_space<vmem>>
        %dma_wait3A_80 = arith.constant 0 : i32
        %dma_wait3A_81 = arith.constant 0 : i32
        %dma_wait3A_82 = tpu.memref_slice %arg6[%run_scoped3A_19, %arg1, %run_scoped3A_20, %dma_wait3A_80, %dma_wait3A_81] : memref<2x16x2x40x128xi32, #tpu.memory_space<hbm>> -> memref<1x1x1x40x128xi32, #tpu.memory_space<hbm>>
        %dma_wait3A_83 = tpu.memref_squeeze %dma_wait3A_82 : memref<1x1x1x40x128xi32, #tpu.memory_space<hbm>> -> memref<40x128xi32, #tpu.memory_space<hbm>>
        tpu.wait_dma2 semaphore(%run_scoped3A_56 : memref<!tpu.dma_semaphore, #tpu.memory_space<semaphore_mem>>) src(%dma_wait3A_83 : memref<40x128xi32, #tpu.memory_space<hbm>>) dst(%dma_wait3A_79 : memref<40x128xi32, #tpu.memory_space<vmem>>)
        tpu.yield
      }) : () -> ()
      %dma_start3A = arith.constant 0 : i32
      %dma_start3A_21 = arith.constant 0 : i32
      %dma_start3A_22 = tpu.memref_slice %arg12[%dma_start3A, %dma_start3A_21] : memref<80x128xi32, #tpu.memory_space<vmem>> -> memref<1x128xi32, #tpu.memory_space<vmem>>
      %dma_start3A_23 = tpu.memref_squeeze %dma_start3A_22 : memref<1x128xi32, #tpu.memory_space<vmem>> -> memref<128xi32, #tpu.memory_space<vmem>>
      %dma_start3A_24 = arith.constant 0 : i32
      %dma_start3A_25 = arith.constant 0 : i32
      %dma_start3A_26 = tpu.memref_slice %arg5[%dma_start3A_24, %dma_start3A_25] : memref<10000x128xf32, #tpu.memory_space<hbm>> -> memref<10000x128xf32, #tpu.memory_space<hbm>>
      tpu.enqueue_indirect_dma source(%dma_start3A_26 : memref<10000x128xf32, #tpu.memory_space<hbm>>) target(%arg13 : memref<128x128xf32, #tpu.memory_space<vmem>>) offsets(%dma_start3A_23 : memref<128xi32, #tpu.memory_space<vmem>>) semaphore(%arg16 : memref<!tpu.dma_semaphore, #tpu.memory_space<semaphore_mem>>)
      %scan3A = arith.constant 0 : i32
      %scan3A_27 = arith.constant 0 : i32
      %scan3A_28 = arith.constant 20 : i32
      %scan3A_29 = arith.addi %scan3A_27, %scan3A_28 : i32
      %scan3A_30 = arith.constant 1 : i32
      %scan3A_31 = scf.for %scan3A_56 = %scan3A_27 to %scan3A_29 step %scan3A_30 iter_args(%scan3A_57 = %scan3A) -> (i32)  : i32 {
        %mul3A_58 = arith.constant 2 : i32
        %mul3A_59 = arith.muli %mul3A_58, %scan3A_56 : i32
        %dma_wait3A = arith.constant 0 : i32
        %dma_wait3A_60 = tpu.memref_slice %arg12[%mul3A_59, %dma_wait3A] : memref<80x128xi32, #tpu.memory_space<vmem>> -> memref<1x128xi32, #tpu.memory_space<vmem>>
        %dma_wait3A_61 = tpu.memref_squeeze %dma_wait3A_60 : memref<1x128xi32, #tpu.memory_space<vmem>> -> memref<128xi32, #tpu.memory_space<vmem>>
        %dma_wait3A_62 = arith.constant 0 : i32
        %dma_wait3A_63 = arith.constant 0 : i32
        %dma_wait3A_64 = tpu.memref_slice %arg5[%dma_wait3A_62, %dma_wait3A_63] : memref<10000x128xf32, #tpu.memory_space<hbm>> -> memref<10000x128xf32, #tpu.memory_space<hbm>>
        tpu.wait_indirect_dma semaphore(%arg16 : memref<!tpu.dma_semaphore, #tpu.memory_space<semaphore_mem>>) src(%dma_wait3A_64 : memref<10000x128xf32, #tpu.memory_space<hbm>>) dst(%arg13 : memref<128x128xf32, #tpu.memory_space<vmem>>)
        %add3A = arith.constant 1 : i32
        %add3A_65 = arith.addi %mul3A_59, %add3A : i32
        %dma_start3A_66 = arith.constant 0 : i32
        %dma_start3A_67 = tpu.memref_slice %arg12[%add3A_65, %dma_start3A_66] : memref<80x128xi32, #tpu.memory_space<vmem>> -> memref<1x128xi32, #tpu.memory_space<vmem>>
        %dma_start3A_68 = tpu.memref_squeeze %dma_start3A_67 : memref<1x128xi32, #tpu.memory_space<vmem>> -> memref<128xi32, #tpu.memory_space<vmem>>
        %dma_start3A_69 = arith.constant 0 : i32
        %dma_start3A_70 = arith.constant 0 : i32
        %dma_start3A_71 = tpu.memref_slice %arg5[%dma_start3A_69, %dma_start3A_70] : memref<10000x128xf32, #tpu.memory_space<hbm>> -> memref<10000x128xf32, #tpu.memory_space<hbm>>
        tpu.enqueue_indirect_dma source(%dma_start3A_71 : memref<10000x128xf32, #tpu.memory_space<hbm>>) target(%arg14 : memref<128x128xf32, #tpu.memory_space<vmem>>) offsets(%dma_start3A_68 : memref<128xi32, #tpu.memory_space<vmem>>) semaphore(%arg17 : memref<!tpu.dma_semaphore, #tpu.memory_space<semaphore_mem>>)
        %add3A_72 = arith.constant 40 : i32
        %add3A_73 = arith.addi %add3A_72, %mul3A_59 : i32
        "tpu.region"() ({
          %run_scoped3A_89 = tpu.sem_alloc : memref<!tpu.dma_semaphore, #tpu.memory_space<semaphore_mem>>
          %dma_start3A_90 = arith.constant 0 : i32
          %dma_start3A_91 = tpu.memref_slice %arg12[%add3A_73, %dma_start3A_90] : memref<80x128xi32, #tpu.memory_space<vmem>> -> memref<1x128xi32, #tpu.memory_space<vmem>>
          %dma_start3A_92 = tpu.memref_squeeze %dma_start3A_91 : memref<1x128xi32, #tpu.memory_space<vmem>> -> memref<128xi32, #tpu.memory_space<vmem>>
          %dma_start3A_93 = arith.constant 0 : i32
          %dma_start3A_94 = arith.constant 0 : i32
          %dma_start3A_95 = tpu.memref_slice %arg15[%dma_start3A_93, %dma_start3A_94] : memref<10112x128xf32, #tpu.memory_space<vmem_shared>> -> memref<10112x128xf32, #tpu.memory_space<vmem_shared>>
          tpu.enqueue_indirect_dma source(%arg13 : memref<128x128xf32, #tpu.memory_space<vmem>>) target(%dma_start3A_95 : memref<10112x128xf32, #tpu.memory_space<vmem_shared>>) offsets(%dma_start3A_92 : memref<128xi32, #tpu.memory_space<vmem>>) semaphore(%run_scoped3A_89 : memref<!tpu.dma_semaphore, #tpu.memory_space<semaphore_mem>>) {add = true}
          %dma_wait3A_96 = arith.constant 0 : i32
          %dma_wait3A_97 = tpu.memref_slice %arg12[%add3A_73, %dma_wait3A_96] : memref<80x128xi32, #tpu.memory_space<vmem>> -> memref<1x128xi32, #tpu.memory_space<vmem>>
          %dma_wait3A_98 = tpu.memref_squeeze %dma_wait3A_97 : memref<1x128xi32, #tpu.memory_space<vmem>> -> memref<128xi32, #tpu.memory_space<vmem>>
          %dma_wait3A_99 = arith.constant 0 : i32
          %dma_wait3A_100 = arith.constant 0 : i32
          %dma_wait3A_101 = tpu.memref_slice %arg15[%dma_wait3A_99, %dma_wait3A_100] : memref<10112x128xf32, #tpu.memory_space<vmem_shared>> -> memref<10112x128xf32, #tpu.memory_space<vmem_shared>>
          tpu.wait_indirect_dma semaphore(%run_scoped3A_89 : memref<!tpu.dma_semaphore, #tpu.memory_space<semaphore_mem>>) src(%arg13 : memref<128x128xf32, #tpu.memory_space<vmem>>) dst(%dma_wait3A_101 : memref<10112x128xf32, #tpu.memory_space<vmem_shared>>)
          tpu.yield
        }) : () -> ()
        %add3A_74 = arith.constant 1 : i32
        %add3A_75 = arith.addi %mul3A_59, %add3A_74 : i32
        %dma_wait3A_76 = arith.constant 0 : i32
        %dma_wait3A_77 = tpu.memref_slice %arg12[%add3A_75, %dma_wait3A_76] : memref<80x128xi32, #tpu.memory_space<vmem>> -> memref<1x128xi32, #tpu.memory_space<vmem>>
        %dma_wait3A_78 = tpu.memref_squeeze %dma_wait3A_77 : memref<1x128xi32, #tpu.memory_space<vmem>> -> memref<128xi32, #tpu.memory_space<vmem>>
        %dma_wait3A_79 = arith.constant 0 : i32
        %dma_wait3A_80 = arith.constant 0 : i32
        %dma_wait3A_81 = tpu.memref_slice %arg5[%dma_wait3A_79, %dma_wait3A_80] : memref<10000x128xf32, #tpu.memory_space<hbm>> -> memref<10000x128xf32, #tpu.memory_space<hbm>>
        tpu.wait_indirect_dma semaphore(%arg17 : memref<!tpu.dma_semaphore, #tpu.memory_space<semaphore_mem>>) src(%dma_wait3A_81 : memref<10000x128xf32, #tpu.memory_space<hbm>>) dst(%arg14 : memref<128x128xf32, #tpu.memory_space<vmem>>)
        %lt3A = arith.constant 19 : i32
        %lt3A_82 = arith.cmpi slt, %scan3A_56, %lt3A : i32
        %convert_element_type3A_83 = arith.extui %lt3A_82 : i1 to i32
        %cond3A_84 = arith.constant 0 : i32
        %cond3A_85 = arith.cmpi ne, %convert_element_type3A_83, %cond3A_84 : i32
        scf.if %cond3A_85 {
          %add3A_89 = arith.constant 2 : i32
          %add3A_90 = arith.addi %mul3A_59, %add3A_89 : i32
          %dma_start3A_91 = arith.constant 0 : i32
          %dma_start3A_92 = tpu.memref_slice %arg12[%add3A_90, %dma_start3A_91] : memref<80x128xi32, #tpu.memory_space<vmem>> -> memref<1x128xi32, #tpu.memory_space<vmem>>
          %dma_start3A_93 = tpu.memref_squeeze %dma_start3A_92 : memref<1x128xi32, #tpu.memory_space<vmem>> -> memref<128xi32, #tpu.memory_space<vmem>>
          %dma_start3A_94 = arith.constant 0 : i32
          %dma_start3A_95 = arith.constant 0 : i32
          %dma_start3A_96 = tpu.memref_slice %arg5[%dma_start3A_94, %dma_start3A_95] : memref<10000x128xf32, #tpu.memory_space<hbm>> -> memref<10000x128xf32, #tpu.memory_space<hbm>>
          tpu.enqueue_indirect_dma source(%dma_start3A_96 : memref<10000x128xf32, #tpu.memory_space<hbm>>) target(%arg13 : memref<128x128xf32, #tpu.memory_space<vmem>>) offsets(%dma_start3A_93 : memref<128xi32, #tpu.memory_space<vmem>>) semaphore(%arg16 : memref<!tpu.dma_semaphore, #tpu.memory_space<semaphore_mem>>)
        } else {
        }
        %add3A_86 = arith.constant 41 : i32
        %add3A_87 = arith.addi %add3A_86, %mul3A_59 : i32
        "tpu.region"() ({
          %run_scoped3A_89 = tpu.sem_alloc : memref<!tpu.dma_semaphore, #tpu.memory_space<semaphore_mem>>
          %dma_start3A_90 = arith.constant 0 : i32
          %dma_start3A_91 = tpu.memref_slice %arg12[%add3A_87, %dma_start3A_90] : memref<80x128xi32, #tpu.memory_space<vmem>> -> memref<1x128xi32, #tpu.memory_space<vmem>>
          %dma_start3A_92 = tpu.memref_squeeze %dma_start3A_91 : memref<1x128xi32, #tpu.memory_space<vmem>> -> memref<128xi32, #tpu.memory_space<vmem>>
          %dma_start3A_93 = arith.constant 0 : i32
          %dma_start3A_94 = arith.constant 0 : i32
          %dma_start3A_95 = tpu.memref_slice %arg15[%dma_start3A_93, %dma_start3A_94] : memref<10112x128xf32, #tpu.memory_space<vmem_shared>> -> memref<10112x128xf32, #tpu.memory_space<vmem_shared>>
          tpu.enqueue_indirect_dma source(%arg14 : memref<128x128xf32, #tpu.memory_space<vmem>>) target(%dma_start3A_95 : memref<10112x128xf32, #tpu.memory_space<vmem_shared>>) offsets(%dma_start3A_92 : memref<128xi32, #tpu.memory_space<vmem>>) semaphore(%run_scoped3A_89 : memref<!tpu.dma_semaphore, #tpu.memory_space<semaphore_mem>>) {add = true}
          %dma_wait3A_96 = arith.constant 0 : i32
          %dma_wait3A_97 = tpu.memref_slice %arg12[%add3A_87, %dma_wait3A_96] : memref<80x128xi32, #tpu.memory_space<vmem>> -> memref<1x128xi32, #tpu.memory_space<vmem>>
          %dma_wait3A_98 = tpu.memref_squeeze %dma_wait3A_97 : memref<1x128xi32, #tpu.memory_space<vmem>> -> memref<128xi32, #tpu.memory_space<vmem>>
          %dma_wait3A_99 = arith.constant 0 : i32
          %dma_wait3A_100 = arith.constant 0 : i32
          %dma_wait3A_101 = tpu.memref_slice %arg15[%dma_wait3A_99, %dma_wait3A_100] : memref<10112x128xf32, #tpu.memory_space<vmem_shared>> -> memref<10112x128xf32, #tpu.memory_space<vmem_shared>>
          tpu.wait_indirect_dma semaphore(%run_scoped3A_89 : memref<!tpu.dma_semaphore, #tpu.memory_space<semaphore_mem>>) src(%arg14 : memref<128x128xf32, #tpu.memory_space<vmem>>) dst(%dma_wait3A_101 : memref<10112x128xf32, #tpu.memory_space<vmem_shared>>)
          tpu.yield
        }) : () -> ()
        %scan3A_88 = arith.constant 0 : i32
        scf.yield %scan3A_88 : i32
      }
      %scan3A_32 = arith.constant 20 : i32
      %run_scoped3A_33 = arith.constant 0 : i32
      %run_scoped3A_34 = arith.constant 1 : i32
      "tpu.region"() ({
        %run_scoped3A_56 = tpu.sem_alloc : memref<!tpu.dma_semaphore, #tpu.memory_space<semaphore_mem>>
        %dma_start3A_57 = arith.constant 0 : i32
        %dma_start3A_58 = arith.constant 0 : i32
        %dma_start3A_59 = tpu.memref_slice %arg12[%dma_start3A_57, %dma_start3A_58] : memref<80x128xi32, #tpu.memory_space<vmem>> -> memref<40x128xi32, #tpu.memory_space<vmem>>
        %dma_start3A_60 = arith.constant 0 : i32
        %dma_start3A_61 = arith.constant 0 : i32
        %dma_start3A_62 = tpu.memref_slice %arg6[%run_scoped3A_33, %arg1, %run_scoped3A_34, %dma_start3A_60, %dma_start3A_61] : memref<2x16x2x40x128xi32, #tpu.memory_space<hbm>> -> memref<1x1x1x40x128xi32, #tpu.memory_space<hbm>>
        %dma_start3A_63 = tpu.memref_squeeze %dma_start3A_62 : memref<1x1x1x40x128xi32, #tpu.memory_space<hbm>> -> memref<40x128xi32, #tpu.memory_space<hbm>>
        %dma_start3A_64 = arith.constant 0 : i32
        %dma_start3A_65 = arith.constant 0 : i32
        %dma_start3A_66 = tpu.memref_slice %arg12[%dma_start3A_64, %dma_start3A_65] : memref<80x128xi32, #tpu.memory_space<vmem>> -> memref<40x128xi32, #tpu.memory_space<vmem>>
        %dma_start3A_67 = arith.constant 0 : i32
        %dma_start3A_68 = arith.constant 0 : i32
        %dma_start3A_69 = tpu.memref_slice %arg6[%run_scoped3A_33, %arg1, %run_scoped3A_34, %dma_start3A_67, %dma_start3A_68] : memref<2x16x2x40x128xi32, #tpu.memory_space<hbm>> -> memref<1x1x1x40x128xi32, #tpu.memory_space<hbm>>
        %dma_start3A_70 = tpu.memref_squeeze %dma_start3A_69 : memref<1x1x1x40x128xi32, #tpu.memory_space<hbm>> -> memref<40x128xi32, #tpu.memory_space<hbm>>
        tpu.enqueue_dma source(%dma_start3A_70 : memref<40x128xi32, #tpu.memory_space<hbm>>) target(%dma_start3A_66 : memref<40x128xi32, #tpu.memory_space<vmem>>) target_semaphore(%run_scoped3A_56 : memref<!tpu.dma_semaphore, #tpu.memory_space<semaphore_mem>>)
        %dma_wait3A = arith.constant 0 : i32
        %dma_wait3A_71 = arith.constant 0 : i32
        %dma_wait3A_72 = tpu.memref_slice %arg12[%dma_wait3A, %dma_wait3A_71] : memref<80x128xi32, #tpu.memory_space<vmem>> -> memref<40x128xi32, #tpu.memory_space<vmem>>
        %dma_wait3A_73 = arith.constant 0 : i32
        %dma_wait3A_74 = arith.constant 0 : i32
        %dma_wait3A_75 = tpu.memref_slice %arg6[%run_scoped3A_33, %arg1, %run_scoped3A_34, %dma_wait3A_73, %dma_wait3A_74] : memref<2x16x2x40x128xi32, #tpu.memory_space<hbm>> -> memref<1x1x1x40x128xi32, #tpu.memory_space<hbm>>
        %dma_wait3A_76 = tpu.memref_squeeze %dma_wait3A_75 : memref<1x1x1x40x128xi32, #tpu.memory_space<hbm>> -> memref<40x128xi32, #tpu.memory_space<hbm>>
        %dma_wait3A_77 = arith.constant 0 : i32
        %dma_wait3A_78 = arith.constant 0 : i32
        %dma_wait3A_79 = tpu.memref_slice %arg12[%dma_wait3A_77, %dma_wait3A_78] : memref<80x128xi32, #tpu.memory_space<vmem>> -> memref<40x128xi32, #tpu.memory_space<vmem>>
        %dma_wait3A_80 = arith.constant 0 : i32
        %dma_wait3A_81 = arith.constant 0 : i32
        %dma_wait3A_82 = tpu.memref_slice %arg6[%run_scoped3A_33, %arg1, %run_scoped3A_34, %dma_wait3A_80, %dma_wait3A_81] : memref<2x16x2x40x128xi32, #tpu.memory_space<hbm>> -> memref<1x1x1x40x128xi32, #tpu.memory_space<hbm>>
        %dma_wait3A_83 = tpu.memref_squeeze %dma_wait3A_82 : memref<1x1x1x40x128xi32, #tpu.memory_space<hbm>> -> memref<40x128xi32, #tpu.memory_space<hbm>>
        tpu.wait_dma2 semaphore(%run_scoped3A_56 : memref<!tpu.dma_semaphore, #tpu.memory_space<semaphore_mem>>) src(%dma_wait3A_83 : memref<40x128xi32, #tpu.memory_space<hbm>>) dst(%dma_wait3A_79 : memref<40x128xi32, #tpu.memory_space<vmem>>)
        tpu.yield
      }) : () -> ()
      %run_scoped3A_35 = arith.constant 1 : i32
      %run_scoped3A_36 = arith.constant 1 : i32
      "tpu.region"() ({
        %run_scoped3A_56 = tpu.sem_alloc : memref<!tpu.dma_semaphore, #tpu.memory_space<semaphore_mem>>
        %dma_start3A_57 = arith.constant 40 : i32
        %dma_start3A_58 = arith.constant 0 : i32
        %dma_start3A_59 = tpu.memref_slice %arg12[%dma_start3A_57, %dma_start3A_58] : memref<80x128xi32, #tpu.memory_space<vmem>> -> memref<40x128xi32, #tpu.memory_space<vmem>>
        %dma_start3A_60 = arith.constant 0 : i32
        %dma_start3A_61 = arith.constant 0 : i32
        %dma_start3A_62 = tpu.memref_slice %arg6[%run_scoped3A_35, %arg1, %run_scoped3A_36, %dma_start3A_60, %dma_start3A_61] : memref<2x16x2x40x128xi32, #tpu.memory_space<hbm>> -> memref<1x1x1x40x128xi32, #tpu.memory_space<hbm>>
        %dma_start3A_63 = tpu.memref_squeeze %dma_start3A_62 : memref<1x1x1x40x128xi32, #tpu.memory_space<hbm>> -> memref<40x128xi32, #tpu.memory_space<hbm>>
        %dma_start3A_64 = arith.constant 40 : i32
        %dma_start3A_65 = arith.constant 0 : i32
        %dma_start3A_66 = tpu.memref_slice %arg12[%dma_start3A_64, %dma_start3A_65] : memref<80x128xi32, #tpu.memory_space<vmem>> -> memref<40x128xi32, #tpu.memory_space<vmem>>
        %dma_start3A_67 = arith.constant 0 : i32
        %dma_start3A_68 = arith.constant 0 : i32
        %dma_start3A_69 = tpu.memref_slice %arg6[%run_scoped3A_35, %arg1, %run_scoped3A_36, %dma_start3A_67, %dma_start3A_68] : memref<2x16x2x40x128xi32, #tpu.memory_space<hbm>> -> memref<1x1x1x40x128xi32, #tpu.memory_space<hbm>>
        %dma_start3A_70 = tpu.memref_squeeze %dma_start3A_69 : memref<1x1x1x40x128xi32, #tpu.memory_space<hbm>> -> memref<40x128xi32, #tpu.memory_space<hbm>>
        tpu.enqueue_dma source(%dma_start3A_70 : memref<40x128xi32, #tpu.memory_space<hbm>>) target(%dma_start3A_66 : memref<40x128xi32, #tpu.memory_space<vmem>>) target_semaphore(%run_scoped3A_56 : memref<!tpu.dma_semaphore, #tpu.memory_space<semaphore_mem>>)
        %dma_wait3A = arith.constant 40 : i32
        %dma_wait3A_71 = arith.constant 0 : i32
        %dma_wait3A_72 = tpu.memref_slice %arg12[%dma_wait3A, %dma_wait3A_71] : memref<80x128xi32, #tpu.memory_space<vmem>> -> memref<40x128xi32, #tpu.memory_space<vmem>>
        %dma_wait3A_73 = arith.constant 0 : i32
        %dma_wait3A_74 = arith.constant 0 : i32
        %dma_wait3A_75 = tpu.memref_slice %arg6[%run_scoped3A_35, %arg1, %run_scoped3A_36, %dma_wait3A_73, %dma_wait3A_74] : memref<2x16x2x40x128xi32, #tpu.memory_space<hbm>> -> memref<1x1x1x40x128xi32, #tpu.memory_space<hbm>>
        %dma_wait3A_76 = tpu.memref_squeeze %dma_wait3A_75 : memref<1x1x1x40x128xi32, #tpu.memory_space<hbm>> -> memref<40x128xi32, #tpu.memory_space<hbm>>
        %dma_wait3A_77 = arith.constant 40 : i32
        %dma_wait3A_78 = arith.constant 0 : i32
        %dma_wait3A_79 = tpu.memref_slice %arg12[%dma_wait3A_77, %dma_wait3A_78] : memref<80x128xi32, #tpu.memory_space<vmem>> -> memref<40x128xi32, #tpu.memory_space<vmem>>
        %dma_wait3A_80 = arith.constant 0 : i32
        %dma_wait3A_81 = arith.constant 0 : i32
        %dma_wait3A_82 = tpu.memref_slice %arg6[%run_scoped3A_35, %arg1, %run_scoped3A_36, %dma_wait3A_80, %dma_wait3A_81] : memref<2x16x2x40x128xi32, #tpu.memory_space<hbm>> -> memref<1x1x1x40x128xi32, #tpu.memory_space<hbm>>
        %dma_wait3A_83 = tpu.memref_squeeze %dma_wait3A_82 : memref<1x1x1x40x128xi32, #tpu.memory_space<hbm>> -> memref<40x128xi32, #tpu.memory_space<hbm>>
        tpu.wait_dma2 semaphore(%run_scoped3A_56 : memref<!tpu.dma_semaphore, #tpu.memory_space<semaphore_mem>>) src(%dma_wait3A_83 : memref<40x128xi32, #tpu.memory_space<hbm>>) dst(%dma_wait3A_79 : memref<40x128xi32, #tpu.memory_space<vmem>>)
        tpu.yield
      }) : () -> ()
      %dma_start3A_37 = arith.constant 0 : i32
      %dma_start3A_38 = arith.constant 0 : i32
      %dma_start3A_39 = tpu.memref_slice %arg12[%dma_start3A_37, %dma_start3A_38] : memref<80x128xi32, #tpu.memory_space<vmem>> -> memref<1x128xi32, #tpu.memory_space<vmem>>
      %dma_start3A_40 = tpu.memref_squeeze %dma_start3A_39 : memref<1x128xi32, #tpu.memory_space<vmem>> -> memref<128xi32, #tpu.memory_space<vmem>>
      %dma_start3A_41 = arith.constant 0 : i32
      %dma_start3A_42 = arith.constant 0 : i32
      %dma_start3A_43 = tpu.memref_slice %arg5[%dma_start3A_41, %dma_start3A_42] : memref<10000x128xf32, #tpu.memory_space<hbm>> -> memref<10000x128xf32, #tpu.memory_space<hbm>>
      tpu.enqueue_indirect_dma source(%dma_start3A_43 : memref<10000x128xf32, #tpu.memory_space<hbm>>) target(%arg13 : memref<128x128xf32, #tpu.memory_space<vmem>>) offsets(%dma_start3A_40 : memref<128xi32, #tpu.memory_space<vmem>>) semaphore(%arg16 : memref<!tpu.dma_semaphore, #tpu.memory_space<semaphore_mem>>)
      %scan3A_44 = arith.constant 0 : i32
      %scan3A_45 = arith.constant 0 : i32
      %scan3A_46 = arith.constant 20 : i32
      %scan3A_47 = arith.addi %scan3A_45, %scan3A_46 : i32
      %scan3A_48 = arith.constant 1 : i32
      %scan3A_49 = scf.for %scan3A_56 = %scan3A_45 to %scan3A_47 step %scan3A_48 iter_args(%scan3A_57 = %scan3A_44) -> (i32)  : i32 {
        %mul3A_58 = arith.constant 2 : i32
        %mul3A_59 = arith.muli %mul3A_58, %scan3A_56 : i32
        %dma_wait3A = arith.constant 0 : i32
        %dma_wait3A_60 = tpu.memref_slice %arg12[%mul3A_59, %dma_wait3A] : memref<80x128xi32, #tpu.memory_space<vmem>> -> memref<1x128xi32, #tpu.memory_space<vmem>>
        %dma_wait3A_61 = tpu.memref_squeeze %dma_wait3A_60 : memref<1x128xi32, #tpu.memory_space<vmem>> -> memref<128xi32, #tpu.memory_space<vmem>>
        %dma_wait3A_62 = arith.constant 0 : i32
        %dma_wait3A_63 = arith.constant 0 : i32
        %dma_wait3A_64 = tpu.memref_slice %arg5[%dma_wait3A_62, %dma_wait3A_63] : memref<10000x128xf32, #tpu.memory_space<hbm>> -> memref<10000x128xf32, #tpu.memory_space<hbm>>
        tpu.wait_indirect_dma semaphore(%arg16 : memref<!tpu.dma_semaphore, #tpu.memory_space<semaphore_mem>>) src(%dma_wait3A_64 : memref<10000x128xf32, #tpu.memory_space<hbm>>) dst(%arg13 : memref<128x128xf32, #tpu.memory_space<vmem>>)
        %add3A = arith.constant 1 : i32
        %add3A_65 = arith.addi %mul3A_59, %add3A : i32
        %dma_start3A_66 = arith.constant 0 : i32
        %dma_start3A_67 = tpu.memref_slice %arg12[%add3A_65, %dma_start3A_66] : memref<80x128xi32, #tpu.memory_space<vmem>> -> memref<1x128xi32, #tpu.memory_space<vmem>>
        %dma_start3A_68 = tpu.memref_squeeze %dma_start3A_67 : memref<1x128xi32, #tpu.memory_space<vmem>> -> memref<128xi32, #tpu.memory_space<vmem>>
        %dma_start3A_69 = arith.constant 0 : i32
        %dma_start3A_70 = arith.constant 0 : i32
        %dma_start3A_71 = tpu.memref_slice %arg5[%dma_start3A_69, %dma_start3A_70] : memref<10000x128xf32, #tpu.memory_space<hbm>> -> memref<10000x128xf32, #tpu.memory_space<hbm>>
        tpu.enqueue_indirect_dma source(%dma_start3A_71 : memref<10000x128xf32, #tpu.memory_space<hbm>>) target(%arg14 : memref<128x128xf32, #tpu.memory_space<vmem>>) offsets(%dma_start3A_68 : memref<128xi32, #tpu.memory_space<vmem>>) semaphore(%arg17 : memref<!tpu.dma_semaphore, #tpu.memory_space<semaphore_mem>>)
        %add3A_72 = arith.constant 40 : i32
        %add3A_73 = arith.addi %add3A_72, %mul3A_59 : i32
        "tpu.region"() ({
          %run_scoped3A_89 = tpu.sem_alloc : memref<!tpu.dma_semaphore, #tpu.memory_space<semaphore_mem>>
          %dma_start3A_90 = arith.constant 0 : i32
          %dma_start3A_91 = tpu.memref_slice %arg12[%add3A_73, %dma_start3A_90] : memref<80x128xi32, #tpu.memory_space<vmem>> -> memref<1x128xi32, #tpu.memory_space<vmem>>
          %dma_start3A_92 = tpu.memref_squeeze %dma_start3A_91 : memref<1x128xi32, #tpu.memory_space<vmem>> -> memref<128xi32, #tpu.memory_space<vmem>>
          %dma_start3A_93 = arith.constant 0 : i32
          %dma_start3A_94 = arith.constant 0 : i32
          %dma_start3A_95 = tpu.memref_slice %arg15[%dma_start3A_93, %dma_start3A_94] : memref<10112x128xf32, #tpu.memory_space<vmem_shared>> -> memref<10112x128xf32, #tpu.memory_space<vmem_shared>>
          tpu.enqueue_indirect_dma source(%arg13 : memref<128x128xf32, #tpu.memory_space<vmem>>) target(%dma_start3A_95 : memref<10112x128xf32, #tpu.memory_space<vmem_shared>>) offsets(%dma_start3A_92 : memref<128xi32, #tpu.memory_space<vmem>>) semaphore(%run_scoped3A_89 : memref<!tpu.dma_semaphore, #tpu.memory_space<semaphore_mem>>) {add = true}
          %dma_wait3A_96 = arith.constant 0 : i32
          %dma_wait3A_97 = tpu.memref_slice %arg12[%add3A_73, %dma_wait3A_96] : memref<80x128xi32, #tpu.memory_space<vmem>> -> memref<1x128xi32, #tpu.memory_space<vmem>>
          %dma_wait3A_98 = tpu.memref_squeeze %dma_wait3A_97 : memref<1x128xi32, #tpu.memory_space<vmem>> -> memref<128xi32, #tpu.memory_space<vmem>>
          %dma_wait3A_99 = arith.constant 0 : i32
          %dma_wait3A_100 = arith.constant 0 : i32
          %dma_wait3A_101 = tpu.memref_slice %arg15[%dma_wait3A_99, %dma_wait3A_100] : memref<10112x128xf32, #tpu.memory_space<vmem_shared>> -> memref<10112x128xf32, #tpu.memory_space<vmem_shared>>
          tpu.wait_indirect_dma semaphore(%run_scoped3A_89 : memref<!tpu.dma_semaphore, #tpu.memory_space<semaphore_mem>>) src(%arg13 : memref<128x128xf32, #tpu.memory_space<vmem>>) dst(%dma_wait3A_101 : memref<10112x128xf32, #tpu.memory_space<vmem_shared>>)
          tpu.yield
        }) : () -> ()
        %add3A_74 = arith.constant 1 : i32
        %add3A_75 = arith.addi %mul3A_59, %add3A_74 : i32
        %dma_wait3A_76 = arith.constant 0 : i32
        %dma_wait3A_77 = tpu.memref_slice %arg12[%add3A_75, %dma_wait3A_76] : memref<80x128xi32, #tpu.memory_space<vmem>> -> memref<1x128xi32, #tpu.memory_space<vmem>>
        %dma_wait3A_78 = tpu.memref_squeeze %dma_wait3A_77 : memref<1x128xi32, #tpu.memory_space<vmem>> -> memref<128xi32, #tpu.memory_space<vmem>>
        %dma_wait3A_79 = arith.constant 0 : i32
        %dma_wait3A_80 = arith.constant 0 : i32
        %dma_wait3A_81 = tpu.memref_slice %arg5[%dma_wait3A_79, %dma_wait3A_80] : memref<10000x128xf32, #tpu.memory_space<hbm>> -> memref<10000x128xf32, #tpu.memory_space<hbm>>
        tpu.wait_indirect_dma semaphore(%arg17 : memref<!tpu.dma_semaphore, #tpu.memory_space<semaphore_mem>>) src(%dma_wait3A_81 : memref<10000x128xf32, #tpu.memory_space<hbm>>) dst(%arg14 : memref<128x128xf32, #tpu.memory_space<vmem>>)
        %lt3A = arith.constant 19 : i32
        %lt3A_82 = arith.cmpi slt, %scan3A_56, %lt3A : i32
        %convert_element_type3A_83 = arith.extui %lt3A_82 : i1 to i32
        %cond3A_84 = arith.constant 0 : i32
        %cond3A_85 = arith.cmpi ne, %convert_element_type3A_83, %cond3A_84 : i32
        scf.if %cond3A_85 {
          %add3A_89 = arith.constant 2 : i32
          %add3A_90 = arith.addi %mul3A_59, %add3A_89 : i32
          %dma_start3A_91 = arith.constant 0 : i32
          %dma_start3A_92 = tpu.memref_slice %arg12[%add3A_90, %dma_start3A_91] : memref<80x128xi32, #tpu.memory_space<vmem>> -> memref<1x128xi32, #tpu.memory_space<vmem>>
          %dma_start3A_93 = tpu.memref_squeeze %dma_start3A_92 : memref<1x128xi32, #tpu.memory_space<vmem>> -> memref<128xi32, #tpu.memory_space<vmem>>
          %dma_start3A_94 = arith.constant 0 : i32
          %dma_start3A_95 = arith.constant 0 : i32
          %dma_start3A_96 = tpu.memref_slice %arg5[%dma_start3A_94, %dma_start3A_95] : memref<10000x128xf32, #tpu.memory_space<hbm>> -> memref<10000x128xf32, #tpu.memory_space<hbm>>
          tpu.enqueue_indirect_dma source(%dma_start3A_96 : memref<10000x128xf32, #tpu.memory_space<hbm>>) target(%arg13 : memref<128x128xf32, #tpu.memory_space<vmem>>) offsets(%dma_start3A_93 : memref<128xi32, #tpu.memory_space<vmem>>) semaphore(%arg16 : memref<!tpu.dma_semaphore, #tpu.memory_space<semaphore_mem>>)
        } else {
        }
        %add3A_86 = arith.constant 41 : i32
        %add3A_87 = arith.addi %add3A_86, %mul3A_59 : i32
        "tpu.region"() ({
          %run_scoped3A_89 = tpu.sem_alloc : memref<!tpu.dma_semaphore, #tpu.memory_space<semaphore_mem>>
          %dma_start3A_90 = arith.constant 0 : i32
          %dma_start3A_91 = tpu.memref_slice %arg12[%add3A_87, %dma_start3A_90] : memref<80x128xi32, #tpu.memory_space<vmem>> -> memref<1x128xi32, #tpu.memory_space<vmem>>
          %dma_start3A_92 = tpu.memref_squeeze %dma_start3A_91 : memref<1x128xi32, #tpu.memory_space<vmem>> -> memref<128xi32, #tpu.memory_space<vmem>>
          %dma_start3A_93 = arith.constant 0 : i32
          %dma_start3A_94 = arith.constant 0 : i32
          %dma_start3A_95 = tpu.memref_slice %arg15[%dma_start3A_93, %dma_start3A_94] : memref<10112x128xf32, #tpu.memory_space<vmem_shared>> -> memref<10112x128xf32, #tpu.memory_space<vmem_shared>>
          tpu.enqueue_indirect_dma source(%arg14 : memref<128x128xf32, #tpu.memory_space<vmem>>) target(%dma_start3A_95 : memref<10112x128xf32, #tpu.memory_space<vmem_shared>>) offsets(%dma_start3A_92 : memref<128xi32, #tpu.memory_space<vmem>>) semaphore(%run_scoped3A_89 : memref<!tpu.dma_semaphore, #tpu.memory_space<semaphore_mem>>) {add = true}
          %dma_wait3A_96 = arith.constant 0 : i32
          %dma_wait3A_97 = tpu.memref_slice %arg12[%add3A_87, %dma_wait3A_96] : memref<80x128xi32, #tpu.memory_space<vmem>> -> memref<1x128xi32, #tpu.memory_space<vmem>>
          %dma_wait3A_98 = tpu.memref_squeeze %dma_wait3A_97 : memref<1x128xi32, #tpu.memory_space<vmem>> -> memref<128xi32, #tpu.memory_space<vmem>>
          %dma_wait3A_99 = arith.constant 0 : i32
          %dma_wait3A_100 = arith.constant 0 : i32
          %dma_wait3A_101 = tpu.memref_slice %arg15[%dma_wait3A_99, %dma_wait3A_100] : memref<10112x128xf32, #tpu.memory_space<vmem_shared>> -> memref<10112x128xf32, #tpu.memory_space<vmem_shared>>
          tpu.wait_indirect_dma semaphore(%run_scoped3A_89 : memref<!tpu.dma_semaphore, #tpu.memory_space<semaphore_mem>>) src(%arg14 : memref<128x128xf32, #tpu.memory_space<vmem>>) dst(%dma_wait3A_101 : memref<10112x128xf32, #tpu.memory_space<vmem_shared>>)
          tpu.yield
        }) : () -> ()
        %scan3A_88 = arith.constant 0 : i32
        scf.yield %scan3A_88 : i32
      }
      %scan3A_50 = arith.constant 20 : i32
      %barrier3A_51 = arith.constant 0 : index
      tpu.barrier barrier_id(%barrier3A_51)
      %mul3A_52 = arith.constant 632 : i32
      %mul3A_53 = arith.muli %arg1, %mul3A_52 : i32
      %mul3A_54 = arith.constant 632 : i32
      %mul3A_55 = arith.muli %arg1, %mul3A_54 : i32
      "tpu.region"() ({
        %run_scoped3A_56 = tpu.sem_alloc : memref<!tpu.dma_semaphore, #tpu.memory_space<semaphore_mem>>
        %dma_start3A_57 = arith.constant 0 : i32
        %dma_start3A_58 = tpu.memref_slice %arg11[%mul3A_55, %dma_start3A_57] : memref<10112x128xf32, #tpu.memory_space<hbm>> -> memref<632x128xf32, #tpu.memory_space<hbm>>
        %dma_start3A_59 = arith.constant 0 : i32
        %dma_start3A_60 = tpu.memref_slice %arg15[%mul3A_53, %dma_start3A_59] : memref<10112x128xf32, #tpu.memory_space<vmem_shared>> -> memref<632x128xf32, #tpu.memory_space<vmem_shared>>
        tpu.enqueue_dma source(%dma_start3A_60 : memref<632x128xf32, #tpu.memory_space<vmem_shared>>) target(%dma_start3A_58 : memref<632x128xf32, #tpu.memory_space<hbm>>) target_semaphore(%run_scoped3A_56 : memref<!tpu.dma_semaphore, #tpu.memory_space<semaphore_mem>>)
        %dma_wait3A = arith.constant 0 : i32
        %dma_wait3A_61 = tpu.memref_slice %arg11[%mul3A_55, %dma_wait3A] : memref<10112x128xf32, #tpu.memory_space<hbm>> -> memref<632x128xf32, #tpu.memory_space<hbm>>
        %dma_wait3A_62 = arith.constant 0 : i32
        %dma_wait3A_63 = tpu.memref_slice %arg15[%mul3A_53, %dma_wait3A_62] : memref<10112x128xf32, #tpu.memory_space<vmem_shared>> -> memref<632x128xf32, #tpu.memory_space<vmem_shared>>
        tpu.wait_dma2 semaphore(%run_scoped3A_56 : memref<!tpu.dma_semaphore, #tpu.memory_space<semaphore_mem>>) src(%dma_wait3A_63 : memref<632x128xf32, #tpu.memory_space<vmem_shared>>) dst(%dma_wait3A_61 : memref<632x128xf32, #tpu.memory_space<hbm>>)
        tpu.yield
      }) : () -> ()
    } else {
    }
    return
  }
}

module attributes {stable_mosaic.version = 14 : i64} {
  func.func @_tc1_body(%arg0: i32, %arg1: memref<1000x256xf32, #tpu.memory_space<vmem>>, %arg2: memref<1000x256xf32, #tpu.memory_space<vmem>>, %arg3: memref<256x256xf32, #tpu.memory_space<vmem>>, %arg4: memref<256x256xf32, #tpu.memory_space<vmem>>, %arg5: memref<1000x4xf32, #tpu.memory_space<vmem>>, %arg6: memref<1000x128xf32, #tpu.memory_space<vmem>>, %arg7: memref<1000x128xf32, #tpu.memory_space<vmem>>, %arg8: memref<1000x128xf32, #tpu.memory_space<vmem>>, %arg9: memref<1000x128xf32, #tpu.memory_space<vmem>>) attributes {dimension_semantics = [#tpu.dimension_semantics<arbitrary>], iteration_bounds = array<i64: 10>, scalar_prefetch = 0 : i64, scratch_operands = 0 : i64, tpu.core_type = #tpu.core_type<tc>, window_params = [{transform_indices = @transform_0, window_bounds = array<i64: 1000, 256>}, {transform_indices = @transform_1, window_bounds = array<i64: 1000, 256>}, {pipeline_mode = #tpu.pipeline_mode<synchronous>, transform_indices = @transform_2, window_bounds = array<i64: 256, 256>}, {pipeline_mode = #tpu.pipeline_mode<synchronous>, transform_indices = @transform_3, window_bounds = array<i64: 256, 256>}, {transform_indices = @transform_4, window_bounds = array<i64: 1000, 4>}, {transform_indices = @transform_5, window_bounds = array<i64: 1000, 128>}, {transform_indices = @transform_6, window_bounds = array<i64: 1000, 128>}, {transform_indices = @transform_7, window_bounds = array<i64: 1000, 128>}, {transform_indices = @transform_8, window_bounds = array<i64: 1000, 128>}]} {
    %get3A = arith.constant 0 : index
    %get3A_0 = arith.constant 0 : index
    %get3A_1 = vector.load %arg5[%get3A, %get3A_0] : memref<1000x4xf32, #tpu.memory_space<vmem>>, vector<1000x1xf32>
    %get3A_2 = vector.shape_cast %get3A_1 : vector<1000x1xf32> to vector<1000xf32>
    %get3A_3 = arith.constant 0 : index
    %get3A_4 = arith.constant 1 : index
    %get3A_5 = vector.load %arg5[%get3A_3, %get3A_4] : memref<1000x4xf32, #tpu.memory_space<vmem>>, vector<1000x1xf32>
    %get3A_6 = vector.shape_cast %get3A_5 : vector<1000x1xf32> to vector<1000xf32>
    %add3A = arith.addf %get3A_2, %get3A_6 : vector<1000xf32>
    %gt3A = arith.constant 0.000000e+00 : f32
    %gt3A_7 = vector.broadcast %gt3A : f32 to vector<1000xf32>
    %gt3A_8 = arith.cmpf ogt, %add3A, %gt3A_7 : vector<1000xf32>
    %rsqrt3A = math.rsqrt %add3A : vector<1000xf32>
    %jit3A = arith.constant 0.000000e+00 : f32
    %broadcast_in_dim3A = vector.broadcast %jit3A : f32 to vector<1000xf32>
    %select_n3A = arith.select %gt3A_8, %rsqrt3A, %broadcast_in_dim3A : vector<1000xi1>, vector<1000xf32>
    %reshape3A = vector.shape_cast %select_n3A : vector<1000xf32> to vector<1000x1xf32>
    %get3A_9 = arith.constant 0 : index
    %get3A_10 = arith.constant 0 : index
    %get3A_11 = vector.load %arg1[%get3A_9, %get3A_10] : memref<1000x256xf32, #tpu.memory_space<vmem>>, vector<1000x256xf32>
    %convert_element_type3A = arith.truncf %get3A_11 : vector<1000x256xf32> to vector<1000x256xbf16>
    %get3A_12 = arith.constant 0 : index
    %get3A_13 = arith.constant 0 : index
    %get3A_14 = vector.load %arg3[%get3A_12, %get3A_13] : memref<256x256xf32, #tpu.memory_space<vmem>>, vector<256x256xf32>
    %convert_element_type3A_15 = arith.truncf %get3A_14 : vector<256x256xf32> to vector<256x256xbf16>
    %dot_general3A = arith.constant dense<0.000000e+00> : vector<1000x256xf32>
    %dot_general3A_16 = tpu.matmul %convert_element_type3A, %convert_element_type3A_15, %dot_general3A {dimension_numbers = #tpu.dot_dimension_numbers<[1], [0], [0], [1], [0, 0, 1, 1], [], []>, transpose_lhs_hint = false} : vector<1000x256xbf16>, vector<256x256xbf16>, vector<1000x256xf32> -> vector<1000x256xf32>
    %mul3A = vector.broadcast %reshape3A : vector<1000x1xf32> to vector<1000x256xf32>
    %mul3A_17 = arith.mulf %dot_general3A_16, %mul3A : vector<1000x256xf32>
    %get3A_18 = arith.constant 0 : index
    %get3A_19 = arith.constant 0 : index
    %get3A_20 = vector.load %arg2[%get3A_18, %get3A_19] : memref<1000x256xf32, #tpu.memory_space<vmem>>, vector<1000x256xf32>
    %convert_element_type3A_21 = arith.truncf %get3A_20 : vector<1000x256xf32> to vector<1000x256xbf16>
    %get3A_22 = arith.constant 0 : index
    %get3A_23 = arith.constant 0 : index
    %get3A_24 = vector.load %arg4[%get3A_22, %get3A_23] : memref<256x256xf32, #tpu.memory_space<vmem>>, vector<256x256xf32>
    %convert_element_type3A_25 = arith.truncf %get3A_24 : vector<256x256xf32> to vector<256x256xbf16>
    %dot_general3A_26 = arith.constant dense<0.000000e+00> : vector<1000x256xf32>
    %dot_general3A_27 = tpu.matmul %convert_element_type3A_21, %convert_element_type3A_25, %dot_general3A_26 {dimension_numbers = #tpu.dot_dimension_numbers<[1], [0], [0], [1], [0, 0, 1, 1], [], []>, transpose_lhs_hint = false} : vector<1000x256xbf16>, vector<256x256xbf16>, vector<1000x256xf32> -> vector<1000x256xf32>
    %mul3A_28 = vector.broadcast %reshape3A : vector<1000x1xf32> to vector<1000x256xf32>
    %mul3A_29 = arith.mulf %dot_general3A_27, %mul3A_28 : vector<1000x256xf32>
    %slice3A = vector.extract_strided_slice %mul3A_17 {offsets = [0, 0], sizes = [1000, 128], strides = [1, 1]} : vector<1000x256xf32> to vector<1000x128xf32>
    %swap3A = arith.constant 0 : index
    %swap3A_30 = arith.constant 0 : index
    %swap3A_31 = vector.load %arg6[%swap3A, %swap3A_30] : memref<1000x128xf32, #tpu.memory_space<vmem>>, vector<1000x128xf32>
    tpu.vector_store %arg6[%swap3A, %swap3A_30], %slice3A {strides = array<i32>} : memref<1000x128xf32, #tpu.memory_space<vmem>>, vector<1000x128xf32>,
    %slice3A_32 = vector.extract_strided_slice %mul3A_17 {offsets = [0, 128], sizes = [1000, 128], strides = [1, 1]} : vector<1000x256xf32> to vector<1000x128xf32>
    %swap3A_33 = arith.constant 0 : index
    %swap3A_34 = arith.constant 0 : index
    %swap3A_35 = vector.load %arg7[%swap3A_33, %swap3A_34] : memref<1000x128xf32, #tpu.memory_space<vmem>>, vector<1000x128xf32>
    tpu.vector_store %arg7[%swap3A_33, %swap3A_34], %slice3A_32 {strides = array<i32>} : memref<1000x128xf32, #tpu.memory_space<vmem>>, vector<1000x128xf32>,
    %slice3A_36 = vector.extract_strided_slice %mul3A_29 {offsets = [0, 0], sizes = [1000, 128], strides = [1, 1]} : vector<1000x256xf32> to vector<1000x128xf32>
    %swap3A_37 = arith.constant 0 : index
    %swap3A_38 = arith.constant 0 : index
    %swap3A_39 = vector.load %arg8[%swap3A_37, %swap3A_38] : memref<1000x128xf32, #tpu.memory_space<vmem>>, vector<1000x128xf32>
    tpu.vector_store %arg8[%swap3A_37, %swap3A_38], %slice3A_36 {strides = array<i32>} : memref<1000x128xf32, #tpu.memory_space<vmem>>, vector<1000x128xf32>,
    %slice3A_40 = vector.extract_strided_slice %mul3A_29 {offsets = [0, 128], sizes = [1000, 128], strides = [1, 1]} : vector<1000x256xf32> to vector<1000x128xf32>
    %swap3A_41 = arith.constant 0 : index
    %swap3A_42 = arith.constant 0 : index
    %swap3A_43 = vector.load %arg9[%swap3A_41, %swap3A_42] : memref<1000x128xf32, #tpu.memory_space<vmem>>, vector<1000x128xf32>
    tpu.vector_store %arg9[%swap3A_41, %swap3A_42], %slice3A_40 {strides = array<i32>} : memref<1000x128xf32, #tpu.memory_space<vmem>>, vector<1000x128xf32>,
    return
  }
  func.func @transform_0(%arg0: i32) -> (i32, i32) {
    %c0_i32 = arith.constant 0 : i32
    %c0_i32_0 = arith.constant 0 : i32
    return %arg0, %c0_i32 : i32, i32
  }
  func.func @transform_1(%arg0: i32) -> (i32, i32) {
    %c0_i32 = arith.constant 0 : i32
    %c0_i32_0 = arith.constant 0 : i32
    return %arg0, %c0_i32 : i32, i32
  }
  func.func @transform_2(%arg0: i32) -> (i32, i32) {
    %c0_i32 = arith.constant 0 : i32
    %c0_i32_0 = arith.constant 0 : i32
    %c0_i32_1 = arith.constant 0 : i32
    return %c0_i32, %c0_i32_0 : i32, i32
  }
  func.func @transform_3(%arg0: i32) -> (i32, i32) {
    %c0_i32 = arith.constant 0 : i32
    %c0_i32_0 = arith.constant 0 : i32
    %c0_i32_1 = arith.constant 0 : i32
    return %c0_i32, %c0_i32_0 : i32, i32
  }
  func.func @transform_4(%arg0: i32) -> (i32, i32) {
    %c0_i32 = arith.constant 0 : i32
    %c0_i32_0 = arith.constant 0 : i32
    return %arg0, %c0_i32 : i32, i32
  }
  func.func @transform_5(%arg0: i32) -> (i32, i32) {
    %c0_i32 = arith.constant 0 : i32
    %c0_i32_0 = arith.constant 0 : i32
    return %arg0, %c0_i32 : i32, i32
  }
  func.func @transform_6(%arg0: i32) -> (i32, i32) {
    %c0_i32 = arith.constant 0 : i32
    %c0_i32_0 = arith.constant 0 : i32
    return %arg0, %c0_i32 : i32, i32
  }
  func.func @transform_7(%arg0: i32) -> (i32, i32) {
    %c0_i32 = arith.constant 0 : i32
    %c0_i32_0 = arith.constant 0 : i32
    return %arg0, %c0_i32 : i32, i32
  }
  func.func @transform_8(%arg0: i32) -> (i32, i32) {
    %c0_i32 = arith.constant 0 : i32
    %c0_i32_0 = arith.constant 0 : i32
    return %arg0, %c0_i32 : i32, i32
  }
}

module attributes {stable_mosaic.version = 14 : i64} {
  func.func @_tc2_body(%arg0: i32, %arg1: memref<1000x128xf32, #tpu.memory_space<vmem>>, %arg2: memref<1000x128xf32, #tpu.memory_space<vmem>>, %arg3: memref<1000x128xf32, #tpu.memory_space<vmem>>, %arg4: memref<1000x128xf32, #tpu.memory_space<vmem>>, %arg5: memref<1000x4xf32, #tpu.memory_space<vmem>>, %arg6: memref<1x512xf32, #tpu.memory_space<vmem>>, %arg7: memref<512x256xf32, #tpu.memory_space<vmem>>, %arg8: memref<256xf32, #tpu.memory_space<vmem>>, %arg9: memref<256x256xf32, #tpu.memory_space<vmem>>, %arg10: memref<256xf32, #tpu.memory_space<vmem>>, %arg11: memref<1x1xf32, #tpu.memory_space<smem>>) attributes {dimension_semantics = [#tpu.dimension_semantics<arbitrary>], iteration_bounds = array<i64: 10>, scalar_prefetch = 0 : i64, scratch_operands = 0 : i64, tpu.core_type = #tpu.core_type<tc>, window_params = [{transform_indices = @transform_0, window_bounds = array<i64: 1000, 128>}, {transform_indices = @transform_1, window_bounds = array<i64: 1000, 128>}, {transform_indices = @transform_2, window_bounds = array<i64: 1000, 128>}, {transform_indices = @transform_3, window_bounds = array<i64: 1000, 128>}, {transform_indices = @transform_4, window_bounds = array<i64: 1000, 4>}, {pipeline_mode = #tpu.pipeline_mode<synchronous>, transform_indices = @transform_5, window_bounds = array<i64: 1, 512>}, {pipeline_mode = #tpu.pipeline_mode<synchronous>, transform_indices = @transform_6, window_bounds = array<i64: 512, 256>}, {pipeline_mode = #tpu.pipeline_mode<synchronous>, transform_indices = @transform_7, window_bounds = array<i64: 256>}, {pipeline_mode = #tpu.pipeline_mode<synchronous>, transform_indices = @transform_8, window_bounds = array<i64: 256, 256>}, {pipeline_mode = #tpu.pipeline_mode<synchronous>, transform_indices = @transform_9, window_bounds = array<i64: 256>}, {transform_indices = @transform_10, window_bounds = array<i64: 1, 1>}]} {
    %get3A = arith.constant 0 : index
    %get3A_0 = arith.constant 2 : index
    %get3A_1 = vector.load %arg5[%get3A, %get3A_0] : memref<1000x4xf32, #tpu.memory_space<vmem>>, vector<1000x1xf32>
    %get3A_2 = vector.shape_cast %get3A_1 : vector<1000x1xf32> to vector<1000xf32>
    %get3A_3 = arith.constant 0 : index
    %get3A_4 = arith.constant 3 : index
    %get3A_5 = vector.load %arg5[%get3A_3, %get3A_4] : memref<1000x4xf32, #tpu.memory_space<vmem>>, vector<1000x1xf32>
    %get3A_6 = vector.shape_cast %get3A_5 : vector<1000x1xf32> to vector<1000xf32>
    %add3A = arith.addf %get3A_2, %get3A_6 : vector<1000xf32>
    %gt3A = arith.constant 0.000000e+00 : f32
    %gt3A_7 = vector.broadcast %gt3A : f32 to vector<1000xf32>
    %gt3A_8 = arith.cmpf ogt, %add3A, %gt3A_7 : vector<1000xf32>
    %rsqrt3A = math.rsqrt %add3A : vector<1000xf32>
    %jit3A = arith.constant 0.000000e+00 : f32
    %broadcast_in_dim3A = vector.broadcast %jit3A : f32 to vector<1000xf32>
    %select_n3A = arith.select %gt3A_8, %rsqrt3A, %broadcast_in_dim3A : vector<1000xi1>, vector<1000xf32>
    %reshape3A = vector.shape_cast %select_n3A : vector<1000xf32> to vector<1000x1xf32>
    %get3A_9 = arith.constant 0 : index
    %get3A_10 = vector.load %arg8[%get3A_9] : memref<256xf32, #tpu.memory_space<vmem>>, vector<256xf32>
    %get3A_11 = arith.constant 0 : index
    %get3A_12 = arith.constant 0 : index
    %get3A_13 = vector.load %arg1[%get3A_11, %get3A_12] : memref<1000x128xf32, #tpu.memory_space<vmem>>, vector<1000x128xf32>
    %mul3A = vector.broadcast %reshape3A : vector<1000x1xf32> to vector<1000x128xf32>
    %mul3A_14 = arith.mulf %get3A_13, %mul3A : vector<1000x128xf32>
    %get3A_15 = arith.constant 0 : index
    %get3A_16 = arith.constant 0 : index
    %get3A_17 = vector.load %arg6[%get3A_15, %get3A_16] : memref<1x512xf32, #tpu.memory_space<vmem>>, vector<1x128xf32>
    %add3A_18 = vector.broadcast %get3A_17 : vector<1x128xf32> to vector<1000x128xf32>
    %add3A_19 = arith.addf %mul3A_14, %add3A_18 : vector<1000x128xf32>
    %convert_element_type3A = arith.truncf %add3A_19 : vector<1000x128xf32> to vector<1000x128xbf16>
    %get3A_20 = arith.constant 0 : index
    %get3A_21 = arith.constant 0 : index
    %get3A_22 = vector.load %arg7[%get3A_20, %get3A_21] : memref<512x256xf32, #tpu.memory_space<vmem>>, vector<128x256xf32>
    %convert_element_type3A_23 = arith.truncf %get3A_22 : vector<128x256xf32> to vector<128x256xbf16>
    %dot_general3A = arith.constant dense<0.000000e+00> : vector<1000x256xf32>
    %dot_general3A_24 = tpu.matmul %convert_element_type3A, %convert_element_type3A_23, %dot_general3A {dimension_numbers = #tpu.dot_dimension_numbers<[1], [0], [0], [1], [0, 0, 1, 1], [], []>, transpose_lhs_hint = false} : vector<1000x128xbf16>, vector<128x256xbf16>, vector<1000x256xf32> -> vector<1000x256xf32>
    %broadcast_in_dim3A_25 = vector.shape_cast %get3A_10 : vector<256xf32> to vector<1x256xf32>
    %add3A_26 = vector.broadcast %broadcast_in_dim3A_25 : vector<1x256xf32> to vector<1000x256xf32>
    %add3A_27 = arith.addf %add3A_26, %dot_general3A_24 : vector<1000x256xf32>
    %get3A_28 = arith.constant 0 : index
    %get3A_29 = arith.constant 0 : index
    %get3A_30 = vector.load %arg2[%get3A_28, %get3A_29] : memref<1000x128xf32, #tpu.memory_space<vmem>>, vector<1000x128xf32>
    %mul3A_31 = vector.broadcast %reshape3A : vector<1000x1xf32> to vector<1000x128xf32>
    %mul3A_32 = arith.mulf %get3A_30, %mul3A_31 : vector<1000x128xf32>
    %get3A_33 = arith.constant 0 : index
    %get3A_34 = arith.constant 128 : index
    %get3A_35 = vector.load %arg6[%get3A_33, %get3A_34] : memref<1x512xf32, #tpu.memory_space<vmem>>, vector<1x128xf32>
    %add3A_36 = vector.broadcast %get3A_35 : vector<1x128xf32> to vector<1000x128xf32>
    %add3A_37 = arith.addf %mul3A_32, %add3A_36 : vector<1000x128xf32>
    %convert_element_type3A_38 = arith.truncf %add3A_37 : vector<1000x128xf32> to vector<1000x128xbf16>
    %get3A_39 = arith.constant 128 : index
    %get3A_40 = arith.constant 0 : index
    %get3A_41 = vector.load %arg7[%get3A_39, %get3A_40] : memref<512x256xf32, #tpu.memory_space<vmem>>, vector<128x256xf32>
    %convert_element_type3A_42 = arith.truncf %get3A_41 : vector<128x256xf32> to vector<128x256xbf16>
    %dot_general3A_43 = arith.constant dense<0.000000e+00> : vector<1000x256xf32>
    %dot_general3A_44 = tpu.matmul %convert_element_type3A_38, %convert_element_type3A_42, %dot_general3A_43 {dimension_numbers = #tpu.dot_dimension_numbers<[1], [0], [0], [1], [0, 0, 1, 1], [], []>, transpose_lhs_hint = false} : vector<1000x128xbf16>, vector<128x256xbf16>, vector<1000x256xf32> -> vector<1000x256xf32>
    %add3A_45 = arith.addf %add3A_27, %dot_general3A_44 : vector<1000x256xf32>
    %get3A_46 = arith.constant 0 : index
    %get3A_47 = arith.constant 0 : index
    %get3A_48 = vector.load %arg3[%get3A_46, %get3A_47] : memref<1000x128xf32, #tpu.memory_space<vmem>>, vector<1000x128xf32>
    %mul3A_49 = vector.broadcast %reshape3A : vector<1000x1xf32> to vector<1000x128xf32>
    %mul3A_50 = arith.mulf %get3A_48, %mul3A_49 : vector<1000x128xf32>
    %get3A_51 = arith.constant 0 : index
    %get3A_52 = arith.constant 256 : index
    %get3A_53 = vector.load %arg6[%get3A_51, %get3A_52] : memref<1x512xf32, #tpu.memory_space<vmem>>, vector<1x128xf32>
    %add3A_54 = vector.broadcast %get3A_53 : vector<1x128xf32> to vector<1000x128xf32>
    %add3A_55 = arith.addf %mul3A_50, %add3A_54 : vector<1000x128xf32>
    %convert_element_type3A_56 = arith.truncf %add3A_55 : vector<1000x128xf32> to vector<1000x128xbf16>
    %get3A_57 = arith.constant 256 : index
    %get3A_58 = arith.constant 0 : index
    %get3A_59 = vector.load %arg7[%get3A_57, %get3A_58] : memref<512x256xf32, #tpu.memory_space<vmem>>, vector<128x256xf32>
    %convert_element_type3A_60 = arith.truncf %get3A_59 : vector<128x256xf32> to vector<128x256xbf16>
    %dot_general3A_61 = arith.constant dense<0.000000e+00> : vector<1000x256xf32>
    %dot_general3A_62 = tpu.matmul %convert_element_type3A_56, %convert_element_type3A_60, %dot_general3A_61 {dimension_numbers = #tpu.dot_dimension_numbers<[1], [0], [0], [1], [0, 0, 1, 1], [], []>, transpose_lhs_hint = false} : vector<1000x128xbf16>, vector<128x256xbf16>, vector<1000x256xf32> -> vector<1000x256xf32>
    %add3A_63 = arith.addf %add3A_45, %dot_general3A_62 : vector<1000x256xf32>
    %get3A_64 = arith.constant 0 : index
    %get3A_65 = arith.constant 0 : index
    %get3A_66 = vector.load %arg4[%get3A_64, %get3A_65] : memref<1000x128xf32, #tpu.memory_space<vmem>>, vector<1000x128xf32>
    %mul3A_67 = vector.broadcast %reshape3A : vector<1000x1xf32> to vector<1000x128xf32>
    %mul3A_68 = arith.mulf %get3A_66, %mul3A_67 : vector<1000x128xf32>
    %get3A_69 = arith.constant 0 : index
    %get3A_70 = arith.constant 384 : index
    %get3A_71 = vector.load %arg6[%get3A_69, %get3A_70] : memref<1x512xf32, #tpu.memory_space<vmem>>, vector<1x128xf32>
    %add3A_72 = vector.broadcast %get3A_71 : vector<1x128xf32> to vector<1000x128xf32>
    %add3A_73 = arith.addf %mul3A_68, %add3A_72 : vector<1000x128xf32>
    %convert_element_type3A_74 = arith.truncf %add3A_73 : vector<1000x128xf32> to vector<1000x128xbf16>
    %get3A_75 = arith.constant 384 : index
    %get3A_76 = arith.constant 0 : index
    %get3A_77 = vector.load %arg7[%get3A_75, %get3A_76] : memref<512x256xf32, #tpu.memory_space<vmem>>, vector<128x256xf32>
    %convert_element_type3A_78 = arith.truncf %get3A_77 : vector<128x256xf32> to vector<128x256xbf16>
    %dot_general3A_79 = arith.constant dense<0.000000e+00> : vector<1000x256xf32>
    %dot_general3A_80 = tpu.matmul %convert_element_type3A_74, %convert_element_type3A_78, %dot_general3A_79 {dimension_numbers = #tpu.dot_dimension_numbers<[1], [0], [0], [1], [0, 0, 1, 1], [], []>, transpose_lhs_hint = false} : vector<1000x128xbf16>, vector<128x256xbf16>, vector<1000x256xf32> -> vector<1000x256xf32>
    %add3A_81 = arith.addf %add3A_63, %dot_general3A_80 : vector<1000x256xf32>
    %tanh3A = math.tanh %add3A_81 : vector<1000x256xf32>
    %convert_element_type3A_82 = arith.truncf %tanh3A : vector<1000x256xf32> to vector<1000x256xbf16>
    %get3A_83 = arith.constant 0 : index
    %get3A_84 = arith.constant 0 : index
    %get3A_85 = vector.load %arg9[%get3A_83, %get3A_84] : memref<256x256xf32, #tpu.memory_space<vmem>>, vector<256x256xf32>
    %convert_element_type3A_86 = arith.truncf %get3A_85 : vector<256x256xf32> to vector<256x256xbf16>
    %dot_general3A_87 = arith.constant dense<0.000000e+00> : vector<1000x256xf32>
    %dot_general3A_88 = tpu.matmul %convert_element_type3A_82, %convert_element_type3A_86, %dot_general3A_87 {dimension_numbers = #tpu.dot_dimension_numbers<[1], [0], [0], [1], [0, 0, 1, 1], [], []>, transpose_lhs_hint = false} : vector<1000x256xbf16>, vector<256x256xbf16>, vector<1000x256xf32> -> vector<1000x256xf32>
    %get3A_89 = arith.constant 0 : index
    %get3A_90 = vector.load %arg10[%get3A_89] : memref<256xf32, #tpu.memory_space<vmem>>, vector<256xf32>
    %broadcast_in_dim3A_91 = vector.shape_cast %get3A_90 : vector<256xf32> to vector<1x256xf32>
    %add3A_92 = vector.broadcast %broadcast_in_dim3A_91 : vector<1x256xf32> to vector<1000x256xf32>
    %add3A_93 = arith.addf %dot_general3A_88, %add3A_92 : vector<1000x256xf32>
    %mul3A_94 = arith.mulf %add3A_93, %add3A_93 : vector<1000x256xf32>
    %reduce_sum3A = vector.shape_cast %mul3A_94 : vector<1000x256xf32> to vector<1x1000x256xf32>
    %reduce_sum3A_95 = arith.constant dense<0.000000e+00> : vector<1xf32>
    %reduce_sum3A_96 = vector.multi_reduction <add>, %reduce_sum3A, %reduce_sum3A_95 [1, 2] : vector<1x1000x256xf32> to vector<1xf32>
    %reduce_sum3A_97 = vector.shape_cast %reduce_sum3A_96 : vector<1xf32> to vector<1x1x1xf32>
    %reduce_sum3A_98 = vector.extract %reduce_sum3A_97[0, 0, 0] : f32 from vector<1x1x1xf32>
    %eq3A = arith.constant 0 : i32
    %eq3A_99 = arith.cmpi eq, %arg0, %eq3A : i32
    %convert_element_type3A_100 = arith.extui %eq3A_99 : i1 to i32
    %cond3A = arith.constant 0 : i32
    %cond3A_101 = arith.cmpi ne, %convert_element_type3A_100, %cond3A : i32
    scf.if %cond3A_101 {
      %swap3A_110 = arith.constant 0.000000e+00 : f32
      %swap3A_111 = arith.constant 0 : index
      %swap3A_112 = arith.constant 0 : index
      %swap3A_113 = memref.load %arg11[%swap3A_111, %swap3A_112] : memref<1x1xf32, #tpu.memory_space<smem>>
      memref.store %swap3A_110, %arg11[%swap3A_111, %swap3A_112] : memref<1x1xf32, #tpu.memory_space<smem>>
    } else {
    }
    %get3A_102 = arith.constant 0 : index
    %get3A_103 = arith.constant 0 : index
    %get3A_104 = memref.load %arg11[%get3A_102, %get3A_103] : memref<1x1xf32, #tpu.memory_space<smem>>
    %mul3A_105 = arith.constant 5.000000e-01 : f32
    %mul3A_106 = arith.mulf %mul3A_105, %reduce_sum3A_98 : f32
    %add3A_107 = arith.addf %get3A_104, %mul3A_106 : f32
    %swap3A = arith.constant 0 : index
    %swap3A_108 = arith.constant 0 : index
    %swap3A_109 = memref.load %arg11[%swap3A, %swap3A_108] : memref<1x1xf32, #tpu.memory_space<smem>>
    memref.store %add3A_107, %arg11[%swap3A, %swap3A_108] : memref<1x1xf32, #tpu.memory_space<smem>>
    return
  }
  func.func @transform_0(%arg0: i32) -> (i32, i32) {
    %c0_i32 = arith.constant 0 : i32
    %c0_i32_0 = arith.constant 0 : i32
    return %arg0, %c0_i32 : i32, i32
  }
  func.func @transform_1(%arg0: i32) -> (i32, i32) {
    %c0_i32 = arith.constant 0 : i32
    %c0_i32_0 = arith.constant 0 : i32
    return %arg0, %c0_i32 : i32, i32
  }
  func.func @transform_2(%arg0: i32) -> (i32, i32) {
    %c0_i32 = arith.constant 0 : i32
    %c0_i32_0 = arith.constant 0 : i32
    return %arg0, %c0_i32 : i32, i32
  }
  func.func @transform_3(%arg0: i32) -> (i32, i32) {
    %c0_i32 = arith.constant 0 : i32
    %c0_i32_0 = arith.constant 0 : i32
    return %arg0, %c0_i32 : i32, i32
  }
  func.func @transform_4(%arg0: i32) -> (i32, i32) {
    %c0_i32 = arith.constant 0 : i32
    %c0_i32_0 = arith.constant 0 : i32
    return %arg0, %c0_i32 : i32, i32
  }
  func.func @transform_5(%arg0: i32) -> (i32, i32) {
    %c0_i32 = arith.constant 0 : i32
    %c0_i32_0 = arith.constant 0 : i32
    %c0_i32_1 = arith.constant 0 : i32
    return %c0_i32, %c0_i32_0 : i32, i32
  }
  func.func @transform_6(%arg0: i32) -> (i32, i32) {
    %c0_i32 = arith.constant 0 : i32
    %c0_i32_0 = arith.constant 0 : i32
    %c0_i32_1 = arith.constant 0 : i32
    return %c0_i32, %c0_i32_0 : i32, i32
  }
  func.func @transform_7(%arg0: i32) -> i32 {
    %c0_i32 = arith.constant 0 : i32
    %c0_i32_0 = arith.constant 0 : i32
    return %c0_i32 : i32
  }
  func.func @transform_8(%arg0: i32) -> (i32, i32) {
    %c0_i32 = arith.constant 0 : i32
    %c0_i32_0 = arith.constant 0 : i32
    %c0_i32_1 = arith.constant 0 : i32
    return %c0_i32, %c0_i32_0 : i32, i32
  }
  func.func @transform_9(%arg0: i32) -> i32 {
    %c0_i32 = arith.constant 0 : i32
    %c0_i32_0 = arith.constant 0 : i32
    return %c0_i32 : i32
  }
  func.func @transform_10(%arg0: i32) -> (i32, i32) {
    %c0_i32 = arith.constant 0 : i32
    %c0_i32_0 = arith.constant 0 : i32
    %c0_i32_1 = arith.constant 0 : i32
    return %c0_i32, %c0_i32_0 : i32, i32
  }
}

</mosaic_0001>

<sc_bundles>
// kernel: kernel.6.cloned.1.call-start
scs
__scs_entry_jumppad:
0x0: {  	(pc) =	sbr.rel $0x88, $3  }
0x1: {  	(tag) =	ssettag $0x0;
	lr =	simm.s32 $0x1  }
0x2: {  	[smem:$0x3F96] =	sst lr;
	_ =	strace $0xD0000000  }
0x3: {  	_ = 	snop  }
0x4: {  	_ = 	snop  }
0x5: {  	_ = 	snop  }
0x6: {  	_ = 	snop  }
0x7: {  	_ = 	snop  }
__scs_overlays_trampoline_lowered:
0x8: {  	[smem:$0x3FA5] =	sst s0  }
0x9: {  	[smem:$0x3FA6] =	sst s1  }
0xa: {  	[smem:$0x3FA7] =	sst s2  }
0xb: {  	[smem:$0x3FA8] =	sst s3  }
0xc: {  	[smem:$0x3FA9] =	sst s4  }
0xd: {  	[smem:$0x3FAA] =	sst s5  }
0xe: {  	[smem:$0x3FAB] =	sst s6  }
0xf: {  	[smem:$0x3FAC] =	sst s7  }
0x10: {  	[smem:$0x3FAD] =	sst s8  }
0x11: {  	[smem:$0x3FAE] =	sst s9;
	s0 =	simm.s32 @!p0 $0x0  }
0x12: {  	s1 =	sld [smem:$0x3F94];
	s0 =	simm.s32 @p0 $0x1  }
0x13: {  	[smem:$0x3FAF] =	sst s0;
	s0 =	simm.s32 @!p1 $0x0  }
0x14: {  	s2 =	sld [smem:$0x3F93];
	s0 =	simm.s32 @p1 $0x1  }
0x15: {  	[smem:$0x3FB0] =	sst s0;
	s0 =	simm.s32 @!p2 $0x0  }
0x16: {  	s3 =	sld [smem:$0x3FDB];
	s0 =	simm.s32 @p2 $0x1  }
0x17: {  	s4 =	simm.s32 $0x1BF5;
	[smem:$0x3FB2] =	sst s0  }
0x18: {  	s0 =	sld [smem:$0x3F95];
	_ =	swait.ge [sflag:s4], $0x0  }
0x19: {  	s7 =	sld [smem:$0x3F96]  }
0x1a: {  	s8 =	sadd.s32 $0xFFFFE003, lr  }
0x1b: {  	s9 =	sadd.s32 $0xFFFFFEF7, lr;
	s5 =	simm.s32 $0xFFFFFFFF;
	p2 =	slt.u32 s8, $0xFFFFF086  }
0x1c: {  	p1 =	slt.u32 s9, $0xF7A;
	s5 =	simm.s32 @!p2 $0x0  }
0x1d: {  	s5 =	simm.s32 @p1 $0x1;
	p0 =	seq.s32 s7, s2  }
0x1e: {  	s7 =	smul.u32 @!p0 $0xF7A, s2;
	p2 =	seq.s32 @!p0 s5, $0x0  }
0x1f: {  	s9 =	smul.u32 $0xF7A, s1;
	s8 =	simm.s32 @!p0 $0x1BF5;
	p2 =	por !p2, p0  }
0x20: {  	[sflag:s8] =	ssyncset.s32 @!p0 $0xFFFFF086;
	s6 =	sadd.s32 @!p0 s3, s7;
	s7 =	simm.s32 @!p0 $0x108  }
0x21: {  	s3 =	sadd.s32 s3, s9;
	s6 =	sadd.s32 @!p0 $0x88, s6;
	s7 =	simm.s32 @p2 $0x1082  }
0x22: {  	[simem:s7], [sflag:s8] =	dma.local @!p0 [hbm:s6], $0xF7A  }
0x23: {  	s9 =	sor.u32 $0xD0000000, s2;
	s6 =	simm.s32 $0x108;
	_ =	swait.ge @!p0 [sflag:s8], $0x0  }
0x24: {  	s3 =	sadd.s32 $0x88, s3;
	s6 =	simm.s32 @!p1 $0x1082;
	[sflag:s4] =	ssyncset.s32 $0xFFFFF086  }
0x25: {  	[simem:s6], [sflag:s4] =	dma.local [hbm:s3], $0xF7A  }
0x26: {  	[smem:$0x3F96] =	sst s1;
	(tag) =	ssettag s2;
	_ =	strace s9  }
0x27: {  	s1 =	sld [smem:$0x3FA6]  }
0x28: {  	s2 =	sld [smem:$0x3FA7]  }
0x29: {  	s4 =	sld [smem:$0x3FA9]  }
0x2a: {  	p0 =	seq.s32 s5, $0x0;
	s5 =	sld [smem:$0x3FAA]  }
0x2b: {  	s6 =	sld [smem:$0x3FAB]  }
0x2c: {  	s7 =	sld [smem:$0x3FAC]  }
0x2d: {  	s3 =	simm.s32 $0x108;
	s8 =	sld [smem:$0x3FAD]  }
0x2e: {  	s3 =	simm.s32 @!p0 $0x1082;
	s9 =	sld [smem:$0x3FAE]  }
0x2f: {  	lr =	sadd.s32 s0, s3;
	s0 =	sld [smem:$0x3FA5]  }
0x30: {  	s3 =	sld [smem:$0x3FA8]  }
0x31: {  	[smem:$0x3FB1] =	sst s10  }
0x32: {  	s10 =	sld [smem:$0x3FAF];
	_ =	sdelay $0x3  }
0x33: {  	p0 =	seq.s32 s10, $0x1;
	s10 =	sld [smem:$0x3FB1];
	_ =	sdelay $0x3  }
0x34: {  	[smem:$0x3FB1] =	sst s10  }
0x35: {  	s10 =	sld [smem:$0x3FB0];
	_ =	sdelay $0x3  }
0x36: {  	p1 =	seq.s32 s10, $0x1;
	s10 =	sld [smem:$0x3FB1];
	_ =	sdelay $0x3  }
0x37: {  	[smem:$0x3FB1] =	sst s10  }
0x38: {  	s10 =	sld [smem:$0x3FB2]  }
0x39: {  	_ = 	snop;
	(pc) =	sbr.ind lr, $3  }
0x3a: {  	_ = 	snop  }
0x3b: {  	_ = 	snop  }
0x3c: {  	p2 =	seq.s32 s10, $0x1;
	s10 =	sld [smem:$0x3FB1]  }
0x3d: {  	_ =	shalt  }
0x3e: {  	_ =	shalt  }
0x3f: {  	_ =	shalt  }
0x40: {  	_ =	shalt  }
0x41: {  	_ =	shalt  }
0x42: {  	_ =	shalt  }
0x43: {  	_ =	shalt  }
0x44: {  	_ =	shalt  }
0x45: {  	_ =	shalt  }
0x46: {  	_ =	shalt  }
0x47: {  	_ =	shalt  }
0x48: {  	_ =	shalt  }
0x49: {  	_ =	shalt  }
0x4a: {  	_ =	shalt  }
0x4b: {  	_ =	shalt  }
0x4c: {  	_ =	shalt  }
0x4d: {  	_ =	shalt  }
0x4e: {  	_ =	shalt  }
0x4f: {  	_ =	shalt  }
0x50: {  	_ =	shalt  }
0x51: {  	_ =	shalt  }
0x52: {  	_ =	shalt  }
0x53: {  	_ =	shalt  }
0x54: {  	_ =	shalt  }
0x55: {  	_ =	shalt  }
0x56: {  	_ =	shalt  }
0x57: {  	_ =	shalt  }
0x58: {  	_ =	shalt  }
0x59: {  	_ =	shalt  }
0x5a: {  	_ =	shalt  }
0x5b: {  	_ =	shalt  }
0x5c: {  	_ =	shalt  }
0x5d: {  	_ =	shalt  }
0x5e: {  	_ =	shalt  }
0x5f: {  	_ =	shalt  }
0x60: {  	_ =	shalt  }
0x61: {  	_ =	shalt  }
0x62: {  	_ =	shalt  }
0x63: {  	_ =	shalt  }
0x64: {  	_ =	shalt  }
0x65: {  	_ =	shalt  }
0x66: {  	_ =	shalt  }
0x67: {  	_ =	shalt  }
0x68: {  	_ =	shalt  }
0x69: {  	_ =	shalt  }
0x6a: {  	_ =	shalt  }
0x6b: {  	_ =	shalt  }
0x6c: {  	_ =	shalt  }
0x6d: {  	_ =	shalt  }
0x6e: {  	_ =	shalt  }
0x6f: {  	_ =	shalt  }
0x70: {  	_ =	shalt  }
0x71: {  	_ =	shalt  }
0x72: {  	_ =	shalt  }
0x73: {  	_ =	shalt  }
0x74: {  	_ =	shalt  }
0x75: {  	_ =	shalt  }
0x76: {  	_ =	shalt  }
0x77: {  	_ =	shalt  }
0x78: {  	_ =	shalt  }
0x79: {  	_ =	shalt  }
0x7a: {  	_ =	shalt  }
0x7b: {  	_ =	shalt  }
0x7c: {  	_ =	shalt  }
0x7d: {  	_ =	shalt  }
0x7e: {  	_ =	shalt  }
0x7f: {  	_ =	shalt  }
0x80: {  	_ =	shalt  }
0x81: {  	_ =	shalt  }
0x82: {  	_ =	shalt  }
0x83: {  	_ =	shalt  }
0x84: {  	_ =	shalt  }
0x85: {  	_ =	shalt  }
0x86: {  	_ =	shalt  }
0x87: {  	_ =	shalt  }
.Lfunc_end0:
.L_simem_size_0:
called_computation_lowered:
.L_overlay_start_0:
0x88: {  	s2 =	sld [smem:$0x3FD9]  }
0x89: {  	s3 =	sld [smem:$0x3FFE];
	_ =	sdelay $0x1  }
0x8a: {  	s1 =	srdreg.scid  }
0x8b: {  	s0 =	sand.u32 $0x1, s1  }
0x8c: {  	s16 =	sshll.u32 s0, $0xA;
	s2 =	sadd.s32 s3, s2  }
0x8d: {  	s2 =	sadd.s32 s2, s16  }
0x8e: {  	[smem:$0x3FBD] =	sst s2  }
0x8f: {  	_ = 	snop  }
0x90: {  	(tm) =	ssettm $0x1  }
0x91: {  	s17 =	sld [smem:$0x3FFB];
	_ =	sdelay $0x3  }
0x92: {  	_ =	strace s17  }
0x93: {  	s2 =	sld [smem:$0x3FFC];
	_ =	sdelay $0x3  }
0x94: {  	_ =	strace s2  }
0x95: {  	s2 =	sld [smem:$0x3FFD];
	_ =	sdelay $0x3  }
0x96: {  	_ =	strace s2  }
0x97: {  	_ =	strace $0x8FFFFFFF  }
0x98: {  	s18 =	sld [smem:$0x3FDB];
	_ =	sdelay $0x1  }
0x99: {  	s19 =	simm.s32 $_scs_section_size  }
0x9a: {  	s4 =	simm.s32 $_size__tile_overlayer_lowered;
	s5 =	simm.s32 $_tile_overlayer_lowered  }
0x9b: {  	s22 =	simm.s32 $0x1BFF;
	s21 =	sshll.u32 s5, $0x1;
	s2 =	sadd.s32 s19, s18  }
0x9c: {  	s6 =	simm.s32 $0x0;
	s20 =	sshll.u32 s4, $0x1;
	s4 =	sadd.s32 s21, s2  }
0x9d: {  	[timem:s6], [sflag:s22] =	dma.local [hbm:s4], s20  }
0x9e: {  	_ =	swait.ge [sflag:s22], s20  }
0x9f: {  	s3 =	ssub.s32 $0x0, s20;
	[sflag:s22] =	ssyncset.done $0x0  }
0xa0: {  	[sflag:s22] =	ssyncadd.s32 s3;
	_ =	sdelay $0x1  }
0xa1: {  	s23 =	simm.s32 $0x1B8B  }
0xa2: {  	_ =	swait.ge [sflag:s23], $0x1  }
0xa3: {  	[sflag:s23] =	ssyncset.done $0x0  }
0xa4: {  	s25 =	simm.s32 $0x1B8E;
	s24 =	sld [smem:$0x3FFE];
	[sflag:s23] =	ssyncadd.s32 $0xFFFFFFFF  }
0xa5: {  	s26 =	simm.s32 $execute0_lowered;
	[smem:$0x3FD2] =	sst s25  }
0xa6: {  	s4 =	sshll.u32 s26, $0x1;
	_ =	strace $0x80000046;
	[dreg:$0x1] =	wrdreg $0xFFFFFFFF  }
0xa7: {  	s28 =	simm.s32 $_size_execute0_lowered;
	s2 =	sadd.s32 s2, s4;
	[dreg:$0x0] =	wrdreg $0x0  }
0xa8: {  	s4 =	sshll.u32 s28, $0x1;
	[dreg:$0x2] =	wrdreg s2  }
0xa9: {  	[dreg:$0x3] =	wrdreg s4  }
0xaa: {  	[dreg:$0x4] =	wrdreg $0xC0  }
0xab: {  	_ =	task [dreg:s6], $0x5FFFF  }
0xac: {  	[dreg:$0x1] =	wrdreg $0xFFFFFFFF  }
0xad: {  	[dreg:$0x0] =	wrdreg $0x60  }
0xae: {  	[dreg:$0x2] =	wrdreg s24  }
0xaf: {  	[dreg:$0x3] =	wrdreg $0x3E800  }
0xb0: {  	[dreg:$0x4] =	wrdreg $0x41000  }
0xb1: {  	[dreg:$0x5] =	wrdreg $0x9  }
0xb2: {  	_ =	task.clear_ibuf [dreg:s6], $0x6FFFF;
	_ =	strace $0x90000046  }
0xb3: {  	s29 =	simm.s32 $0x9;
	_ =	strace $0x80000048  }
0xb4: {  	_ =	swait.ge [sflag:s29], $0x1  }
0xb5: {  	[sflag:s29] =	ssyncadd.s32 $0xFFFFFFFF  }
0xb6: {  	_ =	strace $0x90000048  }
0xb7: {  	_ =	sfence  }
0xb8: {  	s30 =	sld [smem:$0x0];
	_ =	sdelay $0x2  }
0xb9: {  	s31 =	sshll.u32 s1, $0xD;
	s1 =	sshrl.u32 s1, $0x2  }
0xba: {  	s3 =	sand.u32 $0x4000, s31;
	s1 =	sadd.s32 s1, s30  }
0xbb: {  	s0 =	sor.u32 s3, s0;
	s1 =	sshll.u32 s1, $0x11  }
0xbc: {  	s0 =	sor.u32 s1, s0  }
0xbd: {  	s0 =	sadd.s32 $0x8F2B, s0  }
0xbe: {  	[sflag:s0] =	ssyncadd.remote.s32 $0x1  }
0xbf: {  	_ =	sfence.sel $0xFFFF  }
0xc0: {  	[dreg:$0x0] =	wrdreg $0xFFFFFFFF;
	(pc) =	sbr.abs _section_cstart, $3  }
0xc1: {  	[dreg:$0x1] =	wrdreg $0xFFFFFFFF  }
0xc2: {  	_ =	task.clear_ibuf [dreg:s6], $0x2FFFF;
	_ =	strace $0x9FFFFFFF  }
0xc3: {  	(tm) =	ssettm $0x7FFFFFFF  }
tec
execute0_lowered:
.L_overlay_start_1:
0x0: {  	(tag) =	ssettag $0x1  }
0x1: {  	s5 =	rddreg [dreg:$0x0]  }
0x2: {  	s1 =	rddreg [dreg:$0x1]  }
0x3: {  	s2 =	rddreg [dreg:$0x2]  }
0x4: {  	s3 =	srdreg.scid;
	s0 =	rddreg [dreg:$0x3]  }
0x5: {  	s4 =	simm.s32 $0x0;
	s14 =	simm.s32 $0x80;
	s15 =	simm.s32 $0x400  }
0x6: {  	s16 =	simm.s32 $0x1400;
	s17 =	simm.s32 $0x2800;
	s20 =	simm.s32 $0x20  }
0x7: {  	s21 =	simm.s32 $0x10;
	s6 =	sand.u32 $0x1, s3;
	s3 =	stileid.u32  }
0x8: {  	s23 =	simm.s32 $0x0;
	[smem:$0x7FF] =	sst s4;
	s7 =	smul.u32 $0x5000, s6  }
0x9: {  	s10 =	sadd.s32 $0x3200, s5;
	s8 =	smul.u32 $0x500, s3;
	s9 =	sshll.u32 s6, $0x4  }
0xa: {  	_ =	strace $0x80000047;
	s29 =	sshll.u32 s3, $0x7;
	s6 =	ssub.s32 $0x2, s6  }
0xb: {  	s11 =	smul.u32 $0x280, s3;
	s18 =	sshll.u32 s3, $0x6;
	s9 =	sor.u32 s3, s9  }
0xc: {  	s30 =	sshrl.u32 s6, $0x1;
	s18 =	sor.u32 $0x1C01, s18;
	s7 =	sadd.s32 s8, s7  }
0xd: {  	s28 =	sshrl.u32 s9, $0x3;
	s9 =	sand.u32 $0x380, s29;
	s13 =	ssub.s32 s6, s30  }
0xe: {  	s6 =	sadd.s32 s11, s2;
	s7 =	sshrl.u32 s7, $0x3;
	s8 =	smul.u32 $0xA000, s28  }
0xf: {  	s22 =	sshrl.u32 s6, $0x3;
	s12 =	sadd.s32 s7, s5;
	s5 =	sadd.s32 s11, s1  }
0x10: {  	s11 =	smax.u32 s13, $0x1;
	s13 =	simm.s32 $0x1;
	s31 =	sor.u32 s9, s8  }
0x11: {  	s9 =	sadd.s32 $0xD200, s12;
	s8 =	sadd.s32 $0x28000, s31;
	s7 =	sshrl.u32 s31, $0x3  }
0x12: {  	s19 =	sshrl.u32 s5, $0x3;
	s8 =	sshrl.u32 s8, $0x3;
	s7 =	sadd.s32 s10, s7  }
0x13: {  	v0 =	vimm.f32 $0.0e+00;
	v1 =	vimm.f32 $1.000000000e+00;
	s8 =	sadd.s32 s10, s8;
	s10 =	sadd.s32 $0xD210, s12;
	s12 =	simm.s32 $0x3C00  }
.LBB2_1:
0x14: {  	[tilespmem:$0x3C00] =	vst v0  }
0x15: {  	[tilespmem:$0x3C10] =	vst v0  }
0x16: {  	[tilespmem:$0x3C20] =	vst v0  }
0x17: {  	[tilespmem:$0x3C30] =	vst v0  }
0x18: {  	[tilespmem:$0x3C40] =	vst v0  }
0x19: {  	[tilespmem:$0x3C50] =	vst v0  }
0x1a: {  	[tilespmem:$0x3C60] =	vst v0  }
0x1b: {  	[tilespmem:$0x3C70] =	vst v0  }
0x1c: {  	[tilespmem:$0x3C80] =	vst v0  }
0x1d: {  	[tilespmem:$0x3C90] =	vst v0  }
0x1e: {  	[tilespmem:$0x3CA0] =	vst v0  }
0x1f: {  	[tilespmem:$0x3CB0] =	vst v0  }
0x20: {  	[tilespmem:$0x3CC0] =	vst v0  }
0x21: {  	[tilespmem:$0x3CD0] =	vst v0  }
0x22: {  	[tilespmem:$0x3CE0] =	vst v0  }
0x23: {  	[tilespmem:$0x3CF0] =	vst v0  }
0x24: {  	[tilespmem:$0x3D00] =	vst v0  }
0x25: {  	[tilespmem:$0x3D10] =	vst v0  }
0x26: {  	[tilespmem:$0x3D20] =	vst v0  }
0x27: {  	[tilespmem:$0x3D30] =	vst v0  }
0x28: {  	[tilespmem:$0x3D40] =	vst v0  }
0x29: {  	[tilespmem:$0x3D50] =	vst v0  }
0x2a: {  	[tilespmem:$0x3D60] =	vst v0  }
0x2b: {  	[tilespmem:$0x3D70] =	vst v0  }
0x2c: {  	[tilespmem:$0x3D80] =	vst v0  }
0x2d: {  	[tilespmem:$0x3D90] =	vst v0  }
0x2e: {  	[tilespmem:$0x3DA0] =	vst v0  }
0x2f: {  	[tilespmem:$0x3DB0] =	vst v0  }
0x30: {  	[tilespmem:$0x3DC0] =	vst v0  }
0x31: {  	[tilespmem:$0x3DD0] =	vst v0  }
0x32: {  	[tilespmem:$0x3DE0] =	vst v0  }
0x33: {  	[tilespmem:$0x3DF0] =	vst v0  }
0x34: {  	[tilespmem:$0x3E00] =	vst v0  }
0x35: {  	[tilespmem:$0x3E10] =	vst v0  }
0x36: {  	[tilespmem:$0x3E20] =	vst v0  }
0x37: {  	[tilespmem:$0x3E30] =	vst v0  }
0x38: {  	[tilespmem:$0x3E40] =	vst v0  }
0x39: {  	[tilespmem:$0x3E50] =	vst v0  }
0x3a: {  	[tilespmem:$0x3E60] =	vst v0  }
0x3b: {  	[tilespmem:$0x3E70] =	vst v0  }
0x3c: {  	[spmem:s5] =	stream.linear.scatter [tilespmem:s12], [sflag:$0x1], $0x280, $0x38;
	[tilespmem:$0x4380] =	vst v63  }
0x3d: {  	_ =	swait.ge [sflag:s13], $0x280  }
0x3e: {  	[sflag:s13] =	ssyncset.done $0x0  }
0x3f: {  	[sflag:s13] =	ssyncadd.s32 $0xFFFFFD80  }
0x40: {  	[spmem:s6] =	stream.linear.scatter [tilespmem:s12], [sflag:$0x1], $0x280, $0x38;
	[tilespmem:$0x4380] =	vst v63  }
0x41: {  	_ =	swait.ge [sflag:s13], $0x280  }
0x42: {  	[sflag:s13] =	ssyncset.done $0x0  }
0x43: {  	[sflag:s13] =	ssyncadd.s32 $0xFFFFFD80  }
0x44: {  	[tilespmem:s4], [sflag:$0x1] =	stream.strided.gather [hbm4b:s7+s14], $0x1400, s15, s14, $0x38;
	[tilespmem:$0x4380] =	vst v63  }
0x45: {  	_ =	swait.ge [sflag:s13], $0x1400  }
0x46: {  	[sflag:s13] =	ssyncset.done $0x0  }
0x47: {  	[sflag:s13] =	ssyncadd.s32 $0xFFFFEC00  }
0x48: {  	[tilespmem:s16], [sflag:$0x1] =	stream.strided.gather [hbm4b:s8+s14], $0x1400, s15, s14, $0x38;
	[tilespmem:$0x4380] =	vst v63  }
0x49: {  	_ =	swait.ge [sflag:s13], $0x1400  }
0x4a: {  	[sflag:s13] =	ssyncset.done $0x0  }
0x4b: {  	s24 =	simm.s32 $0x40;
	s25 =	simm.s32 $0x0;
	[sflag:s13] =	ssyncadd.s32 $0xFFFFEC00  }
.LBB2_2:
0x4c: {  	p0 =	sne.s32 s24, $0x4FC0;
	[tilespmem:s25+$0x2800] =	vst v1;
	s25 =	smov.u32 s24;
	s24 =	sadd.s32 $0x40, s24  }
.Ltmp0:
0x4d: {  	(pc) =	sbr.rel @p0 .LBB2_2-.Ltmp0, $2  }
0x4e: {  	_ =	sdelay $0x2  }
0x4f: {  	s25 =	sshra.s32 s25, $0x2  }
0x50: {  	[tilespmem:s25+$0x2800] =	vst v1  }
0x51: {  	[bflag:$0x0] =	sbarrier.arrive $0xFFFF  }
0x52: {  	[spmem:s1] =	stream.indirect.scatter.add.f32 [tilespmem:s17], [sflag:$0x1], $0x1, s4, s16, $0xb8;
	[tilespmem:$0x4380] =	vst v63  }
0x53: {  	_ =	swait.ge [sflag:s13], $0x1400  }
0x54: {  	[sflag:s13] =	ssyncset.done $0x0  }
0x55: {  	[sflag:s13] =	ssyncadd.s32 $0xFFFFEC00  }
0x56: {  	[spmem:s2] =	stream.indirect.scatter.add.f32 [tilespmem:s17], [sflag:$0x1], $0x1, s16, s16, $0xb8;
	[tilespmem:$0x4380] =	vst v63  }
0x57: {  	_ =	swait.ge [sflag:s13], $0x1400  }
0x58: {  	[sflag:s13] =	ssyncset.done $0x0  }
0x59: {  	[sflag:s13] =	ssyncadd.s32 $0xFFFFEC00  }
0x5a: {  	[bflag:$0x0] =	sbarrier.arrive $0xFFFF  }
0x5b: {  	[hbm:s9@s20], [sflag:s18] =	dma.strided [spmem:s19@s21], $0x50, s13, $0x10   }
0x5c: {  	s23 =	sadd.s32 $0x1, s23;
	_ =	swait.ge [sflag:s13], $0x50  }
0x5d: {  	p0 =	sne.s32 s23, s11;
	[sflag:s13] =	ssyncset.done $0x0  }
.Ltmp1:
0x5e: {  	[sflag:s13] =	ssyncadd.s32 $0xFFFFFFB0;
	(pc) =	sbr.rel @p0 .LBB2_1-.Ltmp1, $4  }
0x5f: {  	[hbm:s10@s20], [sflag:s18] =	dma.strided [spmem:s22@s21], $0x50, s13, $0x10   }
0x60: {  	_ =	swait.ge [sflag:s13], $0x50  }
0x61: {  	[sflag:s13] =	ssyncset.done $0x0  }
0x62: {  	[sflag:s13] =	ssyncadd.s32 $0xFFFFFFB0  }
0x63: {  	_ =	sfence.sel $0x180000  }
0x64: {  	[bflag:$0x0] =	sbarrier.arrive $0xFFFF  }
0x65: {  	p0 =	sne.s32 s3, $0x0;
	_ =	strace $0x90000047  }
0x66: {  	s0 =	sadd.s32 @!p0 $0x100000, s0;
	[bflag:$0x2] =	sbarrier.arrive $0xFFFF  }
0x67: {  	[sflag:s0] =	ssyncadd.tile.s32 @!p0 $0x1;
	_ =	shalt  }
.Lfunc_end2:
_tile_overlayer_lowered:
.L_overlay_start_2:
0x68: {  	(tag) =	ssettag $0x2  }
0x69: {  	s0 =	rddreg [dreg:$0x0];
	s2 =	stileid.u32  }
0x6a: {  	s1 =	rddreg [dreg:$0x1];
	p0 =	sne.s32 s2, $0x0  }
0x6b: {  	s3 =	rddreg [dreg:$0x2];
	[bflag:$0x3] =	sbarrier.arrive $0xFFFF;
	s2 =	simm.s32 @!p0 $0x1C01  }
0x6c: {  	[timem:s3], [sflag:s2] =	dma.local @!p0 [hbm:s0], s1  }
0x6d: {  	s0 =	simm.s32 @!p0 $0x1  }
0x6e: {  	_ =	swait.ge @!p0 [sflag:s0], s1  }
0x6f: {  	s1 =	ssub.s32 @!p0 $0x0, s1;
	[sflag:s0] =	ssyncset.done @!p0 $0x0  }
0x70: {  	[sflag:s0] =	ssyncadd.s32 @!p0 s1  }
0x71: {  	[bflag:$0x3] =	sbarrier.arrive $0xFFFF  }
0x72: {  	_ =	shalt  }

// kernel: kernel.9.cloned.1.call-start
scs
__scs_entry_jumppad:
0x0: {  	(pc) =	sbr.rel $0x88, $3  }
0x1: {  	(tag) =	ssettag $0x0;
	lr =	simm.s32 $0x1  }
0x2: {  	[smem:$0x3F96] =	sst lr;
	_ =	strace $0xD0000000  }
0x3: {  	_ = 	snop  }
0x4: {  	_ = 	snop  }
0x5: {  	_ = 	snop  }
0x6: {  	_ = 	snop  }
0x7: {  	_ = 	snop  }
__scs_overlays_trampoline_lowered:
0x8: {  	[smem:$0x3FA5] =	sst s0  }
0x9: {  	[smem:$0x3FA6] =	sst s1  }
0xa: {  	[smem:$0x3FA7] =	sst s2  }
0xb: {  	[smem:$0x3FA8] =	sst s3  }
0xc: {  	[smem:$0x3FA9] =	sst s4  }
0xd: {  	[smem:$0x3FAA] =	sst s5  }
0xe: {  	[smem:$0x3FAB] =	sst s6  }
0xf: {  	[smem:$0x3FAC] =	sst s7  }
0x10: {  	[smem:$0x3FAD] =	sst s8  }
0x11: {  	[smem:$0x3FAE] =	sst s9;
	s0 =	simm.s32 @!p0 $0x0  }
0x12: {  	s1 =	sld [smem:$0x3F94];
	s0 =	simm.s32 @p0 $0x1  }
0x13: {  	[smem:$0x3FAF] =	sst s0;
	s0 =	simm.s32 @!p1 $0x0  }
0x14: {  	s2 =	sld [smem:$0x3F93];
	s0 =	simm.s32 @p1 $0x1  }
0x15: {  	[smem:$0x3FB0] =	sst s0;
	s0 =	simm.s32 @!p2 $0x0  }
0x16: {  	s3 =	sld [smem:$0x3FDB];
	s0 =	simm.s32 @p2 $0x1  }
0x17: {  	s4 =	simm.s32 $0x1BF5;
	[smem:$0x3FB2] =	sst s0  }
0x18: {  	s0 =	sld [smem:$0x3F95];
	_ =	swait.ge [sflag:s4], $0x0  }
0x19: {  	s7 =	sld [smem:$0x3F96]  }
0x1a: {  	s8 =	sadd.s32 $0xFFFFE003, lr  }
0x1b: {  	s9 =	sadd.s32 $0xFFFFFEF7, lr;
	s5 =	simm.s32 $0xFFFFFFFF;
	p2 =	slt.u32 s8, $0xFFFFF086  }
0x1c: {  	p1 =	slt.u32 s9, $0xF7A;
	s5 =	simm.s32 @!p2 $0x0  }
0x1d: {  	s5 =	simm.s32 @p1 $0x1;
	p0 =	seq.s32 s7, s2  }
0x1e: {  	s7 =	smul.u32 @!p0 $0xF7A, s2;
	p2 =	seq.s32 @!p0 s5, $0x0  }
0x1f: {  	s9 =	smul.u32 $0xF7A, s1;
	s8 =	simm.s32 @!p0 $0x1BF5;
	p2 =	por !p2, p0  }
0x20: {  	[sflag:s8] =	ssyncset.s32 @!p0 $0xFFFFF086;
	s6 =	sadd.s32 @!p0 s3, s7;
	s7 =	simm.s32 @!p0 $0x108  }
0x21: {  	s3 =	sadd.s32 s3, s9;
	s6 =	sadd.s32 @!p0 $0x88, s6;
	s7 =	simm.s32 @p2 $0x1082  }
0x22: {  	[simem:s7], [sflag:s8] =	dma.local @!p0 [hbm:s6], $0xF7A  }
0x23: {  	s9 =	sor.u32 $0xD0000000, s2;
	s6 =	simm.s32 $0x108;
	_ =	swait.ge @!p0 [sflag:s8], $0x0  }
0x24: {  	s3 =	sadd.s32 $0x88, s3;
	s6 =	simm.s32 @!p1 $0x1082;
	[sflag:s4] =	ssyncset.s32 $0xFFFFF086  }
0x25: {  	[simem:s6], [sflag:s4] =	dma.local [hbm:s3], $0xF7A  }
0x26: {  	[smem:$0x3F96] =	sst s1;
	(tag) =	ssettag s2;
	_ =	strace s9  }
0x27: {  	s1 =	sld [smem:$0x3FA6]  }
0x28: {  	s2 =	sld [smem:$0x3FA7]  }
0x29: {  	s4 =	sld [smem:$0x3FA9]  }
0x2a: {  	p0 =	seq.s32 s5, $0x0;
	s5 =	sld [smem:$0x3FAA]  }
0x2b: {  	s6 =	sld [smem:$0x3FAB]  }
0x2c: {  	s7 =	sld [smem:$0x3FAC]  }
0x2d: {  	s3 =	simm.s32 $0x108;
	s8 =	sld [smem:$0x3FAD]  }
0x2e: {  	s3 =	simm.s32 @!p0 $0x1082;
	s9 =	sld [smem:$0x3FAE]  }
0x2f: {  	lr =	sadd.s32 s0, s3;
	s0 =	sld [smem:$0x3FA5]  }
0x30: {  	s3 =	sld [smem:$0x3FA8]  }
0x31: {  	[smem:$0x3FB1] =	sst s10  }
0x32: {  	s10 =	sld [smem:$0x3FAF];
	_ =	sdelay $0x3  }
0x33: {  	p0 =	seq.s32 s10, $0x1;
	s10 =	sld [smem:$0x3FB1];
	_ =	sdelay $0x3  }
0x34: {  	[smem:$0x3FB1] =	sst s10  }
0x35: {  	s10 =	sld [smem:$0x3FB0];
	_ =	sdelay $0x3  }
0x36: {  	p1 =	seq.s32 s10, $0x1;
	s10 =	sld [smem:$0x3FB1];
	_ =	sdelay $0x3  }
0x37: {  	[smem:$0x3FB1] =	sst s10  }
0x38: {  	s10 =	sld [smem:$0x3FB2]  }
0x39: {  	_ = 	snop;
	(pc) =	sbr.ind lr, $3  }
0x3a: {  	_ = 	snop  }
0x3b: {  	_ = 	snop  }
0x3c: {  	p2 =	seq.s32 s10, $0x1;
	s10 =	sld [smem:$0x3FB1]  }
0x3d: {  	_ =	shalt  }
0x3e: {  	_ =	shalt  }
0x3f: {  	_ =	shalt  }
0x40: {  	_ =	shalt  }
0x41: {  	_ =	shalt  }
0x42: {  	_ =	shalt  }
0x43: {  	_ =	shalt  }
0x44: {  	_ =	shalt  }
0x45: {  	_ =	shalt  }
0x46: {  	_ =	shalt  }
0x47: {  	_ =	shalt  }
0x48: {  	_ =	shalt  }
0x49: {  	_ =	shalt  }
0x4a: {  	_ =	shalt  }
0x4b: {  	_ =	shalt  }
0x4c: {  	_ =	shalt  }
0x4d: {  	_ =	shalt  }
0x4e: {  	_ =	shalt  }
0x4f: {  	_ =	shalt  }
0x50: {  	_ =	shalt  }
0x51: {  	_ =	shalt  }
0x52: {  	_ =	shalt  }
0x53: {  	_ =	shalt  }
0x54: {  	_ =	shalt  }
0x55: {  	_ =	shalt  }
0x56: {  	_ =	shalt  }
0x57: {  	_ =	shalt  }
0x58: {  	_ =	shalt  }
0x59: {  	_ =	shalt  }
0x5a: {  	_ =	shalt  }
0x5b: {  	_ =	shalt  }
0x5c: {  	_ =	shalt  }
0x5d: {  	_ =	shalt  }
0x5e: {  	_ =	shalt  }
0x5f: {  	_ =	shalt  }
0x60: {  	_ =	shalt  }
0x61: {  	_ =	shalt  }
0x62: {  	_ =	shalt  }
0x63: {  	_ =	shalt  }
0x64: {  	_ =	shalt  }
0x65: {  	_ =	shalt  }
0x66: {  	_ =	shalt  }
0x67: {  	_ =	shalt  }
0x68: {  	_ =	shalt  }
0x69: {  	_ =	shalt  }
0x6a: {  	_ =	shalt  }
0x6b: {  	_ =	shalt  }
0x6c: {  	_ =	shalt  }
0x6d: {  	_ =	shalt  }
0x6e: {  	_ =	shalt  }
0x6f: {  	_ =	shalt  }
0x70: {  	_ =	shalt  }
0x71: {  	_ =	shalt  }
0x72: {  	_ =	shalt  }
0x73: {  	_ =	shalt  }
0x74: {  	_ =	shalt  }
0x75: {  	_ =	shalt  }
0x76: {  	_ =	shalt  }
0x77: {  	_ =	shalt  }
0x78: {  	_ =	shalt  }
0x79: {  	_ =	shalt  }
0x7a: {  	_ =	shalt  }
0x7b: {  	_ =	shalt  }
0x7c: {  	_ =	shalt  }
0x7d: {  	_ =	shalt  }
0x7e: {  	_ =	shalt  }
0x7f: {  	_ =	shalt  }
0x80: {  	_ =	shalt  }
0x81: {  	_ =	shalt  }
0x82: {  	_ =	shalt  }
0x83: {  	_ =	shalt  }
0x84: {  	_ =	shalt  }
0x85: {  	_ =	shalt  }
0x86: {  	_ =	shalt  }
0x87: {  	_ =	shalt  }
.Lfunc_end0:
.L_simem_size_0:
called_computation.1_lowered:
.L_overlay_start_0:
0x88: {  	s2 =	sld [smem:$0x3FD9]  }
0x89: {  	s3 =	sld [smem:$0x3FFE];
	_ =	sdelay $0x1  }
0x8a: {  	s1 =	srdreg.scid  }
0x8b: {  	s0 =	sand.u32 $0x1, s1  }
0x8c: {  	s16 =	sshll.u32 s0, $0xA;
	s2 =	sadd.s32 s3, s2  }
0x8d: {  	s2 =	sadd.s32 s2, s16  }
0x8e: {  	[smem:$0x3FBD] =	sst s2  }
0x8f: {  	_ = 	snop  }
0x90: {  	(tm) =	ssettm $0x1  }
0x91: {  	s17 =	sld [smem:$0x3FFB];
	_ =	sdelay $0x3  }
0x92: {  	_ =	strace s17  }
0x93: {  	s2 =	sld [smem:$0x3FFC];
	_ =	sdelay $0x3  }
0x94: {  	_ =	strace s2  }
0x95: {  	s2 =	sld [smem:$0x3FFD];
	_ =	sdelay $0x3  }
0x96: {  	_ =	strace s2  }
0x97: {  	_ =	strace $0x8FFFFFFF  }
0x98: {  	s18 =	sld [smem:$0x3FDB];
	_ =	sdelay $0x1  }
0x99: {  	s19 =	simm.s32 $_scs_section_size  }
0x9a: {  	s4 =	simm.s32 $_size__tile_overlayer_lowered;
	s5 =	simm.s32 $_tile_overlayer_lowered  }
0x9b: {  	s22 =	simm.s32 $0x1BFF;
	s21 =	sshll.u32 s5, $0x1;
	s2 =	sadd.s32 s19, s18  }
0x9c: {  	s6 =	simm.s32 $0x0;
	s20 =	sshll.u32 s4, $0x1;
	s4 =	sadd.s32 s21, s2  }
0x9d: {  	[timem:s6], [sflag:s22] =	dma.local [hbm:s4], s20  }
0x9e: {  	_ =	swait.ge [sflag:s22], s20  }
0x9f: {  	s3 =	ssub.s32 $0x0, s20;
	[sflag:s22] =	ssyncset.done $0x0  }
0xa0: {  	[sflag:s22] =	ssyncadd.s32 s3;
	_ =	sdelay $0x1  }
0xa1: {  	s23 =	simm.s32 $0x1B8B  }
0xa2: {  	_ =	swait.ge [sflag:s23], $0x1  }
0xa3: {  	[sflag:s23] =	ssyncset.done $0x0  }
0xa4: {  	s25 =	simm.s32 $0x1B8E;
	s24 =	sld [smem:$0x3FFE];
	[sflag:s23] =	ssyncadd.s32 $0xFFFFFFFF  }
0xa5: {  	s26 =	simm.s32 $execute0_lowered;
	[smem:$0x3FD2] =	sst s25  }
0xa6: {  	s4 =	sshll.u32 s26, $0x1;
	_ =	strace $0x80000049;
	[dreg:$0x1] =	wrdreg $0xFFFFFFFF  }
0xa7: {  	s28 =	simm.s32 $_size_execute0_lowered;
	s2 =	sadd.s32 s2, s4;
	[dreg:$0x0] =	wrdreg $0x0  }
0xa8: {  	s4 =	sshll.u32 s28, $0x1;
	[dreg:$0x2] =	wrdreg s2  }
0xa9: {  	[dreg:$0x3] =	wrdreg s4  }
0xaa: {  	[dreg:$0x4] =	wrdreg $0xC0  }
0xab: {  	_ =	task [dreg:s6], $0x5FFFF  }
0xac: {  	[dreg:$0x1] =	wrdreg $0xFFFFFFFF  }
0xad: {  	[dreg:$0x0] =	wrdreg $0x60  }
0xae: {  	[dreg:$0x2] =	wrdreg s24  }
0xaf: {  	[dreg:$0x3] =	wrdreg $0xA8000  }
0xb0: {  	[dreg:$0x4] =	wrdreg $0x9  }
0xb1: {  	_ =	task.clear_ibuf [dreg:s6], $0x5FFFF;
	_ =	strace $0x90000049  }
0xb2: {  	s29 =	simm.s32 $0x9;
	_ =	strace $0x8000004B  }
0xb3: {  	_ =	swait.ge [sflag:s29], $0x1  }
0xb4: {  	[sflag:s29] =	ssyncadd.s32 $0xFFFFFFFF  }
0xb5: {  	_ =	strace $0x9000004B  }
0xb6: {  	_ =	sfence  }
0xb7: {  	s30 =	sld [smem:$0x0];
	_ =	sdelay $0x2  }
0xb8: {  	s31 =	sshll.u32 s1, $0xD;
	s1 =	sshrl.u32 s1, $0x2  }
0xb9: {  	s3 =	sand.u32 $0x4000, s31;
	s1 =	sadd.s32 s1, s30  }
0xba: {  	s0 =	sor.u32 s3, s0;
	s1 =	sshll.u32 s1, $0x11  }
0xbb: {  	s0 =	sor.u32 s1, s0  }
0xbc: {  	s0 =	sadd.s32 $0x8F2B, s0  }
0xbd: {  	[sflag:s0] =	ssyncadd.remote.s32 $0x1  }
0xbe: {  	_ =	sfence.sel $0xFFFF  }
0xbf: {  	[dreg:$0x0] =	wrdreg $0xFFFFFFFF;
	(pc) =	sbr.abs _section_cstart, $3  }
0xc0: {  	[dreg:$0x1] =	wrdreg $0xFFFFFFFF  }
0xc1: {  	_ =	task.clear_ibuf [dreg:s6], $0x2FFFF;
	_ =	strace $0x9FFFFFFF  }
0xc2: {  	(tm) =	ssettm $0x7FFFFFFF  }
0xc3: {  	_ =	shalt  }
tec
execute0_lowered:
.L_overlay_start_1:
0x0: {  	(tag) =	ssettag $0x1  }
0x1: {  	s0 =	rddreg [dreg:$0x0]  }
0x2: {  	s2 =	rddreg [dreg:$0x1];
	s3 =	simm.s32 $0x0  }
0x3: {  	s11 =	stileid.u32;
	s10 =	srdreg.scid;
	s22 =	simm.s32 $0x1400  }
0x4: {  	s23 =	simm.s32 $0x80;
	s28 =	simm.s32 $0x2;
	s29 =	simm.s32 $0x1380  }
0x5: {  	s30 =	simm.s32 $0x2700;
	s31 =	simm.s32 $0x2780;
	[smem:$0x7FF] =	sst s3  }
0x6: {  	s1 =	smul.u32 $0x2800, s11;
	s4 =	sadd.s32 $0x40600, s0;
	s5 =	sadd.s32 $0x67800, s0  }
0x7: {  	s6 =	sadd.s32 $0x8EA00, s0;
	s7 =	sadd.s32 $0xB5C00, s0;
	s8 =	smul.u32 $0x2780, s11  }
0x8: {  	s9 =	sadd.s32 $0x3200, s0;
	s20 =	sand.u32 $0x1, s10;
	s12 =	smul.u32 $0x4F000, s11  }
0x9: {  	s24 =	sadd.s32 $0x104600, s0;
	s26 =	sshll.u32 s11, $0x6;
	_ =	strace $0x8000004A  }
0xa: {  	[dreg:$0x3] =	wrdreg s24;
	s13 =	ssub.s32 $0x2, s20;
	s19 =	sor.u32 $0x1C03, s26  }
0xb: {  	p0 =	sne.s32 s20, $0x0;
	s24 =	simm.s32 $0x2800;
	s26 =	simm.s32 $0x6800  }
0xc: {  	s1 =	sshrl.u32 s1, $0x3;
	s17 =	sadd.s32 s8, s0;
	s25 =	sshrl.u32 s13, $0x1  }
0xd: {  	s12 =	sshrl.u32 s12, $0x2;
	s1 =	sadd.s32 s1, s0;
	s0 =	sadd.s32 $0x153600, s0  }
.Ltmp0:
0xe: {  	s21 =	sadd.s32 s12, s2;
	s16 =	sadd.s32 $0x12BE00, s17;
	(pc) =	sbr.rel .LBB2_1-.Ltmp0, $4  }
0xf: {  	s17 =	sadd.s32 $0xDCE00, s17;
	[dreg:$0x4] =	wrdreg s0;
	s0 =	ssub.s32 s13, s25  }
0x10: {  	s12 =	sadd.s32 $0xE600, s1;
	s13 =	sadd.s32 $0x13600, s1;
	s14 =	sadd.s32 $0xE880, s1  }
0x11: {  	s15 =	sadd.s32 $0x13880, s1;
	s20 =	sshrl.u32 s21, $0x3;
	s21 =	simm.s32 $0x3  }
0x12: {  	s25 =	simm.s32 $0x1;
	s18 =	smax.u32 s0, $0x1;
	s0 =	simm.s32 $0x0  }
.LBB2_19:
0x13: {  	[sflag:s21] =	ssyncadd.s32 $0xFFFFC000  }
0x14: {  	_ =	swait.ge [sflag:s25], $0x4000  }
0x15: {  	[sflag:s25] =	ssyncset.done $0x0  }
0x16: {  	[sflag:s25] =	ssyncadd.s32 $0xFFFFC000  }
0x17: {  	[tilespmem:s26], [sflag:$0x2] =	stream.indirect.gather [hbm4b:s7+s23], $0x80, s29, s23, $0xb8;
	[tilespmem:$0x1E400] =	vst v63  }
0x18: {  	_ = 	snop  }
0x19: {  	[spmem:s2] =	stream.indirect.scatter.add.f32 [tilespmem:s24], [sflag:$0x3], $0x80, s30, s23, $0xb8;
	[tilespmem:$0x1E400] =	vst v63  }
0x1a: {  	_ =	swait.ge [sflag:s21], $0x4000  }
0x1b: {  	[sflag:s21] =	ssyncset.done $0x0  }
0x1c: {  	[sflag:s21] =	ssyncadd.s32 $0xFFFFC000  }
0x1d: {  	_ =	swait.ge [sflag:s28], $0x4000  }
0x1e: {  	[sflag:s28] =	ssyncset.done $0x0  }
0x1f: {  	s1 =	rddreg [dreg:$0x4];
	[sflag:s28] =	ssyncadd.s32 $0xFFFFC000  }
0x20: {  	[spmem:s2] =	stream.indirect.scatter.add.f32 [tilespmem:s26], [sflag:$0x3], $0x80, s31, s23, $0xb8;
	[tilespmem:$0x1E400] =	vst v63  }
.LBB2_20:
0x21: {  	_ =	swait.ge [sflag:s21], $0x4000  }
0x22: {  	s0 =	sadd.s32 $0x1, s0;
	[sflag:s21] =	ssyncset.done $0x0  }
0x23: {  	p1 =	sne.s32 s0, s18;
	[sflag:s21] =	ssyncadd.s32 $0xFFFFC000  }
.Ltmp1:
0x24: {  	s1 =	sadd.s32 s1, s8;
	[bflag:$0x0] =	sbarrier.arrive $0xFFFF;
	(pc) =	sbr.rel @!p1 .LBB2_21-.Ltmp1, $4  }
0x25: {  	[hbm:s1], [sflag:s19] =	dma.local [spmem:s20], $0x2780  }
0x26: {  	_ =	swait.ge [sflag:s21], $0x2780  }
0x27: {  	[sflag:s21] =	ssyncset.done $0x0  }
0x28: {  	[sflag:s21] =	ssyncadd.s32 $0xFFFFD880  }
.LBB2_1:
0x29: {  	[spmem:s20], [sflag:s19] =	dma.local [hbm:s9], $0x2780  }
0x2a: {  	_ =	swait.ge [sflag:s21], $0x2780  }
0x2b: {  	[sflag:s21] =	ssyncset.done $0x0  }
0x2c: {  	[sflag:s21] =	ssyncadd.s32 $0xFFFFD880  }
0x2d: {  	[bflag:$0x0] =	sbarrier.arrive $0xFFFF  }
0x2e: {  	[tilespmem:s3], [sflag:$0x3] =	stream.linear.gather [hbm4b:s12+s3], $0x1400, $0x38;
	[tilespmem:$0x1E400] =	vst v63  }
0x2f: {  	_ =	swait.ge [sflag:s21], $0x1400  }
0x30: {  	[sflag:s21] =	ssyncset.done $0x0  }
.Ltmp2:
0x31: {  	[sflag:s21] =	ssyncadd.s32 $0xFFFFEC00;
	(pc) =	sbr.rel @p0 .LBB2_11-.Ltmp2, $4  }
0x32: {  	[tilespmem:s22], [sflag:$0x3] =	stream.linear.gather [hbm4b:s13+s3], $0x1400, $0x38;
	[tilespmem:$0x1E400] =	vst v63  }
0x33: {  	_ =	swait.ge [sflag:s21], $0x1400  }
0x34: {  	[sflag:s21] =	ssyncset.done $0x0  }
0x35: {  	[sflag:s21] =	ssyncadd.s32 $0xFFFFEC00  }
0x36: {  	[tilespmem:s24], [sflag:$0x1] =	stream.indirect.gather [hbm4b:s4+s23], $0x80, s3, s23, $0xb8;
	[tilespmem:$0x1E400] =	vst v63  }
0x37: {  	_ =	swait.ge [sflag:s25], $0x4000  }
0x38: {  	[sflag:s25] =	ssyncset.done $0x0  }
0x39: {  	s1 =	simm.s32 $0x80;
	[sflag:s25] =	ssyncadd.s32 $0xFFFFC000  }
0x3a: {  	[tilespmem:s26], [sflag:$0x2] =	stream.indirect.gather [hbm4b:s4+s23], $0x80, s1, s23, $0xb8;
	[tilespmem:$0x1E400] =	vst v63  }
0x3b: {  	s11 =	simm.s32 $0x1400  }
0x3c: {  	[spmem:s2] =	stream.indirect.scatter.add.f32 [tilespmem:s24], [sflag:$0x3], $0x80, s11, s23, $0xb8;
	[tilespmem:$0x1E400] =	vst v63  }
0x3d: {  	_ =	swait.ge [sflag:s21], $0x4000  }
0x3e: {  	[sflag:s21] =	ssyncset.done $0x0  }
0x3f: {  	[sflag:s21] =	ssyncadd.s32 $0xFFFFC000  }
0x40: {  	_ =	swait.ge [sflag:s28], $0x4000  }
0x41: {  	[sflag:s28] =	ssyncset.done $0x0  }
0x42: {  	s10 =	simm.s32 $0x100;
	[sflag:s28] =	ssyncadd.s32 $0xFFFFC000  }
0x43: {  	[tilespmem:s24], [sflag:$0x1] =	stream.indirect.gather [hbm4b:s4+s23], $0x80, s10, s23, $0xb8;
	[tilespmem:$0x1E400] =	vst v63  }
0x44: {  	s11 =	simm.s32 $0x1480  }
0x45: {  	[spmem:s2] =	stream.indirect.scatter.add.f32 [tilespmem:s26], [sflag:$0x3], $0x80, s11, s23, $0xb8;
	[tilespmem:$0x1E400] =	vst v63  }
0x46: {  	_ =	swait.ge [sflag:s21], $0x4000  }
0x47: {  	s1 =	simm.s32 $0x800;
	[sflag:s21] =	ssyncset.done $0x0  }
.LBB2_3:
0x48: {  	p1 =	sne.s32 s1, $0x4C00  }
0x49: {  	[sflag:s21] =	ssyncadd.s32 $0xFFFFC000;
	s10 =	smov.u32 s1;
	s1 =	sadd.s32 $0x400, s1  }
0x4a: {  	_ = 	snop  }
0x4b: {  	_ =	swait.ge [sflag:s25], $0x4000  }
0x4c: {  	s10 =	sshra.s32 s10, $0x2;
	[sflag:s25] =	ssyncset.done $0x0  }
0x4d: {  	s11 =	sadd.s32 $0xFFFFFF80, s10;
	[sflag:s25] =	ssyncadd.s32 $0xFFFFC000  }
0x4e: {  	[tilespmem:s26], [sflag:$0x2] =	stream.indirect.gather [hbm4b:s4+s23], $0x80, s11, s23, $0xb8;
	[tilespmem:$0x1E400] =	vst v63  }
0x4f: {  	s11 =	sadd.s32 $0x1300, s10  }
0x50: {  	[spmem:s2] =	stream.indirect.scatter.add.f32 [tilespmem:s24], [sflag:$0x3], $0x80, s11, s23, $0xb8;
	[tilespmem:$0x1E400] =	vst v63  }
0x51: {  	_ =	swait.ge [sflag:s21], $0x4000  }
0x52: {  	[sflag:s21] =	ssyncset.done $0x0  }
0x53: {  	[sflag:s21] =	ssyncadd.s32 $0xFFFFC000  }
0x54: {  	_ =	swait.ge [sflag:s28], $0x4000  }
0x55: {  	[sflag:s28] =	ssyncset.done $0x0  }
0x56: {  	[sflag:s28] =	ssyncadd.s32 $0xFFFFC000  }
0x57: {  	[tilespmem:s24], [sflag:$0x1] =	stream.indirect.gather [hbm4b:s4+s23], $0x80, s10, s23, $0xb8;
	[tilespmem:$0x1E400] =	vst v63  }
.Ltmp3:
0x58: {  	_ = 	snop;
	(pc) =	sbr.rel @p1 .LBB2_3-.Ltmp3, $4  }
0x59: {  	s10 =	sadd.s32 $0x1380, s10  }
0x5a: {  	[spmem:s2] =	stream.indirect.scatter.add.f32 [tilespmem:s26], [sflag:$0x3], $0x80, s10, s23, $0xb8;
	[tilespmem:$0x1E400] =	vst v63  }
0x5b: {  	_ =	swait.ge [sflag:s21], $0x4000  }
0x5c: {  	[sflag:s21] =	ssyncset.done $0x0  }
0x5d: {  	[sflag:s21] =	ssyncadd.s32 $0xFFFFC000  }
0x5e: {  	_ =	swait.ge [sflag:s25], $0x4000  }
0x5f: {  	[sflag:s25] =	ssyncset.done $0x0  }
0x60: {  	[sflag:s25] =	ssyncadd.s32 $0xFFFFC000  }
0x61: {  	[tilespmem:s26], [sflag:$0x2] =	stream.indirect.gather [hbm4b:s4+s23], $0x80, s29, s23, $0xb8;
	[tilespmem:$0x1E400] =	vst v63  }
0x62: {  	_ = 	snop  }
0x63: {  	[spmem:s2] =	stream.indirect.scatter.add.f32 [tilespmem:s24], [sflag:$0x3], $0x80, s30, s23, $0xb8;
	[tilespmem:$0x1E400] =	vst v63  }
0x64: {  	_ =	swait.ge [sflag:s21], $0x4000  }
0x65: {  	[sflag:s21] =	ssyncset.done $0x0  }
0x66: {  	[sflag:s21] =	ssyncadd.s32 $0xFFFFC000  }
0x67: {  	_ =	swait.ge [sflag:s28], $0x4000  }
0x68: {  	[sflag:s28] =	ssyncset.done $0x0  }
0x69: {  	[sflag:s28] =	ssyncadd.s32 $0xFFFFC000  }
0x6a: {  	[spmem:s2] =	stream.indirect.scatter.add.f32 [tilespmem:s26], [sflag:$0x3], $0x80, s31, s23, $0xb8;
	[tilespmem:$0x1E400] =	vst v63  }
0x6b: {  	_ =	swait.ge [sflag:s21], $0x4000  }
0x6c: {  	[sflag:s21] =	ssyncset.done $0x0  }
0x6d: {  	[sflag:s21] =	ssyncadd.s32 $0xFFFFC000  }
0x6e: {  	[tilespmem:s3], [sflag:$0x3] =	stream.linear.gather [hbm4b:s14+s3], $0x1400, $0x38;
	[tilespmem:$0x1E400] =	vst v63  }
0x6f: {  	_ =	swait.ge [sflag:s21], $0x1400  }
0x70: {  	[sflag:s21] =	ssyncset.done $0x0  }
0x71: {  	[sflag:s21] =	ssyncadd.s32 $0xFFFFEC00  }
0x72: {  	[tilespmem:s22], [sflag:$0x3] =	stream.linear.gather [hbm4b:s15+s3], $0x1400, $0x38;
	[tilespmem:$0x1E400] =	vst v63  }
0x73: {  	_ =	swait.ge [sflag:s21], $0x1400  }
0x74: {  	[sflag:s21] =	ssyncset.done $0x0  }
0x75: {  	[sflag:s21] =	ssyncadd.s32 $0xFFFFEC00  }
0x76: {  	[tilespmem:s24], [sflag:$0x1] =	stream.indirect.gather [hbm4b:s4+s23], $0x80, s3, s23, $0xb8;
	[tilespmem:$0x1E400] =	vst v63  }
0x77: {  	_ =	swait.ge [sflag:s25], $0x4000  }
0x78: {  	[sflag:s25] =	ssyncset.done $0x0  }
0x79: {  	s1 =	simm.s32 $0x80;
	[sflag:s25] =	ssyncadd.s32 $0xFFFFC000  }
0x7a: {  	[tilespmem:s26], [sflag:$0x2] =	stream.indirect.gather [hbm4b:s4+s23], $0x80, s1, s23, $0xb8;
	[tilespmem:$0x1E400] =	vst v63  }
0x7b: {  	s11 =	simm.s32 $0x1400  }
0x7c: {  	[spmem:s2] =	stream.indirect.scatter.add.f32 [tilespmem:s24], [sflag:$0x3], $0x80, s11, s23, $0xb8;
	[tilespmem:$0x1E400] =	vst v63  }
0x7d: {  	_ =	swait.ge [sflag:s21], $0x4000  }
0x7e: {  	[sflag:s21] =	ssyncset.done $0x0  }
0x7f: {  	[sflag:s21] =	ssyncadd.s32 $0xFFFFC000  }
0x80: {  	_ =	swait.ge [sflag:s28], $0x4000  }
0x81: {  	[sflag:s28] =	ssyncset.done $0x0  }
0x82: {  	s10 =	simm.s32 $0x100;
	[sflag:s28] =	ssyncadd.s32 $0xFFFFC000  }
0x83: {  	[tilespmem:s24], [sflag:$0x1] =	stream.indirect.gather [hbm4b:s4+s23], $0x80, s10, s23, $0xb8;
	[tilespmem:$0x1E400] =	vst v63  }
0x84: {  	s11 =	simm.s32 $0x1480  }
0x85: {  	[spmem:s2] =	stream.indirect.scatter.add.f32 [tilespmem:s26], [sflag:$0x3], $0x80, s11, s23, $0xb8;
	[tilespmem:$0x1E400] =	vst v63  }
0x86: {  	_ =	swait.ge [sflag:s21], $0x4000  }
0x87: {  	s1 =	simm.s32 $0x800;
	[sflag:s21] =	ssyncset.done $0x0  }
.LBB2_5:
0x88: {  	p1 =	sne.s32 s1, $0x4C00  }
0x89: {  	[sflag:s21] =	ssyncadd.s32 $0xFFFFC000;
	s10 =	smov.u32 s1;
	s1 =	sadd.s32 $0x400, s1  }
0x8a: {  	_ = 	snop  }
0x8b: {  	_ =	swait.ge [sflag:s25], $0x4000  }
0x8c: {  	s10 =	sshra.s32 s10, $0x2;
	[sflag:s25] =	ssyncset.done $0x0  }
0x8d: {  	s11 =	sadd.s32 $0xFFFFFF80, s10;
	[sflag:s25] =	ssyncadd.s32 $0xFFFFC000  }
0x8e: {  	[tilespmem:s26], [sflag:$0x2] =	stream.indirect.gather [hbm4b:s4+s23], $0x80, s11, s23, $0xb8;
	[tilespmem:$0x1E400] =	vst v63  }
0x8f: {  	s11 =	sadd.s32 $0x1300, s10  }
0x90: {  	[spmem:s2] =	stream.indirect.scatter.add.f32 [tilespmem:s24], [sflag:$0x3], $0x80, s11, s23, $0xb8;
	[tilespmem:$0x1E400] =	vst v63  }
0x91: {  	_ =	swait.ge [sflag:s21], $0x4000  }
0x92: {  	[sflag:s21] =	ssyncset.done $0x0  }
0x93: {  	[sflag:s21] =	ssyncadd.s32 $0xFFFFC000  }
0x94: {  	_ =	swait.ge [sflag:s28], $0x4000  }
0x95: {  	[sflag:s28] =	ssyncset.done $0x0  }
0x96: {  	[sflag:s28] =	ssyncadd.s32 $0xFFFFC000  }
0x97: {  	[tilespmem:s24], [sflag:$0x1] =	stream.indirect.gather [hbm4b:s4+s23], $0x80, s10, s23, $0xb8;
	[tilespmem:$0x1E400] =	vst v63  }
.Ltmp4:
0x98: {  	_ = 	snop;
	(pc) =	sbr.rel @p1 .LBB2_5-.Ltmp4, $4  }
0x99: {  	s10 =	sadd.s32 $0x1380, s10  }
0x9a: {  	[spmem:s2] =	stream.indirect.scatter.add.f32 [tilespmem:s26], [sflag:$0x3], $0x80, s10, s23, $0xb8;
	[tilespmem:$0x1E400] =	vst v63  }
0x9b: {  	_ =	swait.ge [sflag:s21], $0x4000  }
0x9c: {  	[sflag:s21] =	ssyncset.done $0x0  }
0x9d: {  	[sflag:s21] =	ssyncadd.s32 $0xFFFFC000  }
0x9e: {  	_ =	swait.ge [sflag:s25], $0x4000  }
0x9f: {  	[sflag:s25] =	ssyncset.done $0x0  }
0xa0: {  	[sflag:s25] =	ssyncadd.s32 $0xFFFFC000  }
0xa1: {  	[tilespmem:s26], [sflag:$0x2] =	stream.indirect.gather [hbm4b:s4+s23], $0x80, s29, s23, $0xb8;
	[tilespmem:$0x1E400] =	vst v63  }
0xa2: {  	_ = 	snop  }
0xa3: {  	[spmem:s2] =	stream.indirect.scatter.add.f32 [tilespmem:s24], [sflag:$0x3], $0x80, s30, s23, $0xb8;
	[tilespmem:$0x1E400] =	vst v63  }
0xa4: {  	_ =	swait.ge [sflag:s21], $0x4000  }
0xa5: {  	[sflag:s21] =	ssyncset.done $0x0  }
0xa6: {  	[sflag:s21] =	ssyncadd.s32 $0xFFFFC000  }
0xa7: {  	_ =	swait.ge [sflag:s28], $0x4000  }
0xa8: {  	[sflag:s28] =	ssyncset.done $0x0  }
0xa9: {  	[sflag:s28] =	ssyncadd.s32 $0xFFFFC000  }
0xaa: {  	[spmem:s2] =	stream.indirect.scatter.add.f32 [tilespmem:s26], [sflag:$0x3], $0x80, s31, s23, $0xb8;
	[tilespmem:$0x1E400] =	vst v63  }
0xab: {  	_ =	swait.ge [sflag:s21], $0x4000  }
0xac: {  	[sflag:s21] =	ssyncset.done $0x0  }
0xad: {  	[sflag:s21] =	ssyncadd.s32 $0xFFFFC000  }
0xae: {  	[bflag:$0x0] =	sbarrier.arrive $0xFFFF  }
0xaf: {  	[hbm:s17], [sflag:s19] =	dma.local [spmem:s20], $0x2780  }
0xb0: {  	_ =	swait.ge [sflag:s21], $0x2780  }
0xb1: {  	[sflag:s21] =	ssyncset.done $0x0  }
0xb2: {  	[sflag:s21] =	ssyncadd.s32 $0xFFFFD880  }
0xb3: {  	[spmem:s20], [sflag:s19] =	dma.local [hbm:s9], $0x2780  }
0xb4: {  	_ =	swait.ge [sflag:s21], $0x2780  }
0xb5: {  	[sflag:s21] =	ssyncset.done $0x0  }
0xb6: {  	[sflag:s21] =	ssyncadd.s32 $0xFFFFD880  }
0xb7: {  	[bflag:$0x0] =	sbarrier.arrive $0xFFFF  }
0xb8: {  	[tilespmem:s3], [sflag:$0x3] =	stream.linear.gather [hbm4b:s12+s3], $0x1400, $0x38;
	[tilespmem:$0x1E400] =	vst v63  }
0xb9: {  	_ =	swait.ge [sflag:s21], $0x1400  }
0xba: {  	[sflag:s21] =	ssyncset.done $0x0  }
0xbb: {  	[sflag:s21] =	ssyncadd.s32 $0xFFFFEC00  }
0xbc: {  	[tilespmem:s22], [sflag:$0x3] =	stream.linear.gather [hbm4b:s13+s3], $0x1400, $0x38;
	[tilespmem:$0x1E400] =	vst v63  }
0xbd: {  	_ =	swait.ge [sflag:s21], $0x1400  }
0xbe: {  	[sflag:s21] =	ssyncset.done $0x0  }
0xbf: {  	[sflag:s21] =	ssyncadd.s32 $0xFFFFEC00  }
0xc0: {  	[tilespmem:s24], [sflag:$0x1] =	stream.indirect.gather [hbm4b:s5+s23], $0x80, s3, s23, $0xb8;
	[tilespmem:$0x1E400] =	vst v63  }
0xc1: {  	_ =	swait.ge [sflag:s25], $0x4000  }
0xc2: {  	[sflag:s25] =	ssyncset.done $0x0  }
0xc3: {  	s1 =	simm.s32 $0x80;
	[sflag:s25] =	ssyncadd.s32 $0xFFFFC000  }
0xc4: {  	[tilespmem:s26], [sflag:$0x2] =	stream.indirect.gather [hbm4b:s5+s23], $0x80, s1, s23, $0xb8;
	[tilespmem:$0x1E400] =	vst v63  }
0xc5: {  	s11 =	simm.s32 $0x1400  }
0xc6: {  	[spmem:s2] =	stream.indirect.scatter.add.f32 [tilespmem:s24], [sflag:$0x3], $0x80, s11, s23, $0xb8;
	[tilespmem:$0x1E400] =	vst v63  }
0xc7: {  	_ =	swait.ge [sflag:s21], $0x4000  }
0xc8: {  	[sflag:s21] =	ssyncset.done $0x0  }
0xc9: {  	[sflag:s21] =	ssyncadd.s32 $0xFFFFC000  }
0xca: {  	_ =	swait.ge [sflag:s28], $0x4000  }
0xcb: {  	[sflag:s28] =	ssyncset.done $0x0  }
0xcc: {  	s10 =	simm.s32 $0x100;
	[sflag:s28] =	ssyncadd.s32 $0xFFFFC000  }
0xcd: {  	[tilespmem:s24], [sflag:$0x1] =	stream.indirect.gather [hbm4b:s5+s23], $0x80, s10, s23, $0xb8;
	[tilespmem:$0x1E400] =	vst v63  }
0xce: {  	s11 =	simm.s32 $0x1480  }
0xcf: {  	[spmem:s2] =	stream.indirect.scatter.add.f32 [tilespmem:s26], [sflag:$0x3], $0x80, s11, s23, $0xb8;
	[tilespmem:$0x1E400] =	vst v63  }
0xd0: {  	_ =	swait.ge [sflag:s21], $0x4000  }
0xd1: {  	s1 =	simm.s32 $0x800;
	[sflag:s21] =	ssyncset.done $0x0  }
.LBB2_7:
0xd2: {  	p1 =	sne.s32 s1, $0x4C00  }
0xd3: {  	[sflag:s21] =	ssyncadd.s32 $0xFFFFC000;
	s10 =	smov.u32 s1;
	s1 =	sadd.s32 $0x400, s1  }
0xd4: {  	_ = 	snop  }
0xd5: {  	_ =	swait.ge [sflag:s25], $0x4000  }
0xd6: {  	s10 =	sshra.s32 s10, $0x2;
	[sflag:s25] =	ssyncset.done $0x0  }
0xd7: {  	s11 =	sadd.s32 $0xFFFFFF80, s10;
	[sflag:s25] =	ssyncadd.s32 $0xFFFFC000  }
0xd8: {  	[tilespmem:s26], [sflag:$0x2] =	stream.indirect.gather [hbm4b:s5+s23], $0x80, s11, s23, $0xb8;
	[tilespmem:$0x1E400] =	vst v63  }
0xd9: {  	s11 =	sadd.s32 $0x1300, s10  }
0xda: {  	[spmem:s2] =	stream.indirect.scatter.add.f32 [tilespmem:s24], [sflag:$0x3], $0x80, s11, s23, $0xb8;
	[tilespmem:$0x1E400] =	vst v63  }
0xdb: {  	_ =	swait.ge [sflag:s21], $0x4000  }
0xdc: {  	[sflag:s21] =	ssyncset.done $0x0  }
0xdd: {  	[sflag:s21] =	ssyncadd.s32 $0xFFFFC000  }
0xde: {  	_ =	swait.ge [sflag:s28], $0x4000  }
0xdf: {  	[sflag:s28] =	ssyncset.done $0x0  }
0xe0: {  	[sflag:s28] =	ssyncadd.s32 $0xFFFFC000  }
0xe1: {  	[tilespmem:s24], [sflag:$0x1] =	stream.indirect.gather [hbm4b:s5+s23], $0x80, s10, s23, $0xb8;
	[tilespmem:$0x1E400] =	vst v63  }
.Ltmp5:
0xe2: {  	_ = 	snop;
	(pc) =	sbr.rel @p1 .LBB2_7-.Ltmp5, $4  }
0xe3: {  	s10 =	sadd.s32 $0x1380, s10  }
0xe4: {  	[spmem:s2] =	stream.indirect.scatter.add.f32 [tilespmem:s26], [sflag:$0x3], $0x80, s10, s23, $0xb8;
	[tilespmem:$0x1E400] =	vst v63  }
0xe5: {  	_ =	swait.ge [sflag:s21], $0x4000  }
0xe6: {  	[sflag:s21] =	ssyncset.done $0x0  }
0xe7: {  	[sflag:s21] =	ssyncadd.s32 $0xFFFFC000  }
0xe8: {  	_ =	swait.ge [sflag:s25], $0x4000  }
0xe9: {  	[sflag:s25] =	ssyncset.done $0x0  }
0xea: {  	[sflag:s25] =	ssyncadd.s32 $0xFFFFC000  }
0xeb: {  	[tilespmem:s26], [sflag:$0x2] =	stream.indirect.gather [hbm4b:s5+s23], $0x80, s29, s23, $0xb8;
	[tilespmem:$0x1E400] =	vst v63  }
0xec: {  	_ = 	snop  }
0xed: {  	[spmem:s2] =	stream.indirect.scatter.add.f32 [tilespmem:s24], [sflag:$0x3], $0x80, s30, s23, $0xb8;
	[tilespmem:$0x1E400] =	vst v63  }
0xee: {  	_ =	swait.ge [sflag:s21], $0x4000  }
0xef: {  	[sflag:s21] =	ssyncset.done $0x0  }
0xf0: {  	[sflag:s21] =	ssyncadd.s32 $0xFFFFC000  }
0xf1: {  	_ =	swait.ge [sflag:s28], $0x4000  }
0xf2: {  	[sflag:s28] =	ssyncset.done $0x0  }
0xf3: {  	[sflag:s28] =	ssyncadd.s32 $0xFFFFC000  }
0xf4: {  	[spmem:s2] =	stream.indirect.scatter.add.f32 [tilespmem:s26], [sflag:$0x3], $0x80, s31, s23, $0xb8;
	[tilespmem:$0x1E400] =	vst v63  }
0xf5: {  	_ =	swait.ge [sflag:s21], $0x4000  }
0xf6: {  	[sflag:s21] =	ssyncset.done $0x0  }
0xf7: {  	[sflag:s21] =	ssyncadd.s32 $0xFFFFC000  }
0xf8: {  	[tilespmem:s3], [sflag:$0x3] =	stream.linear.gather [hbm4b:s14+s3], $0x1400, $0x38;
	[tilespmem:$0x1E400] =	vst v63  }
0xf9: {  	_ =	swait.ge [sflag:s21], $0x1400  }
0xfa: {  	[sflag:s21] =	ssyncset.done $0x0  }
0xfb: {  	[sflag:s21] =	ssyncadd.s32 $0xFFFFEC00  }
0xfc: {  	[tilespmem:s22], [sflag:$0x3] =	stream.linear.gather [hbm4b:s15+s3], $0x1400, $0x38;
	[tilespmem:$0x1E400] =	vst v63  }
0xfd: {  	_ =	swait.ge [sflag:s21], $0x1400  }
0xfe: {  	[sflag:s21] =	ssyncset.done $0x0  }
0xff: {  	[sflag:s21] =	ssyncadd.s32 $0xFFFFEC00  }
0x100: {  	[tilespmem:s24], [sflag:$0x1] =	stream.indirect.gather [hbm4b:s5+s23], $0x80, s3, s23, $0xb8;
	[tilespmem:$0x1E400] =	vst v63  }
0x101: {  	_ =	swait.ge [sflag:s25], $0x4000  }
0x102: {  	[sflag:s25] =	ssyncset.done $0x0  }
0x103: {  	s1 =	simm.s32 $0x80;
	[sflag:s25] =	ssyncadd.s32 $0xFFFFC000  }
0x104: {  	[tilespmem:s26], [sflag:$0x2] =	stream.indirect.gather [hbm4b:s5+s23], $0x80, s1, s23, $0xb8;
	[tilespmem:$0x1E400] =	vst v63  }
0x105: {  	s11 =	simm.s32 $0x1400  }
0x106: {  	[spmem:s2] =	stream.indirect.scatter.add.f32 [tilespmem:s24], [sflag:$0x3], $0x80, s11, s23, $0xb8;
	[tilespmem:$0x1E400] =	vst v63  }
0x107: {  	_ =	swait.ge [sflag:s21], $0x4000  }
0x108: {  	[sflag:s21] =	ssyncset.done $0x0  }
0x109: {  	[sflag:s21] =	ssyncadd.s32 $0xFFFFC000  }
0x10a: {  	_ =	swait.ge [sflag:s28], $0x4000  }
0x10b: {  	[sflag:s28] =	ssyncset.done $0x0  }
0x10c: {  	s10 =	simm.s32 $0x100;
	[sflag:s28] =	ssyncadd.s32 $0xFFFFC000  }
0x10d: {  	[tilespmem:s24], [sflag:$0x1] =	stream.indirect.gather [hbm4b:s5+s23], $0x80, s10, s23, $0xb8;
	[tilespmem:$0x1E400] =	vst v63  }
0x10e: {  	s11 =	simm.s32 $0x1480  }
0x10f: {  	[spmem:s2] =	stream.indirect.scatter.add.f32 [tilespmem:s26], [sflag:$0x3], $0x80, s11, s23, $0xb8;
	[tilespmem:$0x1E400] =	vst v63  }
0x110: {  	_ =	swait.ge [sflag:s21], $0x4000  }
0x111: {  	s1 =	simm.s32 $0x800;
	[sflag:s21] =	ssyncset.done $0x0  }
.LBB2_9:
0x112: {  	p1 =	sne.s32 s1, $0x4C00  }
0x113: {  	[sflag:s21] =	ssyncadd.s32 $0xFFFFC000;
	s10 =	smov.u32 s1;
	s1 =	sadd.s32 $0x400, s1  }
0x114: {  	_ = 	snop  }
0x115: {  	_ =	swait.ge [sflag:s25], $0x4000  }
0x116: {  	s10 =	sshra.s32 s10, $0x2;
	[sflag:s25] =	ssyncset.done $0x0  }
0x117: {  	s11 =	sadd.s32 $0xFFFFFF80, s10;
	[sflag:s25] =	ssyncadd.s32 $0xFFFFC000  }
0x118: {  	[tilespmem:s26], [sflag:$0x2] =	stream.indirect.gather [hbm4b:s5+s23], $0x80, s11, s23, $0xb8;
	[tilespmem:$0x1E400] =	vst v63  }
0x119: {  	s11 =	sadd.s32 $0x1300, s10  }
0x11a: {  	[spmem:s2] =	stream.indirect.scatter.add.f32 [tilespmem:s24], [sflag:$0x3], $0x80, s11, s23, $0xb8;
	[tilespmem:$0x1E400] =	vst v63  }
0x11b: {  	_ =	swait.ge [sflag:s21], $0x4000  }
0x11c: {  	[sflag:s21] =	ssyncset.done $0x0  }
0x11d: {  	[sflag:s21] =	ssyncadd.s32 $0xFFFFC000  }
0x11e: {  	_ =	swait.ge [sflag:s28], $0x4000  }
0x11f: {  	[sflag:s28] =	ssyncset.done $0x0  }
0x120: {  	[sflag:s28] =	ssyncadd.s32 $0xFFFFC000  }
0x121: {  	[tilespmem:s24], [sflag:$0x1] =	stream.indirect.gather [hbm4b:s5+s23], $0x80, s10, s23, $0xb8;
	[tilespmem:$0x1E400] =	vst v63  }
.Ltmp6:
0x122: {  	_ = 	snop;
	(pc) =	sbr.rel @p1 .LBB2_9-.Ltmp6, $4  }
0x123: {  	s10 =	sadd.s32 $0x1380, s10  }
0x124: {  	[spmem:s2] =	stream.indirect.scatter.add.f32 [tilespmem:s26], [sflag:$0x3], $0x80, s10, s23, $0xb8;
	[tilespmem:$0x1E400] =	vst v63  }
0x125: {  	_ =	swait.ge [sflag:s21], $0x4000  }
0x126: {  	[sflag:s21] =	ssyncset.done $0x0  }
0x127: {  	[sflag:s21] =	ssyncadd.s32 $0xFFFFC000  }
0x128: {  	_ =	swait.ge [sflag:s25], $0x4000  }
0x129: {  	[sflag:s25] =	ssyncset.done $0x0  }
0x12a: {  	[sflag:s25] =	ssyncadd.s32 $0xFFFFC000  }
0x12b: {  	[tilespmem:s26], [sflag:$0x2] =	stream.indirect.gather [hbm4b:s5+s23], $0x80, s29, s23, $0xb8;
	[tilespmem:$0x1E400] =	vst v63  }
0x12c: {  	_ = 	snop  }
0x12d: {  	[spmem:s2] =	stream.indirect.scatter.add.f32 [tilespmem:s24], [sflag:$0x3], $0x80, s30, s23, $0xb8;
	[tilespmem:$0x1E400] =	vst v63  }
0x12e: {  	_ =	swait.ge [sflag:s21], $0x4000  }
0x12f: {  	[sflag:s21] =	ssyncset.done $0x0  }
.Ltmp7:
0x130: {  	[sflag:s21] =	ssyncadd.s32 $0xFFFFC000;
	(pc) =	sbr.rel .LBB2_20-.Ltmp7, $4  }
0x131: {  	_ =	swait.ge [sflag:s28], $0x4000  }
0x132: {  	[sflag:s28] =	ssyncset.done $0x0  }
0x133: {  	s1 =	rddreg [dreg:$0x3];
	[sflag:s28] =	ssyncadd.s32 $0xFFFFC000  }
0x134: {  	[spmem:s2] =	stream.indirect.scatter.add.f32 [tilespmem:s26], [sflag:$0x3], $0x80, s31, s23, $0xb8;
	[tilespmem:$0x1E400] =	vst v63  }
.LBB2_11:
0x135: {  	[tilespmem:s24], [sflag:$0x1] =	stream.indirect.gather [hbm4b:s6+s23], $0x80, s3, s23, $0xb8;
	[tilespmem:$0x1E400] =	vst v63  }
0x136: {  	_ =	swait.ge [sflag:s25], $0x4000  }
0x137: {  	[sflag:s25] =	ssyncset.done $0x0  }
0x138: {  	s1 =	simm.s32 $0x80;
	[sflag:s25] =	ssyncadd.s32 $0xFFFFC000  }
0x139: {  	[tilespmem:s26], [sflag:$0x2] =	stream.indirect.gather [hbm4b:s6+s23], $0x80, s1, s23, $0xb8;
	[tilespmem:$0x1E400] =	vst v63  }
0x13a: {  	s11 =	simm.s32 $0x1400  }
0x13b: {  	[spmem:s2] =	stream.indirect.scatter.add.f32 [tilespmem:s24], [sflag:$0x3], $0x80, s11, s23, $0xb8;
	[tilespmem:$0x1E400] =	vst v63  }
0x13c: {  	_ =	swait.ge [sflag:s21], $0x4000  }
0x13d: {  	[sflag:s21] =	ssyncset.done $0x0  }
0x13e: {  	[sflag:s21] =	ssyncadd.s32 $0xFFFFC000  }
0x13f: {  	_ =	swait.ge [sflag:s28], $0x4000  }
0x140: {  	[sflag:s28] =	ssyncset.done $0x0  }
0x141: {  	s10 =	simm.s32 $0x100;
	[sflag:s28] =	ssyncadd.s32 $0xFFFFC000  }
0x142: {  	[tilespmem:s24], [sflag:$0x1] =	stream.indirect.gather [hbm4b:s6+s23], $0x80, s10, s23, $0xb8;
	[tilespmem:$0x1E400] =	vst v63  }
0x143: {  	s11 =	simm.s32 $0x1480  }
0x144: {  	[spmem:s2] =	stream.indirect.scatter.add.f32 [tilespmem:s26], [sflag:$0x3], $0x80, s11, s23, $0xb8;
	[tilespmem:$0x1E400] =	vst v63  }
0x145: {  	_ =	swait.ge [sflag:s21], $0x4000  }
0x146: {  	s1 =	simm.s32 $0x800;
	[sflag:s21] =	ssyncset.done $0x0  }
.LBB2_12:
0x147: {  	p1 =	sne.s32 s1, $0x4C00  }
0x148: {  	[sflag:s21] =	ssyncadd.s32 $0xFFFFC000;
	s10 =	smov.u32 s1;
	s1 =	sadd.s32 $0x400, s1  }
0x149: {  	_ = 	snop  }
0x14a: {  	_ =	swait.ge [sflag:s25], $0x4000  }
0x14b: {  	s10 =	sshra.s32 s10, $0x2;
	[sflag:s25] =	ssyncset.done $0x0  }
0x14c: {  	s11 =	sadd.s32 $0xFFFFFF80, s10;
	[sflag:s25] =	ssyncadd.s32 $0xFFFFC000  }
0x14d: {  	[tilespmem:s26], [sflag:$0x2] =	stream.indirect.gather [hbm4b:s6+s23], $0x80, s11, s23, $0xb8;
	[tilespmem:$0x1E400] =	vst v63  }
0x14e: {  	s11 =	sadd.s32 $0x1300, s10  }
0x14f: {  	[spmem:s2] =	stream.indirect.scatter.add.f32 [tilespmem:s24], [sflag:$0x3], $0x80, s11, s23, $0xb8;
	[tilespmem:$0x1E400] =	vst v63  }
0x150: {  	_ =	swait.ge [sflag:s21], $0x4000  }
0x151: {  	[sflag:s21] =	ssyncset.done $0x0  }
0x152: {  	[sflag:s21] =	ssyncadd.s32 $0xFFFFC000  }
0x153: {  	_ =	swait.ge [sflag:s28], $0x4000  }
0x154: {  	[sflag:s28] =	ssyncset.done $0x0  }
0x155: {  	[sflag:s28] =	ssyncadd.s32 $0xFFFFC000  }
0x156: {  	[tilespmem:s24], [sflag:$0x1] =	stream.indirect.gather [hbm4b:s6+s23], $0x80, s10, s23, $0xb8;
	[tilespmem:$0x1E400] =	vst v63  }
.Ltmp8:
0x157: {  	_ = 	snop;
	(pc) =	sbr.rel @p1 .LBB2_12-.Ltmp8, $4  }
0x158: {  	s10 =	sadd.s32 $0x1380, s10  }
0x159: {  	[spmem:s2] =	stream.indirect.scatter.add.f32 [tilespmem:s26], [sflag:$0x3], $0x80, s10, s23, $0xb8;
	[tilespmem:$0x1E400] =	vst v63  }
0x15a: {  	_ =	swait.ge [sflag:s21], $0x4000  }
0x15b: {  	[sflag:s21] =	ssyncset.done $0x0  }
0x15c: {  	[sflag:s21] =	ssyncadd.s32 $0xFFFFC000  }
0x15d: {  	_ =	swait.ge [sflag:s25], $0x4000  }
0x15e: {  	[sflag:s25] =	ssyncset.done $0x0  }
0x15f: {  	[sflag:s25] =	ssyncadd.s32 $0xFFFFC000  }
0x160: {  	[tilespmem:s26], [sflag:$0x2] =	stream.indirect.gather [hbm4b:s6+s23], $0x80, s29, s23, $0xb8;
	[tilespmem:$0x1E400] =	vst v63  }
0x161: {  	_ = 	snop  }
0x162: {  	[spmem:s2] =	stream.indirect.scatter.add.f32 [tilespmem:s24], [sflag:$0x3], $0x80, s30, s23, $0xb8;
	[tilespmem:$0x1E400] =	vst v63  }
0x163: {  	_ =	swait.ge [sflag:s21], $0x4000  }
0x164: {  	[sflag:s21] =	ssyncset.done $0x0  }
0x165: {  	[sflag:s21] =	ssyncadd.s32 $0xFFFFC000  }
0x166: {  	_ =	swait.ge [sflag:s28], $0x4000  }
0x167: {  	[sflag:s28] =	ssyncset.done $0x0  }
0x168: {  	[sflag:s28] =	ssyncadd.s32 $0xFFFFC000  }
0x169: {  	[spmem:s2] =	stream.indirect.scatter.add.f32 [tilespmem:s26], [sflag:$0x3], $0x80, s31, s23, $0xb8;
	[tilespmem:$0x1E400] =	vst v63  }
0x16a: {  	_ =	swait.ge [sflag:s21], $0x4000  }
0x16b: {  	[sflag:s21] =	ssyncset.done $0x0  }
0x16c: {  	[sflag:s21] =	ssyncadd.s32 $0xFFFFC000  }
0x16d: {  	[tilespmem:s3], [sflag:$0x3] =	stream.linear.gather [hbm4b:s14+s3], $0x1400, $0x38;
	[tilespmem:$0x1E400] =	vst v63  }
0x16e: {  	_ =	swait.ge [sflag:s21], $0x1400  }
0x16f: {  	[sflag:s21] =	ssyncset.done $0x0  }
0x170: {  	[sflag:s21] =	ssyncadd.s32 $0xFFFFEC00  }
0x171: {  	[tilespmem:s22], [sflag:$0x3] =	stream.linear.gather [hbm4b:s15+s3], $0x1400, $0x38;
	[tilespmem:$0x1E400] =	vst v63  }
0x172: {  	_ =	swait.ge [sflag:s21], $0x1400  }
0x173: {  	[sflag:s21] =	ssyncset.done $0x0  }
0x174: {  	[sflag:s21] =	ssyncadd.s32 $0xFFFFEC00  }
0x175: {  	[tilespmem:s24], [sflag:$0x1] =	stream.indirect.gather [hbm4b:s6+s23], $0x80, s3, s23, $0xb8;
	[tilespmem:$0x1E400] =	vst v63  }
0x176: {  	_ =	swait.ge [sflag:s25], $0x4000  }
0x177: {  	[sflag:s25] =	ssyncset.done $0x0  }
0x178: {  	s1 =	simm.s32 $0x80;
	[sflag:s25] =	ssyncadd.s32 $0xFFFFC000  }
0x179: {  	[tilespmem:s26], [sflag:$0x2] =	stream.indirect.gather [hbm4b:s6+s23], $0x80, s1, s23, $0xb8;
	[tilespmem:$0x1E400] =	vst v63  }
0x17a: {  	s11 =	simm.s32 $0x1400  }
0x17b: {  	[spmem:s2] =	stream.indirect.scatter.add.f32 [tilespmem:s24], [sflag:$0x3], $0x80, s11, s23, $0xb8;
	[tilespmem:$0x1E400] =	vst v63  }
0x17c: {  	_ =	swait.ge [sflag:s21], $0x4000  }
0x17d: {  	[sflag:s21] =	ssyncset.done $0x0  }
0x17e: {  	[sflag:s21] =	ssyncadd.s32 $0xFFFFC000  }
0x17f: {  	_ =	swait.ge [sflag:s28], $0x4000  }
0x180: {  	[sflag:s28] =	ssyncset.done $0x0  }
0x181: {  	s10 =	simm.s32 $0x100;
	[sflag:s28] =	ssyncadd.s32 $0xFFFFC000  }
0x182: {  	[tilespmem:s24], [sflag:$0x1] =	stream.indirect.gather [hbm4b:s6+s23], $0x80, s10, s23, $0xb8;
	[tilespmem:$0x1E400] =	vst v63  }
0x183: {  	s11 =	simm.s32 $0x1480  }
0x184: {  	[spmem:s2] =	stream.indirect.scatter.add.f32 [tilespmem:s26], [sflag:$0x3], $0x80, s11, s23, $0xb8;
	[tilespmem:$0x1E400] =	vst v63  }
0x185: {  	_ =	swait.ge [sflag:s21], $0x4000  }
0x186: {  	s1 =	simm.s32 $0x800;
	[sflag:s21] =	ssyncset.done $0x0  }
.LBB2_14:
0x187: {  	p1 =	seq.s32 s1, $0x4C00  }
0x188: {  	[sflag:s21] =	ssyncadd.s32 $0xFFFFC000;
	s10 =	smov.u32 s1;
	s1 =	sadd.s32 $0x400, s1  }
0x189: {  	_ = 	snop  }
0x18a: {  	_ =	swait.ge [sflag:s25], $0x4000  }
0x18b: {  	s10 =	sshra.s32 s10, $0x2;
	[sflag:s25] =	ssyncset.done $0x0  }
0x18c: {  	s11 =	sadd.s32 $0xFFFFFF80, s10;
	[sflag:s25] =	ssyncadd.s32 $0xFFFFC000  }
0x18d: {  	[tilespmem:s26], [sflag:$0x2] =	stream.indirect.gather [hbm4b:s6+s23], $0x80, s11, s23, $0xb8;
	[tilespmem:$0x1E400] =	vst v63  }
0x18e: {  	s11 =	sadd.s32 $0x1300, s10  }
0x18f: {  	[spmem:s2] =	stream.indirect.scatter.add.f32 [tilespmem:s24], [sflag:$0x3], $0x80, s11, s23, $0xb8;
	[tilespmem:$0x1E400] =	vst v63  }
0x190: {  	_ =	swait.ge [sflag:s21], $0x4000  }
0x191: {  	[sflag:s21] =	ssyncset.done $0x0  }
0x192: {  	[sflag:s21] =	ssyncadd.s32 $0xFFFFC000  }
0x193: {  	_ =	swait.ge [sflag:s28], $0x4000  }
0x194: {  	[sflag:s28] =	ssyncset.done $0x0  }
0x195: {  	[sflag:s28] =	ssyncadd.s32 $0xFFFFC000  }
0x196: {  	[tilespmem:s24], [sflag:$0x1] =	stream.indirect.gather [hbm4b:s6+s23], $0x80, s10, s23, $0xb8;
	[tilespmem:$0x1E400] =	vst v63  }
.Ltmp9:
0x197: {  	_ = 	snop;
	(pc) =	sbr.rel @!p1 .LBB2_14-.Ltmp9, $4  }
0x198: {  	s10 =	sadd.s32 $0x1380, s10  }
0x199: {  	[spmem:s2] =	stream.indirect.scatter.add.f32 [tilespmem:s26], [sflag:$0x3], $0x80, s10, s23, $0xb8;
	[tilespmem:$0x1E400] =	vst v63  }
0x19a: {  	_ =	swait.ge [sflag:s21], $0x4000  }
0x19b: {  	[sflag:s21] =	ssyncset.done $0x0  }
0x19c: {  	[sflag:s21] =	ssyncadd.s32 $0xFFFFC000  }
0x19d: {  	_ =	swait.ge [sflag:s25], $0x4000  }
0x19e: {  	[sflag:s25] =	ssyncset.done $0x0  }
0x19f: {  	[sflag:s25] =	ssyncadd.s32 $0xFFFFC000  }
0x1a0: {  	[tilespmem:s26], [sflag:$0x2] =	stream.indirect.gather [hbm4b:s6+s23], $0x80, s29, s23, $0xb8;
	[tilespmem:$0x1E400] =	vst v63  }
0x1a1: {  	_ = 	snop  }
0x1a2: {  	[spmem:s2] =	stream.indirect.scatter.add.f32 [tilespmem:s24], [sflag:$0x3], $0x80, s30, s23, $0xb8;
	[tilespmem:$0x1E400] =	vst v63  }
0x1a3: {  	_ =	swait.ge [sflag:s21], $0x4000  }
0x1a4: {  	[sflag:s21] =	ssyncset.done $0x0  }
0x1a5: {  	[sflag:s21] =	ssyncadd.s32 $0xFFFFC000  }
0x1a6: {  	_ =	swait.ge [sflag:s28], $0x4000  }
0x1a7: {  	[sflag:s28] =	ssyncset.done $0x0  }
0x1a8: {  	[sflag:s28] =	ssyncadd.s32 $0xFFFFC000  }
0x1a9: {  	[spmem:s2] =	stream.indirect.scatter.add.f32 [tilespmem:s26], [sflag:$0x3], $0x80, s31, s23, $0xb8;
	[tilespmem:$0x1E400] =	vst v63  }
0x1aa: {  	_ =	swait.ge [sflag:s21], $0x4000  }
0x1ab: {  	[sflag:s21] =	ssyncset.done $0x0  }
0x1ac: {  	[sflag:s21] =	ssyncadd.s32 $0xFFFFC000  }
0x1ad: {  	[bflag:$0x0] =	sbarrier.arrive $0xFFFF  }
0x1ae: {  	[hbm:s16], [sflag:s19] =	dma.local [spmem:s20], $0x2780  }
0x1af: {  	_ =	swait.ge [sflag:s21], $0x2780  }
0x1b0: {  	[sflag:s21] =	ssyncset.done $0x0  }
0x1b1: {  	[sflag:s21] =	ssyncadd.s32 $0xFFFFD880  }
0x1b2: {  	[spmem:s20], [sflag:s19] =	dma.local [hbm:s9], $0x2780  }
0x1b3: {  	_ =	swait.ge [sflag:s21], $0x2780  }
0x1b4: {  	[sflag:s21] =	ssyncset.done $0x0  }
0x1b5: {  	[sflag:s21] =	ssyncadd.s32 $0xFFFFD880  }
0x1b6: {  	[bflag:$0x0] =	sbarrier.arrive $0xFFFF  }
0x1b7: {  	[tilespmem:s3], [sflag:$0x3] =	stream.linear.gather [hbm4b:s12+s3], $0x1400, $0x38;
	[tilespmem:$0x1E400] =	vst v63  }
0x1b8: {  	_ =	swait.ge [sflag:s21], $0x1400  }
0x1b9: {  	[sflag:s21] =	ssyncset.done $0x0  }
0x1ba: {  	[sflag:s21] =	ssyncadd.s32 $0xFFFFEC00  }
0x1bb: {  	[tilespmem:s22], [sflag:$0x3] =	stream.linear.gather [hbm4b:s13+s3], $0x1400, $0x38;
	[tilespmem:$0x1E400] =	vst v63  }
0x1bc: {  	_ =	swait.ge [sflag:s21], $0x1400  }
0x1bd: {  	[sflag:s21] =	ssyncset.done $0x0  }
0x1be: {  	[sflag:s21] =	ssyncadd.s32 $0xFFFFEC00  }
0x1bf: {  	[tilespmem:s24], [sflag:$0x1] =	stream.indirect.gather [hbm4b:s7+s23], $0x80, s3, s23, $0xb8;
	[tilespmem:$0x1E400] =	vst v63  }
0x1c0: {  	_ =	swait.ge [sflag:s25], $0x4000  }
0x1c1: {  	[sflag:s25] =	ssyncset.done $0x0  }
0x1c2: {  	s1 =	simm.s32 $0x80;
	[sflag:s25] =	ssyncadd.s32 $0xFFFFC000  }
0x1c3: {  	[tilespmem:s26], [sflag:$0x2] =	stream.indirect.gather [hbm4b:s7+s23], $0x80, s1, s23, $0xb8;
	[tilespmem:$0x1E400] =	vst v63  }
0x1c4: {  	s11 =	simm.s32 $0x1400  }
0x1c5: {  	[spmem:s2] =	stream.indirect.scatter.add.f32 [tilespmem:s24], [sflag:$0x3], $0x80, s11, s23, $0xb8;
	[tilespmem:$0x1E400] =	vst v63  }
0x1c6: {  	_ =	swait.ge [sflag:s21], $0x4000  }
0x1c7: {  	[sflag:s21] =	ssyncset.done $0x0  }
0x1c8: {  	[sflag:s21] =	ssyncadd.s32 $0xFFFFC000  }
0x1c9: {  	_ =	swait.ge [sflag:s28], $0x4000  }
0x1ca: {  	[sflag:s28] =	ssyncset.done $0x0  }
0x1cb: {  	s10 =	simm.s32 $0x100;
	[sflag:s28] =	ssyncadd.s32 $0xFFFFC000  }
0x1cc: {  	[tilespmem:s24], [sflag:$0x1] =	stream.indirect.gather [hbm4b:s7+s23], $0x80, s10, s23, $0xb8;
	[tilespmem:$0x1E400] =	vst v63  }
0x1cd: {  	s11 =	simm.s32 $0x1480  }
0x1ce: {  	[spmem:s2] =	stream.indirect.scatter.add.f32 [tilespmem:s26], [sflag:$0x3], $0x80, s11, s23, $0xb8;
	[tilespmem:$0x1E400] =	vst v63  }
0x1cf: {  	_ =	swait.ge [sflag:s21], $0x4000  }
0x1d0: {  	s1 =	simm.s32 $0x800;
	[sflag:s21] =	ssyncset.done $0x0  }
.LBB2_16:
0x1d1: {  	p1 =	sne.s32 s1, $0x4C00  }
0x1d2: {  	[sflag:s21] =	ssyncadd.s32 $0xFFFFC000;
	s10 =	smov.u32 s1;
	s1 =	sadd.s32 $0x400, s1  }
0x1d3: {  	_ = 	snop  }
0x1d4: {  	_ =	swait.ge [sflag:s25], $0x4000  }
0x1d5: {  	s10 =	sshra.s32 s10, $0x2;
	[sflag:s25] =	ssyncset.done $0x0  }
0x1d6: {  	s11 =	sadd.s32 $0xFFFFFF80, s10;
	[sflag:s25] =	ssyncadd.s32 $0xFFFFC000  }
0x1d7: {  	[tilespmem:s26], [sflag:$0x2] =	stream.indirect.gather [hbm4b:s7+s23], $0x80, s11, s23, $0xb8;
	[tilespmem:$0x1E400] =	vst v63  }
0x1d8: {  	s11 =	sadd.s32 $0x1300, s10  }
0x1d9: {  	[spmem:s2] =	stream.indirect.scatter.add.f32 [tilespmem:s24], [sflag:$0x3], $0x80, s11, s23, $0xb8;
	[tilespmem:$0x1E400] =	vst v63  }
0x1da: {  	_ =	swait.ge [sflag:s21], $0x4000  }
0x1db: {  	[sflag:s21] =	ssyncset.done $0x0  }
0x1dc: {  	[sflag:s21] =	ssyncadd.s32 $0xFFFFC000  }
0x1dd: {  	_ =	swait.ge [sflag:s28], $0x4000  }
0x1de: {  	[sflag:s28] =	ssyncset.done $0x0  }
0x1df: {  	[sflag:s28] =	ssyncadd.s32 $0xFFFFC000  }
0x1e0: {  	[tilespmem:s24], [sflag:$0x1] =	stream.indirect.gather [hbm4b:s7+s23], $0x80, s10, s23, $0xb8;
	[tilespmem:$0x1E400] =	vst v63  }
.Ltmp10:
0x1e1: {  	_ = 	snop;
	(pc) =	sbr.rel @p1 .LBB2_16-.Ltmp10, $4  }
0x1e2: {  	s10 =	sadd.s32 $0x1380, s10  }
0x1e3: {  	[spmem:s2] =	stream.indirect.scatter.add.f32 [tilespmem:s26], [sflag:$0x3], $0x80, s10, s23, $0xb8;
	[tilespmem:$0x1E400] =	vst v63  }
0x1e4: {  	_ =	swait.ge [sflag:s21], $0x4000  }
0x1e5: {  	[sflag:s21] =	ssyncset.done $0x0  }
0x1e6: {  	[sflag:s21] =	ssyncadd.s32 $0xFFFFC000  }
0x1e7: {  	_ =	swait.ge [sflag:s25], $0x4000  }
0x1e8: {  	[sflag:s25] =	ssyncset.done $0x0  }
0x1e9: {  	[sflag:s25] =	ssyncadd.s32 $0xFFFFC000  }
0x1ea: {  	[tilespmem:s26], [sflag:$0x2] =	stream.indirect.gather [hbm4b:s7+s23], $0x80, s29, s23, $0xb8;
	[tilespmem:$0x1E400] =	vst v63  }
0x1eb: {  	_ = 	snop  }
0x1ec: {  	[spmem:s2] =	stream.indirect.scatter.add.f32 [tilespmem:s24], [sflag:$0x3], $0x80, s30, s23, $0xb8;
	[tilespmem:$0x1E400] =	vst v63  }
0x1ed: {  	_ =	swait.ge [sflag:s21], $0x4000  }
0x1ee: {  	[sflag:s21] =	ssyncset.done $0x0  }
0x1ef: {  	[sflag:s21] =	ssyncadd.s32 $0xFFFFC000  }
0x1f0: {  	_ =	swait.ge [sflag:s28], $0x4000  }
0x1f1: {  	[sflag:s28] =	ssyncset.done $0x0  }
0x1f2: {  	[sflag:s28] =	ssyncadd.s32 $0xFFFFC000  }
0x1f3: {  	[spmem:s2] =	stream.indirect.scatter.add.f32 [tilespmem:s26], [sflag:$0x3], $0x80, s31, s23, $0xb8;
	[tilespmem:$0x1E400] =	vst v63  }
0x1f4: {  	_ =	swait.ge [sflag:s21], $0x4000  }
0x1f5: {  	[sflag:s21] =	ssyncset.done $0x0  }
0x1f6: {  	[sflag:s21] =	ssyncadd.s32 $0xFFFFC000  }
0x1f7: {  	[tilespmem:s3], [sflag:$0x3] =	stream.linear.gather [hbm4b:s14+s3], $0x1400, $0x38;
	[tilespmem:$0x1E400] =	vst v63  }
0x1f8: {  	_ =	swait.ge [sflag:s21], $0x1400  }
0x1f9: {  	[sflag:s21] =	ssyncset.done $0x0  }
0x1fa: {  	[sflag:s21] =	ssyncadd.s32 $0xFFFFEC00  }
0x1fb: {  	[tilespmem:s22], [sflag:$0x3] =	stream.linear.gather [hbm4b:s15+s3], $0x1400, $0x38;
	[tilespmem:$0x1E400] =	vst v63  }
0x1fc: {  	_ =	swait.ge [sflag:s21], $0x1400  }
0x1fd: {  	[sflag:s21] =	ssyncset.done $0x0  }
0x1fe: {  	[sflag:s21] =	ssyncadd.s32 $0xFFFFEC00  }
0x1ff: {  	[tilespmem:s24], [sflag:$0x1] =	stream.indirect.gather [hbm4b:s7+s23], $0x80, s3, s23, $0xb8;
	[tilespmem:$0x1E400] =	vst v63  }
0x200: {  	_ =	swait.ge [sflag:s25], $0x4000  }
0x201: {  	[sflag:s25] =	ssyncset.done $0x0  }
0x202: {  	s1 =	simm.s32 $0x80;
	[sflag:s25] =	ssyncadd.s32 $0xFFFFC000  }
0x203: {  	[tilespmem:s26], [sflag:$0x2] =	stream.indirect.gather [hbm4b:s7+s23], $0x80, s1, s23, $0xb8;
	[tilespmem:$0x1E400] =	vst v63  }
0x204: {  	s11 =	simm.s32 $0x1400  }
0x205: {  	[spmem:s2] =	stream.indirect.scatter.add.f32 [tilespmem:s24], [sflag:$0x3], $0x80, s11, s23, $0xb8;
	[tilespmem:$0x1E400] =	vst v63  }
0x206: {  	_ =	swait.ge [sflag:s21], $0x4000  }
0x207: {  	[sflag:s21] =	ssyncset.done $0x0  }
0x208: {  	[sflag:s21] =	ssyncadd.s32 $0xFFFFC000  }
0x209: {  	_ =	swait.ge [sflag:s28], $0x4000  }
0x20a: {  	[sflag:s28] =	ssyncset.done $0x0  }
0x20b: {  	s10 =	simm.s32 $0x100;
	[sflag:s28] =	ssyncadd.s32 $0xFFFFC000  }
0x20c: {  	[tilespmem:s24], [sflag:$0x1] =	stream.indirect.gather [hbm4b:s7+s23], $0x80, s10, s23, $0xb8;
	[tilespmem:$0x1E400] =	vst v63  }
0x20d: {  	s11 =	simm.s32 $0x1480  }
0x20e: {  	[spmem:s2] =	stream.indirect.scatter.add.f32 [tilespmem:s26], [sflag:$0x3], $0x80, s11, s23, $0xb8;
	[tilespmem:$0x1E400] =	vst v63  }
0x20f: {  	_ =	swait.ge [sflag:s21], $0x4000  }
0x210: {  	s1 =	simm.s32 $0x800;
	[sflag:s21] =	ssyncset.done $0x0  }
.LBB2_18:
0x211: {  	p1 =	sne.s32 s1, $0x4C00  }
0x212: {  	[sflag:s21] =	ssyncadd.s32 $0xFFFFC000;
	s10 =	smov.u32 s1;
	s1 =	sadd.s32 $0x400, s1  }
0x213: {  	_ = 	snop  }
0x214: {  	_ =	swait.ge [sflag:s25], $0x4000  }
0x215: {  	s10 =	sshra.s32 s10, $0x2;
	[sflag:s25] =	ssyncset.done $0x0  }
0x216: {  	s11 =	sadd.s32 $0xFFFFFF80, s10;
	[sflag:s25] =	ssyncadd.s32 $0xFFFFC000  }
0x217: {  	[tilespmem:s26], [sflag:$0x2] =	stream.indirect.gather [hbm4b:s7+s23], $0x80, s11, s23, $0xb8;
	[tilespmem:$0x1E400] =	vst v63  }
0x218: {  	s11 =	sadd.s32 $0x1300, s10  }
0x219: {  	[spmem:s2] =	stream.indirect.scatter.add.f32 [tilespmem:s24], [sflag:$0x3], $0x80, s11, s23, $0xb8;
	[tilespmem:$0x1E400] =	vst v63  }
0x21a: {  	_ =	swait.ge [sflag:s21], $0x4000  }
0x21b: {  	[sflag:s21] =	ssyncset.done $0x0  }
0x21c: {  	[sflag:s21] =	ssyncadd.s32 $0xFFFFC000  }
0x21d: {  	_ =	swait.ge [sflag:s28], $0x4000  }
0x21e: {  	[sflag:s28] =	ssyncset.done $0x0  }
0x21f: {  	[sflag:s28] =	ssyncadd.s32 $0xFFFFC000  }
0x220: {  	[tilespmem:s24], [sflag:$0x1] =	stream.indirect.gather [hbm4b:s7+s23], $0x80, s10, s23, $0xb8;
	[tilespmem:$0x1E400] =	vst v63  }
.Ltmp11:
0x221: {  	_ = 	snop;
	(pc) =	sbr.rel @p1 .LBB2_18-.Ltmp11, $4  }
0x222: {  	s10 =	sadd.s32 $0x1380, s10  }
0x223: {  	[spmem:s2] =	stream.indirect.scatter.add.f32 [tilespmem:s26], [sflag:$0x3], $0x80, s10, s23, $0xb8;
	[tilespmem:$0x1E400] =	vst v63  }
0x224: {  	_ =	swait.ge [sflag:s21], $0x4000  }
0x225: {  	[sflag:s21] =	ssyncset.done $0x0  }
.Ltmp12:
0x226: {  	_ = 	snop;
	(pc) =	sbr.rel .LBB2_19-.Ltmp12, $1  }
0x227: {  	_ =	sdelay $0x3  }
.LBB2_21:
0x228: {  	_ =	sfence.sel $0x180000  }
0x229: {  	[bflag:$0x0] =	sbarrier.arrive $0xFFFF  }
0x22a: {  	_ =	strace $0x9000004A  }
0x22b: {  	s0 =	stileid.u32;
	[bflag:$0x2] =	sbarrier.arrive $0xFFFF  }
0x22c: {  	p0 =	sne.s32 s0, $0x0;
	s0 =	rddreg [dreg:$0x2]  }
0x22d: {  	s0 =	sadd.s32 @!p0 $0x100000, s0  }
0x22e: {  	[sflag:s0] =	ssyncadd.tile.s32 @!p0 $0x1;
	_ =	shalt  }
.Lfunc_end2:
_tile_overlayer_lowered:
.L_overlay_start_2:
0x22f: {  	(tag) =	ssettag $0x2  }
0x230: {  	s0 =	rddreg [dreg:$0x0];
	s2 =	stileid.u32  }
0x231: {  	s1 =	rddreg [dreg:$0x1];
	p0 =	sne.s32 s2, $0x0  }
0x232: {  	s3 =	rddreg [dreg:$0x2];
	[bflag:$0x3] =	sbarrier.arrive $0xFFFF;
	s2 =	simm.s32 @!p0 $0x1C03  }
0x233: {  	[timem:s3], [sflag:s2] =	dma.local @!p0 [hbm:s0], s1  }
0x234: {  	s0 =	simm.s32 @!p0 $0x3  }
0x235: {  	_ =	swait.ge @!p0 [sflag:s0], s1  }
0x236: {  	s1 =	ssub.s32 @!p0 $0x0, s1;
	[sflag:s0] =	ssyncset.done @!p0 $0x0  }
0x237: {  	[sflag:s0] =	ssyncadd.s32 @!p0 s1  }
0x238: {  	[bflag:$0x3] =	sbarrier.arrive $0xFFFF  }
0x239: {  	_ =	shalt  }

</sc_bundles>
